<compile_context>
chip_gen: v7x
topology: tpu7x:2x2x1
jax: 0.10.2.dev20260603
libtpu: 0.0.44.dev20260713+nightly
codegen_flags: <defaults>
</compile_context>

<pallas_src>
import functools

import jax
import jax.numpy as jnp
from jax import lax
from jax.experimental import pallas as pl
from jax.experimental.pallas import tpu as pltpu
from jax.experimental.pallas import tpu_sc as plsc

_BATCH = 4
_SEQ = 8192
_DIM = 768
_NC = 2
_NS = 16
_NW = _NC * _NS
_LANES = 16

_POS_PER_W = _SEQ // _NW
_ROWS = 32
_CHUNKS = _POS_PER_W // _ROWS
_CHUNK_ELEMS = _ROWS * _DIM


def _sc_add_kernel(x_hbm, enc_hbm, out_hbm, be, bx, sem):
    wid = lax.axis_index("s") * _NC + lax.axis_index("c")
    pos_base = wid * _POS_PER_W

    for chunk in range(_CHUNKS):
        pos0 = pos_base + chunk * _ROWS
        ebase = pos0 * _DIM
        pltpu.sync_copy(enc_hbm.at[pl.ds(ebase, _CHUNK_ELEMS)], be)
        for b in range(_BATCH):
            xbase = (b * _SEQ + pos0) * _DIM
            pltpu.sync_copy(x_hbm.at[pl.ds(xbase, _CHUNK_ELEMS)], bx)

            def body(k, _):
                sl = pl.ds(k * _LANES, _LANES)
                bx[sl] = bx[sl] + be[sl]
                return 0

            lax.fori_loop(0, _CHUNK_ELEMS // _LANES, body, 0)
            pltpu.sync_copy(bx, out_hbm.at[pl.ds(xbase, _CHUNK_ELEMS)])


@jax.jit
def _sc_add(x_flat, enc_flat):
    mesh = plsc.VectorSubcoreMesh(core_axis_name="c", subcore_axis_name="s")
    run = functools.partial(
        pl.kernel,
        mesh=mesh,
        out_type=jax.ShapeDtypeStruct((_BATCH * _SEQ * _DIM,), jnp.float32),
        scratch_types=[
            pltpu.VMEM((_CHUNK_ELEMS,), jnp.float32),
            pltpu.VMEM((_CHUNK_ELEMS,), jnp.float32),
            pltpu.SemaphoreType.DMA,
        ],
    )(_sc_add_kernel)
    return run(x_flat, enc_flat)


def kernel(x, encoding):
    n, s, d = x.shape
    out_flat = _sc_add(x.reshape(-1), encoding.reshape(-1))
    return out_flat.reshape(n, s, d)

# --- scband reference (transcript-rebuilt; emitter-appended) ---
"""Pipeline reference for scband-positional-encoding-7138235646549 (READ-ONLY COPY).

The authoritative reference and input builder live on the scoring server;
editing this copy changes nothing except your own understanding.
"""

import jax, jax.numpy as jnp
import numpy as np

EMBED_DIM = 768
MAX_LEN = 8192
BATCH = 4
SEQ = 8192

def setup_inputs(seed: int = 0) -> dict:
    key = jax.random.key(seed)
    k1, k2 = jax.random.split(key)
    x = jax.random.normal(k1, (BATCH, SEQ, EMBED_DIM), dtype=jnp.float32)
    # learned positional embedding table, nn.Embedding default init ~ N(0, 1)
    encoding = jax.random.normal(k2, (MAX_LEN, EMBED_DIM), dtype=jnp.float32)
    return {"x": x, "encoding": encoding}

def reference(x, encoding):
    N, S, D = x.shape
    positions = jnp.arange(S, dtype=jnp.int32)
    pos_emb = jnp.take(encoding, positions, axis=0)  # gather [S, D]
    output = x + pos_emb[None, :, :]
    # dropout is identity in eval/inference mode (deterministic reference)
    return output

if __name__ == "__main__":
    import jax
    _d = setup_inputs()
    print(jax.jit(kernel)(*tuple(_d.values())))

</pallas_src>

<mosaic_0001>
#map = affine_map<(d0, d1) -> (0)>
module attributes {stable_mosaic.version = 14 : i64} {
  func.func @_sc_add_kernel(%arg0: i32, %arg1: i32, %arg2: memref<25165824xf32, #tpu.memory_space<hbm>>, %arg3: memref<6291456xf32, #tpu.memory_space<hbm>>, %arg4: memref<25165824xf32, #tpu.memory_space<hbm>>, %arg5: memref<24576xf32, #tpu.memory_space<vmem>>, %arg6: memref<24576xf32, #tpu.memory_space<vmem>>, %arg7: memref<!tpu.dma_semaphore, #tpu.memory_space<semaphore_mem>>) attributes {dimension_semantics = [#tpu.dimension_semantics<core_parallel>, #tpu.dimension_semantics<subcore_parallel>], iteration_bounds = array<i64: 2, 16>, scalar_prefetch = 0 : i64, scratch_operands = 3 : i64, tpu.core_type = #tpu.core_type<sc_vector_subcore>, window_params = [{transform_indices = #map}, {transform_indices = #map}, {transform_indices = #map}]} {
    %mul3A = arith.constant 2 : i32
    %mul3A_0 = arith.muli %arg1, %mul3A : i32
    %add3A = arith.addi %mul3A_0, %arg0 : i32
    %mul3A_1 = arith.constant 256 : i32
    %mul3A_2 = arith.muli %add3A, %mul3A_1 : i32
    %add3A_3 = arith.constant 0 : i32
    %add3A_4 = arith.addi %mul3A_2, %add3A_3 : i32
    %mul3A_5 = arith.constant 768 : i32
    %mul3A_6 = arith.muli %add3A_4, %mul3A_5 : i32
    "tpu.region"() ({
      %run_scoped3A = tpu.sem_alloc : memref<!tpu.dma_semaphore, #tpu.memory_space<semaphore_mem>>
      %dma_start3A = tpu.memref_slice %arg3[%mul3A_6] : memref<6291456xf32, #tpu.memory_space<hbm>> -> memref<24576xf32, #tpu.memory_space<hbm>>
      %dma_start3A_386 = tpu.memref_slice %arg3[%mul3A_6] : memref<6291456xf32, #tpu.memory_space<hbm>> -> memref<24576xf32, #tpu.memory_space<hbm>>
      tpu.enqueue_dma source(%dma_start3A_386 : memref<24576xf32, #tpu.memory_space<hbm>>) target(%arg5 : memref<24576xf32, #tpu.memory_space<vmem>>) target_semaphore(%run_scoped3A : memref<!tpu.dma_semaphore, #tpu.memory_space<semaphore_mem>>)
      %dma_wait3A = tpu.memref_slice %arg3[%mul3A_6] : memref<6291456xf32, #tpu.memory_space<hbm>> -> memref<24576xf32, #tpu.memory_space<hbm>>
      %dma_wait3A_387 = tpu.memref_slice %arg3[%mul3A_6] : memref<6291456xf32, #tpu.memory_space<hbm>> -> memref<24576xf32, #tpu.memory_space<hbm>>
      tpu.wait_dma2 semaphore(%run_scoped3A : memref<!tpu.dma_semaphore, #tpu.memory_space<semaphore_mem>>) src(%dma_wait3A_387 : memref<24576xf32, #tpu.memory_space<hbm>>) dst(%arg5 : memref<24576xf32, #tpu.memory_space<vmem>>)
      tpu.yield
    }) : () -> ()
    %add3A_7 = arith.constant 0 : i32
    %add3A_8 = arith.addi %add3A_7, %add3A_4 : i32
    %mul3A_9 = arith.constant 768 : i32
    %mul3A_10 = arith.muli %add3A_8, %mul3A_9 : i32
    "tpu.region"() ({
      %run_scoped3A = tpu.sem_alloc : memref<!tpu.dma_semaphore, #tpu.memory_space<semaphore_mem>>
      %dma_start3A = tpu.memref_slice %arg2[%mul3A_10] : memref<25165824xf32, #tpu.memory_space<hbm>> -> memref<24576xf32, #tpu.memory_space<hbm>>
      %dma_start3A_386 = tpu.memref_slice %arg2[%mul3A_10] : memref<25165824xf32, #tpu.memory_space<hbm>> -> memref<24576xf32, #tpu.memory_space<hbm>>
      tpu.enqueue_dma source(%dma_start3A_386 : memref<24576xf32, #tpu.memory_space<hbm>>) target(%arg6 : memref<24576xf32, #tpu.memory_space<vmem>>) target_semaphore(%run_scoped3A : memref<!tpu.dma_semaphore, #tpu.memory_space<semaphore_mem>>)
      %dma_wait3A = tpu.memref_slice %arg2[%mul3A_10] : memref<25165824xf32, #tpu.memory_space<hbm>> -> memref<24576xf32, #tpu.memory_space<hbm>>
      %dma_wait3A_387 = tpu.memref_slice %arg2[%mul3A_10] : memref<25165824xf32, #tpu.memory_space<hbm>> -> memref<24576xf32, #tpu.memory_space<hbm>>
      tpu.wait_dma2 semaphore(%run_scoped3A : memref<!tpu.dma_semaphore, #tpu.memory_space<semaphore_mem>>) src(%dma_wait3A_387 : memref<24576xf32, #tpu.memory_space<hbm>>) dst(%arg6 : memref<24576xf32, #tpu.memory_space<vmem>>)
      tpu.yield
    }) : () -> ()
    %scan3A = arith.constant 0 : i32
    %scan3A_11 = arith.constant 0 : i32
    %scan3A_12 = arith.constant 1536 : i32
    %scan3A_13 = arith.addi %scan3A_11, %scan3A_12 : i32
    %scan3A_14 = arith.constant 1 : i32
    %scan3A_15 = scf.for %scan3A_386 = %scan3A_11 to %scan3A_13 step %scan3A_14 iter_args(%scan3A_387 = %scan3A) -> (i32)  : i32 {
      %mul3A_388 = arith.constant 16 : i32
      %mul3A_389 = arith.muli %scan3A_386, %mul3A_388 : i32
      %get3A = arith.index_cast %mul3A_389 : i32 to index
      %get3A_390 = tpu.vector_load %arg6[%get3A] {strides = array<i32>} : memref<24576xf32, #tpu.memory_space<vmem>>, vector<16xf32>,
      %get3A_391 = vector.shape_cast %get3A_390 : vector<16xf32> to vector<16xf32>
      %get3A_392 = arith.index_cast %mul3A_389 : i32 to index
      %get3A_393 = tpu.vector_load %arg5[%get3A_392] {strides = array<i32>} : memref<24576xf32, #tpu.memory_space<vmem>>, vector<16xf32>,
      %get3A_394 = vector.shape_cast %get3A_393 : vector<16xf32> to vector<16xf32>
      %add3A_395 = arith.addf %get3A_391, %get3A_394 : vector<16xf32>
      %swap3A = arith.index_cast %mul3A_389 : i32 to index
      %swap3A_396 = tpu.vector_load %arg6[%swap3A] {strides = array<i32>} : memref<24576xf32, #tpu.memory_space<vmem>>, vector<16xf32>,
      %swap3A_397 = vector.shape_cast %swap3A_396 : vector<16xf32> to vector<16xf32>
      %swap3A_398 = vector.shape_cast %add3A_395 : vector<16xf32> to vector<16xf32>
      tpu.vector_store %arg6[%swap3A], %swap3A_398 {strides = array<i32>} : memref<24576xf32, #tpu.memory_space<vmem>>, vector<16xf32>,
      %scan3A_399 = arith.constant 0 : i32
      scf.yield %scan3A_399 : i32
    }
    %scan3A_16 = arith.constant 1536 : i32
    "tpu.region"() ({
      %run_scoped3A = tpu.sem_alloc : memref<!tpu.dma_semaphore, #tpu.memory_space<semaphore_mem>>
      %dma_start3A = tpu.memref_slice %arg4[%mul3A_10] : memref<25165824xf32, #tpu.memory_space<hbm>> -> memref<24576xf32, #tpu.memory_space<hbm>>
      %dma_start3A_386 = tpu.memref_slice %arg4[%mul3A_10] : memref<25165824xf32, #tpu.memory_space<hbm>> -> memref<24576xf32, #tpu.memory_space<hbm>>
      tpu.enqueue_dma source(%arg6 : memref<24576xf32, #tpu.memory_space<vmem>>) target(%dma_start3A_386 : memref<24576xf32, #tpu.memory_space<hbm>>) target_semaphore(%run_scoped3A : memref<!tpu.dma_semaphore, #tpu.memory_space<semaphore_mem>>)
      %dma_wait3A = tpu.memref_slice %arg4[%mul3A_10] : memref<25165824xf32, #tpu.memory_space<hbm>> -> memref<24576xf32, #tpu.memory_space<hbm>>
      %dma_wait3A_387 = tpu.memref_slice %arg4[%mul3A_10] : memref<25165824xf32, #tpu.memory_space<hbm>> -> memref<24576xf32, #tpu.memory_space<hbm>>
      tpu.wait_dma2 semaphore(%run_scoped3A : memref<!tpu.dma_semaphore, #tpu.memory_space<semaphore_mem>>) src(%arg6 : memref<24576xf32, #tpu.memory_space<vmem>>) dst(%dma_wait3A_387 : memref<24576xf32, #tpu.memory_space<hbm>>)
      tpu.yield
    }) : () -> ()
    %add3A_17 = arith.constant 8192 : i32
    %add3A_18 = arith.addi %add3A_17, %add3A_4 : i32
    %mul3A_19 = arith.constant 768 : i32
    %mul3A_20 = arith.muli %add3A_18, %mul3A_19 : i32
    "tpu.region"() ({
      %run_scoped3A = tpu.sem_alloc : memref<!tpu.dma_semaphore, #tpu.memory_space<semaphore_mem>>
      %dma_start3A = tpu.memref_slice %arg2[%mul3A_20] : memref<25165824xf32, #tpu.memory_space<hbm>> -> memref<24576xf32, #tpu.memory_space<hbm>>
      %dma_start3A_386 = tpu.memref_slice %arg2[%mul3A_20] : memref<25165824xf32, #tpu.memory_space<hbm>> -> memref<24576xf32, #tpu.memory_space<hbm>>
      tpu.enqueue_dma source(%dma_start3A_386 : memref<24576xf32, #tpu.memory_space<hbm>>) target(%arg6 : memref<24576xf32, #tpu.memory_space<vmem>>) target_semaphore(%run_scoped3A : memref<!tpu.dma_semaphore, #tpu.memory_space<semaphore_mem>>)
      %dma_wait3A = tpu.memref_slice %arg2[%mul3A_20] : memref<25165824xf32, #tpu.memory_space<hbm>> -> memref<24576xf32, #tpu.memory_space<hbm>>
      %dma_wait3A_387 = tpu.memref_slice %arg2[%mul3A_20] : memref<25165824xf32, #tpu.memory_space<hbm>> -> memref<24576xf32, #tpu.memory_space<hbm>>
      tpu.wait_dma2 semaphore(%run_scoped3A : memref<!tpu.dma_semaphore, #tpu.memory_space<semaphore_mem>>) src(%dma_wait3A_387 : memref<24576xf32, #tpu.memory_space<hbm>>) dst(%arg6 : memref<24576xf32, #tpu.memory_space<vmem>>)
      tpu.yield
    }) : () -> ()
    %scan3A_21 = arith.constant 0 : i32
    %scan3A_22 = arith.constant 0 : i32
    %scan3A_23 = arith.constant 1536 : i32
    %scan3A_24 = arith.addi %scan3A_22, %scan3A_23 : i32
    %scan3A_25 = arith.constant 1 : i32
    %scan3A_26 = scf.for %scan3A_386 = %scan3A_22 to %scan3A_24 step %scan3A_25 iter_args(%scan3A_387 = %scan3A_21) -> (i32)  : i32 {
      %mul3A_388 = arith.constant 16 : i32
      %mul3A_389 = arith.muli %scan3A_386, %mul3A_388 : i32
      %get3A = arith.index_cast %mul3A_389 : i32 to index
      %get3A_390 = tpu.vector_load %arg6[%get3A] {strides = array<i32>} : memref<24576xf32, #tpu.memory_space<vmem>>, vector<16xf32>,
      %get3A_391 = vector.shape_cast %get3A_390 : vector<16xf32> to vector<16xf32>
      %get3A_392 = arith.index_cast %mul3A_389 : i32 to index
      %get3A_393 = tpu.vector_load %arg5[%get3A_392] {strides = array<i32>} : memref<24576xf32, #tpu.memory_space<vmem>>, vector<16xf32>,
      %get3A_394 = vector.shape_cast %get3A_393 : vector<16xf32> to vector<16xf32>
      %add3A_395 = arith.addf %get3A_391, %get3A_394 : vector<16xf32>
      %swap3A = arith.index_cast %mul3A_389 : i32 to index
      %swap3A_396 = tpu.vector_load %arg6[%swap3A] {strides = array<i32>} : memref<24576xf32, #tpu.memory_space<vmem>>, vector<16xf32>,
      %swap3A_397 = vector.shape_cast %swap3A_396 : vector<16xf32> to vector<16xf32>
      %swap3A_398 = vector.shape_cast %add3A_395 : vector<16xf32> to vector<16xf32>
      tpu.vector_store %arg6[%swap3A], %swap3A_398 {strides = array<i32>} : memref<24576xf32, #tpu.memory_space<vmem>>, vector<16xf32>,
      %scan3A_399 = arith.constant 0 : i32
      scf.yield %scan3A_399 : i32
    }
    %scan3A_27 = arith.constant 1536 : i32
    "tpu.region"() ({
      %run_scoped3A = tpu.sem_alloc : memref<!tpu.dma_semaphore, #tpu.memory_space<semaphore_mem>>
      %dma_start3A = tpu.memref_slice %arg4[%mul3A_20] : memref<25165824xf32, #tpu.memory_space<hbm>> -> memref<24576xf32, #tpu.memory_space<hbm>>
      %dma_start3A_386 = tpu.memref_slice %arg4[%mul3A_20] : memref<25165824xf32, #tpu.memory_space<hbm>> -> memref<24576xf32, #tpu.memory_space<hbm>>
      tpu.enqueue_dma source(%arg6 : memref<24576xf32, #tpu.memory_space<vmem>>) target(%dma_start3A_386 : memref<24576xf32, #tpu.memory_space<hbm>>) target_semaphore(%run_scoped3A : memref<!tpu.dma_semaphore, #tpu.memory_space<semaphore_mem>>)
      %dma_wait3A = tpu.memref_slice %arg4[%mul3A_20] : memref<25165824xf32, #tpu.memory_space<hbm>> -> memref<24576xf32, #tpu.memory_space<hbm>>
      %dma_wait3A_387 = tpu.memref_slice %arg4[%mul3A_20] : memref<25165824xf32, #tpu.memory_space<hbm>> -> memref<24576xf32, #tpu.memory_space<hbm>>
      tpu.wait_dma2 semaphore(%run_scoped3A : memref<!tpu.dma_semaphore, #tpu.memory_space<semaphore_mem>>) src(%arg6 : memref<24576xf32, #tpu.memory_space<vmem>>) dst(%dma_wait3A_387 : memref<24576xf32, #tpu.memory_space<hbm>>)
      tpu.yield
    }) : () -> ()
    %add3A_28 = arith.constant 16384 : i32
    %add3A_29 = arith.addi %add3A_28, %add3A_4 : i32
    %mul3A_30 = arith.constant 768 : i32
    %mul3A_31 = arith.muli %add3A_29, %mul3A_30 : i32
    "tpu.region"() ({
      %run_scoped3A = tpu.sem_alloc : memref<!tpu.dma_semaphore, #tpu.memory_space<semaphore_mem>>
      %dma_start3A = tpu.memref_slice %arg2[%mul3A_31] : memref<25165824xf32, #tpu.memory_space<hbm>> -> memref<24576xf32, #tpu.memory_space<hbm>>
      %dma_start3A_386 = tpu.memref_slice %arg2[%mul3A_31] : memref<25165824xf32, #tpu.memory_space<hbm>> -> memref<24576xf32, #tpu.memory_space<hbm>>
      tpu.enqueue_dma source(%dma_start3A_386 : memref<24576xf32, #tpu.memory_space<hbm>>) target(%arg6 : memref<24576xf32, #tpu.memory_space<vmem>>) target_semaphore(%run_scoped3A : memref<!tpu.dma_semaphore, #tpu.memory_space<semaphore_mem>>)
      %dma_wait3A = tpu.memref_slice %arg2[%mul3A_31] : memref<25165824xf32, #tpu.memory_space<hbm>> -> memref<24576xf32, #tpu.memory_space<hbm>>
      %dma_wait3A_387 = tpu.memref_slice %arg2[%mul3A_31] : memref<25165824xf32, #tpu.memory_space<hbm>> -> memref<24576xf32, #tpu.memory_space<hbm>>
      tpu.wait_dma2 semaphore(%run_scoped3A : memref<!tpu.dma_semaphore, #tpu.memory_space<semaphore_mem>>) src(%dma_wait3A_387 : memref<24576xf32, #tpu.memory_space<hbm>>) dst(%arg6 : memref<24576xf32, #tpu.memory_space<vmem>>)
      tpu.yield
    }) : () -> ()
    %scan3A_32 = arith.constant 0 : i32
    %scan3A_33 = arith.constant 0 : i32
    %scan3A_34 = arith.constant 1536 : i32
    %scan3A_35 = arith.addi %scan3A_33, %scan3A_34 : i32
    %scan3A_36 = arith.constant 1 : i32
    %scan3A_37 = scf.for %scan3A_386 = %scan3A_33 to %scan3A_35 step %scan3A_36 iter_args(%scan3A_387 = %scan3A_32) -> (i32)  : i32 {
      %mul3A_388 = arith.constant 16 : i32
      %mul3A_389 = arith.muli %scan3A_386, %mul3A_388 : i32
      %get3A = arith.index_cast %mul3A_389 : i32 to index
      %get3A_390 = tpu.vector_load %arg6[%get3A] {strides = array<i32>} : memref<24576xf32, #tpu.memory_space<vmem>>, vector<16xf32>,
      %get3A_391 = vector.shape_cast %get3A_390 : vector<16xf32> to vector<16xf32>
      %get3A_392 = arith.index_cast %mul3A_389 : i32 to index
      %get3A_393 = tpu.vector_load %arg5[%get3A_392] {strides = array<i32>} : memref<24576xf32, #tpu.memory_space<vmem>>, vector<16xf32>,
      %get3A_394 = vector.shape_cast %get3A_393 : vector<16xf32> to vector<16xf32>
      %add3A_395 = arith.addf %get3A_391, %get3A_394 : vector<16xf32>
      %swap3A = arith.index_cast %mul3A_389 : i32 to index
      %swap3A_396 = tpu.vector_load %arg6[%swap3A] {strides = array<i32>} : memref<24576xf32, #tpu.memory_space<vmem>>, vector<16xf32>,
      %swap3A_397 = vector.shape_cast %swap3A_396 : vector<16xf32> to vector<16xf32>
      %swap3A_398 = vector.shape_cast %add3A_395 : vector<16xf32> to vector<16xf32>
      tpu.vector_store %arg6[%swap3A], %swap3A_398 {strides = array<i32>} : memref<24576xf32, #tpu.memory_space<vmem>>, vector<16xf32>,
      %scan3A_399 = arith.constant 0 : i32
      scf.yield %scan3A_399 : i32
    }
    %scan3A_38 = arith.constant 1536 : i32
    "tpu.region"() ({
      %run_scoped3A = tpu.sem_alloc : memref<!tpu.dma_semaphore, #tpu.memory_space<semaphore_mem>>
      %dma_start3A = tpu.memref_slice %arg4[%mul3A_31] : memref<25165824xf32, #tpu.memory_space<hbm>> -> memref<24576xf32, #tpu.memory_space<hbm>>
      %dma_start3A_386 = tpu.memref_slice %arg4[%mul3A_31] : memref<25165824xf32, #tpu.memory_space<hbm>> -> memref<24576xf32, #tpu.memory_space<hbm>>
      tpu.enqueue_dma source(%arg6 : memref<24576xf32, #tpu.memory_space<vmem>>) target(%dma_start3A_386 : memref<24576xf32, #tpu.memory_space<hbm>>) target_semaphore(%run_scoped3A : memref<!tpu.dma_semaphore, #tpu.memory_space<semaphore_mem>>)
      %dma_wait3A = tpu.memref_slice %arg4[%mul3A_31] : memref<25165824xf32, #tpu.memory_space<hbm>> -> memref<24576xf32, #tpu.memory_space<hbm>>
      %dma_wait3A_387 = tpu.memref_slice %arg4[%mul3A_31] : memref<25165824xf32, #tpu.memory_space<hbm>> -> memref<24576xf32, #tpu.memory_space<hbm>>
      tpu.wait_dma2 semaphore(%run_scoped3A : memref<!tpu.dma_semaphore, #tpu.memory_space<semaphore_mem>>) src(%arg6 : memref<24576xf32, #tpu.memory_space<vmem>>) dst(%dma_wait3A_387 : memref<24576xf32, #tpu.memory_space<hbm>>)
      tpu.yield
    }) : () -> ()
    %add3A_39 = arith.constant 24576 : i32
    %add3A_40 = arith.addi %add3A_39, %add3A_4 : i32
    %mul3A_41 = arith.constant 768 : i32
    %mul3A_42 = arith.muli %add3A_40, %mul3A_41 : i32
    "tpu.region"() ({
      %run_scoped3A = tpu.sem_alloc : memref<!tpu.dma_semaphore, #tpu.memory_space<semaphore_mem>>
      %dma_start3A = tpu.memref_slice %arg2[%mul3A_42] : memref<25165824xf32, #tpu.memory_space<hbm>> -> memref<24576xf32, #tpu.memory_space<hbm>>
      %dma_start3A_386 = tpu.memref_slice %arg2[%mul3A_42] : memref<25165824xf32, #tpu.memory_space<hbm>> -> memref<24576xf32, #tpu.memory_space<hbm>>
      tpu.enqueue_dma source(%dma_start3A_386 : memref<24576xf32, #tpu.memory_space<hbm>>) target(%arg6 : memref<24576xf32, #tpu.memory_space<vmem>>) target_semaphore(%run_scoped3A : memref<!tpu.dma_semaphore, #tpu.memory_space<semaphore_mem>>)
      %dma_wait3A = tpu.memref_slice %arg2[%mul3A_42] : memref<25165824xf32, #tpu.memory_space<hbm>> -> memref<24576xf32, #tpu.memory_space<hbm>>
      %dma_wait3A_387 = tpu.memref_slice %arg2[%mul3A_42] : memref<25165824xf32, #tpu.memory_space<hbm>> -> memref<24576xf32, #tpu.memory_space<hbm>>
      tpu.wait_dma2 semaphore(%run_scoped3A : memref<!tpu.dma_semaphore, #tpu.memory_space<semaphore_mem>>) src(%dma_wait3A_387 : memref<24576xf32, #tpu.memory_space<hbm>>) dst(%arg6 : memref<24576xf32, #tpu.memory_space<vmem>>)
      tpu.yield
    }) : () -> ()
    %scan3A_43 = arith.constant 0 : i32
    %scan3A_44 = arith.constant 0 : i32
    %scan3A_45 = arith.constant 1536 : i32
    %scan3A_46 = arith.addi %scan3A_44, %scan3A_45 : i32
    %scan3A_47 = arith.constant 1 : i32
    %scan3A_48 = scf.for %scan3A_386 = %scan3A_44 to %scan3A_46 step %scan3A_47 iter_args(%scan3A_387 = %scan3A_43) -> (i32)  : i32 {
      %mul3A_388 = arith.constant 16 : i32
      %mul3A_389 = arith.muli %scan3A_386, %mul3A_388 : i32
      %get3A = arith.index_cast %mul3A_389 : i32 to index
      %get3A_390 = tpu.vector_load %arg6[%get3A] {strides = array<i32>} : memref<24576xf32, #tpu.memory_space<vmem>>, vector<16xf32>,
      %get3A_391 = vector.shape_cast %get3A_390 : vector<16xf32> to vector<16xf32>
      %get3A_392 = arith.index_cast %mul3A_389 : i32 to index
      %get3A_393 = tpu.vector_load %arg5[%get3A_392] {strides = array<i32>} : memref<24576xf32, #tpu.memory_space<vmem>>, vector<16xf32>,
      %get3A_394 = vector.shape_cast %get3A_393 : vector<16xf32> to vector<16xf32>
      %add3A_395 = arith.addf %get3A_391, %get3A_394 : vector<16xf32>
      %swap3A = arith.index_cast %mul3A_389 : i32 to index
      %swap3A_396 = tpu.vector_load %arg6[%swap3A] {strides = array<i32>} : memref<24576xf32, #tpu.memory_space<vmem>>, vector<16xf32>,
      %swap3A_397 = vector.shape_cast %swap3A_396 : vector<16xf32> to vector<16xf32>
      %swap3A_398 = vector.shape_cast %add3A_395 : vector<16xf32> to vector<16xf32>
      tpu.vector_store %arg6[%swap3A], %swap3A_398 {strides = array<i32>} : memref<24576xf32, #tpu.memory_space<vmem>>, vector<16xf32>,
      %scan3A_399 = arith.constant 0 : i32
      scf.yield %scan3A_399 : i32
    }
    %scan3A_49 = arith.constant 1536 : i32
    "tpu.region"() ({
      %run_scoped3A = tpu.sem_alloc : memref<!tpu.dma_semaphore, #tpu.memory_space<semaphore_mem>>
      %dma_start3A = tpu.memref_slice %arg4[%mul3A_42] : memref<25165824xf32, #tpu.memory_space<hbm>> -> memref<24576xf32, #tpu.memory_space<hbm>>
      %dma_start3A_386 = tpu.memref_slice %arg4[%mul3A_42] : memref<25165824xf32, #tpu.memory_space<hbm>> -> memref<24576xf32, #tpu.memory_space<hbm>>
      tpu.enqueue_dma source(%arg6 : memref<24576xf32, #tpu.memory_space<vmem>>) target(%dma_start3A_386 : memref<24576xf32, #tpu.memory_space<hbm>>) target_semaphore(%run_scoped3A : memref<!tpu.dma_semaphore, #tpu.memory_space<semaphore_mem>>)
      %dma_wait3A = tpu.memref_slice %arg4[%mul3A_42] : memref<25165824xf32, #tpu.memory_space<hbm>> -> memref<24576xf32, #tpu.memory_space<hbm>>
      %dma_wait3A_387 = tpu.memref_slice %arg4[%mul3A_42] : memref<25165824xf32, #tpu.memory_space<hbm>> -> memref<24576xf32, #tpu.memory_space<hbm>>
      tpu.wait_dma2 semaphore(%run_scoped3A : memref<!tpu.dma_semaphore, #tpu.memory_space<semaphore_mem>>) src(%arg6 : memref<24576xf32, #tpu.memory_space<vmem>>) dst(%dma_wait3A_387 : memref<24576xf32, #tpu.memory_space<hbm>>)
      tpu.yield
    }) : () -> ()
    %add3A_50 = arith.constant 32 : i32
    %add3A_51 = arith.addi %mul3A_2, %add3A_50 : i32
    %mul3A_52 = arith.constant 768 : i32
    %mul3A_53 = arith.muli %add3A_51, %mul3A_52 : i32
    "tpu.region"() ({
      %run_scoped3A = tpu.sem_alloc : memref<!tpu.dma_semaphore, #tpu.memory_space<semaphore_mem>>
      %dma_start3A = tpu.memref_slice %arg3[%mul3A_53] : memref<6291456xf32, #tpu.memory_space<hbm>> -> memref<24576xf32, #tpu.memory_space<hbm>>
      %dma_start3A_386 = tpu.memref_slice %arg3[%mul3A_53] : memref<6291456xf32, #tpu.memory_space<hbm>> -> memref<24576xf32, #tpu.memory_space<hbm>>
      tpu.enqueue_dma source(%dma_start3A_386 : memref<24576xf32, #tpu.memory_space<hbm>>) target(%arg5 : memref<24576xf32, #tpu.memory_space<vmem>>) target_semaphore(%run_scoped3A : memref<!tpu.dma_semaphore, #tpu.memory_space<semaphore_mem>>)
      %dma_wait3A = tpu.memref_slice %arg3[%mul3A_53] : memref<6291456xf32, #tpu.memory_space<hbm>> -> memref<24576xf32, #tpu.memory_space<hbm>>
      %dma_wait3A_387 = tpu.memref_slice %arg3[%mul3A_53] : memref<6291456xf32, #tpu.memory_space<hbm>> -> memref<24576xf32, #tpu.memory_space<hbm>>
      tpu.wait_dma2 semaphore(%run_scoped3A : memref<!tpu.dma_semaphore, #tpu.memory_space<semaphore_mem>>) src(%dma_wait3A_387 : memref<24576xf32, #tpu.memory_space<hbm>>) dst(%arg5 : memref<24576xf32, #tpu.memory_space<vmem>>)
      tpu.yield
    }) : () -> ()
    %add3A_54 = arith.constant 0 : i32
    %add3A_55 = arith.addi %add3A_54, %add3A_51 : i32
    %mul3A_56 = arith.constant 768 : i32
    %mul3A_57 = arith.muli %add3A_55, %mul3A_56 : i32
    "tpu.region"() ({
      %run_scoped3A = tpu.sem_alloc : memref<!tpu.dma_semaphore, #tpu.memory_space<semaphore_mem>>
      %dma_start3A = tpu.memref_slice %arg2[%mul3A_57] : memref<25165824xf32, #tpu.memory_space<hbm>> -> memref<24576xf32, #tpu.memory_space<hbm>>
      %dma_start3A_386 = tpu.memref_slice %arg2[%mul3A_57] : memref<25165824xf32, #tpu.memory_space<hbm>> -> memref<24576xf32, #tpu.memory_space<hbm>>
      tpu.enqueue_dma source(%dma_start3A_386 : memref<24576xf32, #tpu.memory_space<hbm>>) target(%arg6 : memref<24576xf32, #tpu.memory_space<vmem>>) target_semaphore(%run_scoped3A : memref<!tpu.dma_semaphore, #tpu.memory_space<semaphore_mem>>)
      %dma_wait3A = tpu.memref_slice %arg2[%mul3A_57] : memref<25165824xf32, #tpu.memory_space<hbm>> -> memref<24576xf32, #tpu.memory_space<hbm>>
      %dma_wait3A_387 = tpu.memref_slice %arg2[%mul3A_57] : memref<25165824xf32, #tpu.memory_space<hbm>> -> memref<24576xf32, #tpu.memory_space<hbm>>
      tpu.wait_dma2 semaphore(%run_scoped3A : memref<!tpu.dma_semaphore, #tpu.memory_space<semaphore_mem>>) src(%dma_wait3A_387 : memref<24576xf32, #tpu.memory_space<hbm>>) dst(%arg6 : memref<24576xf32, #tpu.memory_space<vmem>>)
      tpu.yield
    }) : () -> ()
    %scan3A_58 = arith.constant 0 : i32
    %scan3A_59 = arith.constant 0 : i32
    %scan3A_60 = arith.constant 1536 : i32
    %scan3A_61 = arith.addi %scan3A_59, %scan3A_60 : i32
    %scan3A_62 = arith.constant 1 : i32
    %scan3A_63 = scf.for %scan3A_386 = %scan3A_59 to %scan3A_61 step %scan3A_62 iter_args(%scan3A_387 = %scan3A_58) -> (i32)  : i32 {
      %mul3A_388 = arith.constant 16 : i32
      %mul3A_389 = arith.muli %scan3A_386, %mul3A_388 : i32
      %get3A = arith.index_cast %mul3A_389 : i32 to index
      %get3A_390 = tpu.vector_load %arg6[%get3A] {strides = array<i32>} : memref<24576xf32, #tpu.memory_space<vmem>>, vector<16xf32>,
      %get3A_391 = vector.shape_cast %get3A_390 : vector<16xf32> to vector<16xf32>
      %get3A_392 = arith.index_cast %mul3A_389 : i32 to index
      %get3A_393 = tpu.vector_load %arg5[%get3A_392] {strides = array<i32>} : memref<24576xf32, #tpu.memory_space<vmem>>, vector<16xf32>,
      %get3A_394 = vector.shape_cast %get3A_393 : vector<16xf32> to vector<16xf32>
      %add3A_395 = arith.addf %get3A_391, %get3A_394 : vector<16xf32>
      %swap3A = arith.index_cast %mul3A_389 : i32 to index
      %swap3A_396 = tpu.vector_load %arg6[%swap3A] {strides = array<i32>} : memref<24576xf32, #tpu.memory_space<vmem>>, vector<16xf32>,
      %swap3A_397 = vector.shape_cast %swap3A_396 : vector<16xf32> to vector<16xf32>
      %swap3A_398 = vector.shape_cast %add3A_395 : vector<16xf32> to vector<16xf32>
      tpu.vector_store %arg6[%swap3A], %swap3A_398 {strides = array<i32>} : memref<24576xf32, #tpu.memory_space<vmem>>, vector<16xf32>,
      %scan3A_399 = arith.constant 0 : i32
      scf.yield %scan3A_399 : i32
    }
    %scan3A_64 = arith.constant 1536 : i32
    "tpu.region"() ({
      %run_scoped3A = tpu.sem_alloc : memref<!tpu.dma_semaphore, #tpu.memory_space<semaphore_mem>>
      %dma_start3A = tpu.memref_slice %arg4[%mul3A_57] : memref<25165824xf32, #tpu.memory_space<hbm>> -> memref<24576xf32, #tpu.memory_space<hbm>>
      %dma_start3A_386 = tpu.memref_slice %arg4[%mul3A_57] : memref<25165824xf32, #tpu.memory_space<hbm>> -> memref<24576xf32, #tpu.memory_space<hbm>>
      tpu.enqueue_dma source(%arg6 : memref<24576xf32, #tpu.memory_space<vmem>>) target(%dma_start3A_386 : memref<24576xf32, #tpu.memory_space<hbm>>) target_semaphore(%run_scoped3A : memref<!tpu.dma_semaphore, #tpu.memory_space<semaphore_mem>>)
      %dma_wait3A = tpu.memref_slice %arg4[%mul3A_57] : memref<25165824xf32, #tpu.memory_space<hbm>> -> memref<24576xf32, #tpu.memory_space<hbm>>
      %dma_wait3A_387 = tpu.memref_slice %arg4[%mul3A_57] : memref<25165824xf32, #tpu.memory_space<hbm>> -> memref<24576xf32, #tpu.memory_space<hbm>>
      tpu.wait_dma2 semaphore(%run_scoped3A : memref<!tpu.dma_semaphore, #tpu.memory_space<semaphore_mem>>) src(%arg6 : memref<24576xf32, #tpu.memory_space<vmem>>) dst(%dma_wait3A_387 : memref<24576xf32, #tpu.memory_space<hbm>>)
      tpu.yield
    }) : () -> ()
    %add3A_65 = arith.constant 8192 : i32
    %add3A_66 = arith.addi %add3A_65, %add3A_51 : i32
    %mul3A_67 = arith.constant 768 : i32
    %mul3A_68 = arith.muli %add3A_66, %mul3A_67 : i32
    "tpu.region"() ({
      %run_scoped3A = tpu.sem_alloc : memref<!tpu.dma_semaphore, #tpu.memory_space<semaphore_mem>>
      %dma_start3A = tpu.memref_slice %arg2[%mul3A_68] : memref<25165824xf32, #tpu.memory_space<hbm>> -> memref<24576xf32, #tpu.memory_space<hbm>>
      %dma_start3A_386 = tpu.memref_slice %arg2[%mul3A_68] : memref<25165824xf32, #tpu.memory_space<hbm>> -> memref<24576xf32, #tpu.memory_space<hbm>>
      tpu.enqueue_dma source(%dma_start3A_386 : memref<24576xf32, #tpu.memory_space<hbm>>) target(%arg6 : memref<24576xf32, #tpu.memory_space<vmem>>) target_semaphore(%run_scoped3A : memref<!tpu.dma_semaphore, #tpu.memory_space<semaphore_mem>>)
      %dma_wait3A = tpu.memref_slice %arg2[%mul3A_68] : memref<25165824xf32, #tpu.memory_space<hbm>> -> memref<24576xf32, #tpu.memory_space<hbm>>
      %dma_wait3A_387 = tpu.memref_slice %arg2[%mul3A_68] : memref<25165824xf32, #tpu.memory_space<hbm>> -> memref<24576xf32, #tpu.memory_space<hbm>>
      tpu.wait_dma2 semaphore(%run_scoped3A : memref<!tpu.dma_semaphore, #tpu.memory_space<semaphore_mem>>) src(%dma_wait3A_387 : memref<24576xf32, #tpu.memory_space<hbm>>) dst(%arg6 : memref<24576xf32, #tpu.memory_space<vmem>>)
      tpu.yield
    }) : () -> ()
    %scan3A_69 = arith.constant 0 : i32
    %scan3A_70 = arith.constant 0 : i32
    %scan3A_71 = arith.constant 1536 : i32
    %scan3A_72 = arith.addi %scan3A_70, %scan3A_71 : i32
    %scan3A_73 = arith.constant 1 : i32
    %scan3A_74 = scf.for %scan3A_386 = %scan3A_70 to %scan3A_72 step %scan3A_73 iter_args(%scan3A_387 = %scan3A_69) -> (i32)  : i32 {
      %mul3A_388 = arith.constant 16 : i32
      %mul3A_389 = arith.muli %scan3A_386, %mul3A_388 : i32
      %get3A = arith.index_cast %mul3A_389 : i32 to index
      %get3A_390 = tpu.vector_load %arg6[%get3A] {strides = array<i32>} : memref<24576xf32, #tpu.memory_space<vmem>>, vector<16xf32>,
      %get3A_391 = vector.shape_cast %get3A_390 : vector<16xf32> to vector<16xf32>
      %get3A_392 = arith.index_cast %mul3A_389 : i32 to index
      %get3A_393 = tpu.vector_load %arg5[%get3A_392] {strides = array<i32>} : memref<24576xf32, #tpu.memory_space<vmem>>, vector<16xf32>,
      %get3A_394 = vector.shape_cast %get3A_393 : vector<16xf32> to vector<16xf32>
      %add3A_395 = arith.addf %get3A_391, %get3A_394 : vector<16xf32>
      %swap3A = arith.index_cast %mul3A_389 : i32 to index
      %swap3A_396 = tpu.vector_load %arg6[%swap3A] {strides = array<i32>} : memref<24576xf32, #tpu.memory_space<vmem>>, vector<16xf32>,
      %swap3A_397 = vector.shape_cast %swap3A_396 : vector<16xf32> to vector<16xf32>
      %swap3A_398 = vector.shape_cast %add3A_395 : vector<16xf32> to vector<16xf32>
      tpu.vector_store %arg6[%swap3A], %swap3A_398 {strides = array<i32>} : memref<24576xf32, #tpu.memory_space<vmem>>, vector<16xf32>,
      %scan3A_399 = arith.constant 0 : i32
      scf.yield %scan3A_399 : i32
    }
    %scan3A_75 = arith.constant 1536 : i32
    "tpu.region"() ({
      %run_scoped3A = tpu.sem_alloc : memref<!tpu.dma_semaphore, #tpu.memory_space<semaphore_mem>>
      %dma_start3A = tpu.memref_slice %arg4[%mul3A_68] : memref<25165824xf32, #tpu.memory_space<hbm>> -> memref<24576xf32, #tpu.memory_space<hbm>>
      %dma_start3A_386 = tpu.memref_slice %arg4[%mul3A_68] : memref<25165824xf32, #tpu.memory_space<hbm>> -> memref<24576xf32, #tpu.memory_space<hbm>>
      tpu.enqueue_dma source(%arg6 : memref<24576xf32, #tpu.memory_space<vmem>>) target(%dma_start3A_386 : memref<24576xf32, #tpu.memory_space<hbm>>) target_semaphore(%run_scoped3A : memref<!tpu.dma_semaphore, #tpu.memory_space<semaphore_mem>>)
      %dma_wait3A = tpu.memref_slice %arg4[%mul3A_68] : memref<25165824xf32, #tpu.memory_space<hbm>> -> memref<24576xf32, #tpu.memory_space<hbm>>
      %dma_wait3A_387 = tpu.memref_slice %arg4[%mul3A_68] : memref<25165824xf32, #tpu.memory_space<hbm>> -> memref<24576xf32, #tpu.memory_space<hbm>>
      tpu.wait_dma2 semaphore(%run_scoped3A : memref<!tpu.dma_semaphore, #tpu.memory_space<semaphore_mem>>) src(%arg6 : memref<24576xf32, #tpu.memory_space<vmem>>) dst(%dma_wait3A_387 : memref<24576xf32, #tpu.memory_space<hbm>>)
      tpu.yield
    }) : () -> ()
    %add3A_76 = arith.constant 16384 : i32
    %add3A_77 = arith.addi %add3A_76, %add3A_51 : i32
    %mul3A_78 = arith.constant 768 : i32
    %mul3A_79 = arith.muli %add3A_77, %mul3A_78 : i32
    "tpu.region"() ({
      %run_scoped3A = tpu.sem_alloc : memref<!tpu.dma_semaphore, #tpu.memory_space<semaphore_mem>>
      %dma_start3A = tpu.memref_slice %arg2[%mul3A_79] : memref<25165824xf32, #tpu.memory_space<hbm>> -> memref<24576xf32, #tpu.memory_space<hbm>>
      %dma_start3A_386 = tpu.memref_slice %arg2[%mul3A_79] : memref<25165824xf32, #tpu.memory_space<hbm>> -> memref<24576xf32, #tpu.memory_space<hbm>>
      tpu.enqueue_dma source(%dma_start3A_386 : memref<24576xf32, #tpu.memory_space<hbm>>) target(%arg6 : memref<24576xf32, #tpu.memory_space<vmem>>) target_semaphore(%run_scoped3A : memref<!tpu.dma_semaphore, #tpu.memory_space<semaphore_mem>>)
      %dma_wait3A = tpu.memref_slice %arg2[%mul3A_79] : memref<25165824xf32, #tpu.memory_space<hbm>> -> memref<24576xf32, #tpu.memory_space<hbm>>
      %dma_wait3A_387 = tpu.memref_slice %arg2[%mul3A_79] : memref<25165824xf32, #tpu.memory_space<hbm>> -> memref<24576xf32, #tpu.memory_space<hbm>>
      tpu.wait_dma2 semaphore(%run_scoped3A : memref<!tpu.dma_semaphore, #tpu.memory_space<semaphore_mem>>) src(%dma_wait3A_387 : memref<24576xf32, #tpu.memory_space<hbm>>) dst(%arg6 : memref<24576xf32, #tpu.memory_space<vmem>>)
      tpu.yield
    }) : () -> ()
    %scan3A_80 = arith.constant 0 : i32
    %scan3A_81 = arith.constant 0 : i32
    %scan3A_82 = arith.constant 1536 : i32
    %scan3A_83 = arith.addi %scan3A_81, %scan3A_82 : i32
    %scan3A_84 = arith.constant 1 : i32
    %scan3A_85 = scf.for %scan3A_386 = %scan3A_81 to %scan3A_83 step %scan3A_84 iter_args(%scan3A_387 = %scan3A_80) -> (i32)  : i32 {
      %mul3A_388 = arith.constant 16 : i32
      %mul3A_389 = arith.muli %scan3A_386, %mul3A_388 : i32
      %get3A = arith.index_cast %mul3A_389 : i32 to index
      %get3A_390 = tpu.vector_load %arg6[%get3A] {strides = array<i32>} : memref<24576xf32, #tpu.memory_space<vmem>>, vector<16xf32>,
      %get3A_391 = vector.shape_cast %get3A_390 : vector<16xf32> to vector<16xf32>
      %get3A_392 = arith.index_cast %mul3A_389 : i32 to index
      %get3A_393 = tpu.vector_load %arg5[%get3A_392] {strides = array<i32>} : memref<24576xf32, #tpu.memory_space<vmem>>, vector<16xf32>,
      %get3A_394 = vector.shape_cast %get3A_393 : vector<16xf32> to vector<16xf32>
      %add3A_395 = arith.addf %get3A_391, %get3A_394 : vector<16xf32>
      %swap3A = arith.index_cast %mul3A_389 : i32 to index
      %swap3A_396 = tpu.vector_load %arg6[%swap3A] {strides = array<i32>} : memref<24576xf32, #tpu.memory_space<vmem>>, vector<16xf32>,
      %swap3A_397 = vector.shape_cast %swap3A_396 : vector<16xf32> to vector<16xf32>
      %swap3A_398 = vector.shape_cast %add3A_395 : vector<16xf32> to vector<16xf32>
      tpu.vector_store %arg6[%swap3A], %swap3A_398 {strides = array<i32>} : memref<24576xf32, #tpu.memory_space<vmem>>, vector<16xf32>,
      %scan3A_399 = arith.constant 0 : i32
      scf.yield %scan3A_399 : i32
    }
    %scan3A_86 = arith.constant 1536 : i32
    "tpu.region"() ({
      %run_scoped3A = tpu.sem_alloc : memref<!tpu.dma_semaphore, #tpu.memory_space<semaphore_mem>>
      %dma_start3A = tpu.memref_slice %arg4[%mul3A_79] : memref<25165824xf32, #tpu.memory_space<hbm>> -> memref<24576xf32, #tpu.memory_space<hbm>>
      %dma_start3A_386 = tpu.memref_slice %arg4[%mul3A_79] : memref<25165824xf32, #tpu.memory_space<hbm>> -> memref<24576xf32, #tpu.memory_space<hbm>>
      tpu.enqueue_dma source(%arg6 : memref<24576xf32, #tpu.memory_space<vmem>>) target(%dma_start3A_386 : memref<24576xf32, #tpu.memory_space<hbm>>) target_semaphore(%run_scoped3A : memref<!tpu.dma_semaphore, #tpu.memory_space<semaphore_mem>>)
      %dma_wait3A = tpu.memref_slice %arg4[%mul3A_79] : memref<25165824xf32, #tpu.memory_space<hbm>> -> memref<24576xf32, #tpu.memory_space<hbm>>
      %dma_wait3A_387 = tpu.memref_slice %arg4[%mul3A_79] : memref<25165824xf32, #tpu.memory_space<hbm>> -> memref<24576xf32, #tpu.memory_space<hbm>>
      tpu.wait_dma2 semaphore(%run_scoped3A : memref<!tpu.dma_semaphore, #tpu.memory_space<semaphore_mem>>) src(%arg6 : memref<24576xf32, #tpu.memory_space<vmem>>) dst(%dma_wait3A_387 : memref<24576xf32, #tpu.memory_space<hbm>>)
      tpu.yield
    }) : () -> ()
    %add3A_87 = arith.constant 24576 : i32
    %add3A_88 = arith.addi %add3A_87, %add3A_51 : i32
    %mul3A_89 = arith.constant 768 : i32
    %mul3A_90 = arith.muli %add3A_88, %mul3A_89 : i32
    "tpu.region"() ({
      %run_scoped3A = tpu.sem_alloc : memref<!tpu.dma_semaphore, #tpu.memory_space<semaphore_mem>>
      %dma_start3A = tpu.memref_slice %arg2[%mul3A_90] : memref<25165824xf32, #tpu.memory_space<hbm>> -> memref<24576xf32, #tpu.memory_space<hbm>>
      %dma_start3A_386 = tpu.memref_slice %arg2[%mul3A_90] : memref<25165824xf32, #tpu.memory_space<hbm>> -> memref<24576xf32, #tpu.memory_space<hbm>>
      tpu.enqueue_dma source(%dma_start3A_386 : memref<24576xf32, #tpu.memory_space<hbm>>) target(%arg6 : memref<24576xf32, #tpu.memory_space<vmem>>) target_semaphore(%run_scoped3A : memref<!tpu.dma_semaphore, #tpu.memory_space<semaphore_mem>>)
      %dma_wait3A = tpu.memref_slice %arg2[%mul3A_90] : memref<25165824xf32, #tpu.memory_space<hbm>> -> memref<24576xf32, #tpu.memory_space<hbm>>
      %dma_wait3A_387 = tpu.memref_slice %arg2[%mul3A_90] : memref<25165824xf32, #tpu.memory_space<hbm>> -> memref<24576xf32, #tpu.memory_space<hbm>>
      tpu.wait_dma2 semaphore(%run_scoped3A : memref<!tpu.dma_semaphore, #tpu.memory_space<semaphore_mem>>) src(%dma_wait3A_387 : memref<24576xf32, #tpu.memory_space<hbm>>) dst(%arg6 : memref<24576xf32, #tpu.memory_space<vmem>>)
      tpu.yield
    }) : () -> ()
    %scan3A_91 = arith.constant 0 : i32
    %scan3A_92 = arith.constant 0 : i32
    %scan3A_93 = arith.constant 1536 : i32
    %scan3A_94 = arith.addi %scan3A_92, %scan3A_93 : i32
    %scan3A_95 = arith.constant 1 : i32
    %scan3A_96 = scf.for %scan3A_386 = %scan3A_92 to %scan3A_94 step %scan3A_95 iter_args(%scan3A_387 = %scan3A_91) -> (i32)  : i32 {
      %mul3A_388 = arith.constant 16 : i32
      %mul3A_389 = arith.muli %scan3A_386, %mul3A_388 : i32
      %get3A = arith.index_cast %mul3A_389 : i32 to index
      %get3A_390 = tpu.vector_load %arg6[%get3A] {strides = array<i32>} : memref<24576xf32, #tpu.memory_space<vmem>>, vector<16xf32>,
      %get3A_391 = vector.shape_cast %get3A_390 : vector<16xf32> to vector<16xf32>
      %get3A_392 = arith.index_cast %mul3A_389 : i32 to index
      %get3A_393 = tpu.vector_load %arg5[%get3A_392] {strides = array<i32>} : memref<24576xf32, #tpu.memory_space<vmem>>, vector<16xf32>,
      %get3A_394 = vector.shape_cast %get3A_393 : vector<16xf32> to vector<16xf32>
      %add3A_395 = arith.addf %get3A_391, %get3A_394 : vector<16xf32>
      %swap3A = arith.index_cast %mul3A_389 : i32 to index
      %swap3A_396 = tpu.vector_load %arg6[%swap3A] {strides = array<i32>} : memref<24576xf32, #tpu.memory_space<vmem>>, vector<16xf32>,
      %swap3A_397 = vector.shape_cast %swap3A_396 : vector<16xf32> to vector<16xf32>
      %swap3A_398 = vector.shape_cast %add3A_395 : vector<16xf32> to vector<16xf32>
      tpu.vector_store %arg6[%swap3A], %swap3A_398 {strides = array<i32>} : memref<24576xf32, #tpu.memory_space<vmem>>, vector<16xf32>,
      %scan3A_399 = arith.constant 0 : i32
      scf.yield %scan3A_399 : i32
    }
    %scan3A_97 = arith.constant 1536 : i32
    "tpu.region"() ({
      %run_scoped3A = tpu.sem_alloc : memref<!tpu.dma_semaphore, #tpu.memory_space<semaphore_mem>>
      %dma_start3A = tpu.memref_slice %arg4[%mul3A_90] : memref<25165824xf32, #tpu.memory_space<hbm>> -> memref<24576xf32, #tpu.memory_space<hbm>>
      %dma_start3A_386 = tpu.memref_slice %arg4[%mul3A_90] : memref<25165824xf32, #tpu.memory_space<hbm>> -> memref<24576xf32, #tpu.memory_space<hbm>>
      tpu.enqueue_dma source(%arg6 : memref<24576xf32, #tpu.memory_space<vmem>>) target(%dma_start3A_386 : memref<24576xf32, #tpu.memory_space<hbm>>) target_semaphore(%run_scoped3A : memref<!tpu.dma_semaphore, #tpu.memory_space<semaphore_mem>>)
      %dma_wait3A = tpu.memref_slice %arg4[%mul3A_90] : memref<25165824xf32, #tpu.memory_space<hbm>> -> memref<24576xf32, #tpu.memory_space<hbm>>
      %dma_wait3A_387 = tpu.memref_slice %arg4[%mul3A_90] : memref<25165824xf32, #tpu.memory_space<hbm>> -> memref<24576xf32, #tpu.memory_space<hbm>>
      tpu.wait_dma2 semaphore(%run_scoped3A : memref<!tpu.dma_semaphore, #tpu.memory_space<semaphore_mem>>) src(%arg6 : memref<24576xf32, #tpu.memory_space<vmem>>) dst(%dma_wait3A_387 : memref<24576xf32, #tpu.memory_space<hbm>>)
      tpu.yield
    }) : () -> ()
    %add3A_98 = arith.constant 64 : i32
    %add3A_99 = arith.addi %mul3A_2, %add3A_98 : i32
    %mul3A_100 = arith.constant 768 : i32
    %mul3A_101 = arith.muli %add3A_99, %mul3A_100 : i32
    "tpu.region"() ({
      %run_scoped3A = tpu.sem_alloc : memref<!tpu.dma_semaphore, #tpu.memory_space<semaphore_mem>>
      %dma_start3A = tpu.memref_slice %arg3[%mul3A_101] : memref<6291456xf32, #tpu.memory_space<hbm>> -> memref<24576xf32, #tpu.memory_space<hbm>>
      %dma_start3A_386 = tpu.memref_slice %arg3[%mul3A_101] : memref<6291456xf32, #tpu.memory_space<hbm>> -> memref<24576xf32, #tpu.memory_space<hbm>>
      tpu.enqueue_dma source(%dma_start3A_386 : memref<24576xf32, #tpu.memory_space<hbm>>) target(%arg5 : memref<24576xf32, #tpu.memory_space<vmem>>) target_semaphore(%run_scoped3A : memref<!tpu.dma_semaphore, #tpu.memory_space<semaphore_mem>>)
      %dma_wait3A = tpu.memref_slice %arg3[%mul3A_101] : memref<6291456xf32, #tpu.memory_space<hbm>> -> memref<24576xf32, #tpu.memory_space<hbm>>
      %dma_wait3A_387 = tpu.memref_slice %arg3[%mul3A_101] : memref<6291456xf32, #tpu.memory_space<hbm>> -> memref<24576xf32, #tpu.memory_space<hbm>>
      tpu.wait_dma2 semaphore(%run_scoped3A : memref<!tpu.dma_semaphore, #tpu.memory_space<semaphore_mem>>) src(%dma_wait3A_387 : memref<24576xf32, #tpu.memory_space<hbm>>) dst(%arg5 : memref<24576xf32, #tpu.memory_space<vmem>>)
      tpu.yield
    }) : () -> ()
    %add3A_102 = arith.constant 0 : i32
    %add3A_103 = arith.addi %add3A_102, %add3A_99 : i32
    %mul3A_104 = arith.constant 768 : i32
    %mul3A_105 = arith.muli %add3A_103, %mul3A_104 : i32
    "tpu.region"() ({
      %run_scoped3A = tpu.sem_alloc : memref<!tpu.dma_semaphore, #tpu.memory_space<semaphore_mem>>
      %dma_start3A = tpu.memref_slice %arg2[%mul3A_105] : memref<25165824xf32, #tpu.memory_space<hbm>> -> memref<24576xf32, #tpu.memory_space<hbm>>
      %dma_start3A_386 = tpu.memref_slice %arg2[%mul3A_105] : memref<25165824xf32, #tpu.memory_space<hbm>> -> memref<24576xf32, #tpu.memory_space<hbm>>
      tpu.enqueue_dma source(%dma_start3A_386 : memref<24576xf32, #tpu.memory_space<hbm>>) target(%arg6 : memref<24576xf32, #tpu.memory_space<vmem>>) target_semaphore(%run_scoped3A : memref<!tpu.dma_semaphore, #tpu.memory_space<semaphore_mem>>)
      %dma_wait3A = tpu.memref_slice %arg2[%mul3A_105] : memref<25165824xf32, #tpu.memory_space<hbm>> -> memref<24576xf32, #tpu.memory_space<hbm>>
      %dma_wait3A_387 = tpu.memref_slice %arg2[%mul3A_105] : memref<25165824xf32, #tpu.memory_space<hbm>> -> memref<24576xf32, #tpu.memory_space<hbm>>
      tpu.wait_dma2 semaphore(%run_scoped3A : memref<!tpu.dma_semaphore, #tpu.memory_space<semaphore_mem>>) src(%dma_wait3A_387 : memref<24576xf32, #tpu.memory_space<hbm>>) dst(%arg6 : memref<24576xf32, #tpu.memory_space<vmem>>)
      tpu.yield
    }) : () -> ()
    %scan3A_106 = arith.constant 0 : i32
    %scan3A_107 = arith.constant 0 : i32
    %scan3A_108 = arith.constant 1536 : i32
    %scan3A_109 = arith.addi %scan3A_107, %scan3A_108 : i32
    %scan3A_110 = arith.constant 1 : i32
    %scan3A_111 = scf.for %scan3A_386 = %scan3A_107 to %scan3A_109 step %scan3A_110 iter_args(%scan3A_387 = %scan3A_106) -> (i32)  : i32 {
      %mul3A_388 = arith.constant 16 : i32
      %mul3A_389 = arith.muli %scan3A_386, %mul3A_388 : i32
      %get3A = arith.index_cast %mul3A_389 : i32 to index
      %get3A_390 = tpu.vector_load %arg6[%get3A] {strides = array<i32>} : memref<24576xf32, #tpu.memory_space<vmem>>, vector<16xf32>,
      %get3A_391 = vector.shape_cast %get3A_390 : vector<16xf32> to vector<16xf32>
      %get3A_392 = arith.index_cast %mul3A_389 : i32 to index
      %get3A_393 = tpu.vector_load %arg5[%get3A_392] {strides = array<i32>} : memref<24576xf32, #tpu.memory_space<vmem>>, vector<16xf32>,
      %get3A_394 = vector.shape_cast %get3A_393 : vector<16xf32> to vector<16xf32>
      %add3A_395 = arith.addf %get3A_391, %get3A_394 : vector<16xf32>
      %swap3A = arith.index_cast %mul3A_389 : i32 to index
      %swap3A_396 = tpu.vector_load %arg6[%swap3A] {strides = array<i32>} : memref<24576xf32, #tpu.memory_space<vmem>>, vector<16xf32>,
      %swap3A_397 = vector.shape_cast %swap3A_396 : vector<16xf32> to vector<16xf32>
      %swap3A_398 = vector.shape_cast %add3A_395 : vector<16xf32> to vector<16xf32>
      tpu.vector_store %arg6[%swap3A], %swap3A_398 {strides = array<i32>} : memref<24576xf32, #tpu.memory_space<vmem>>, vector<16xf32>,
      %scan3A_399 = arith.constant 0 : i32
      scf.yield %scan3A_399 : i32
    }
    %scan3A_112 = arith.constant 1536 : i32
    "tpu.region"() ({
      %run_scoped3A = tpu.sem_alloc : memref<!tpu.dma_semaphore, #tpu.memory_space<semaphore_mem>>
      %dma_start3A = tpu.memref_slice %arg4[%mul3A_105] : memref<25165824xf32, #tpu.memory_space<hbm>> -> memref<24576xf32, #tpu.memory_space<hbm>>
      %dma_start3A_386 = tpu.memref_slice %arg4[%mul3A_105] : memref<25165824xf32, #tpu.memory_space<hbm>> -> memref<24576xf32, #tpu.memory_space<hbm>>
      tpu.enqueue_dma source(%arg6 : memref<24576xf32, #tpu.memory_space<vmem>>) target(%dma_start3A_386 : memref<24576xf32, #tpu.memory_space<hbm>>) target_semaphore(%run_scoped3A : memref<!tpu.dma_semaphore, #tpu.memory_space<semaphore_mem>>)
      %dma_wait3A = tpu.memref_slice %arg4[%mul3A_105] : memref<25165824xf32, #tpu.memory_space<hbm>> -> memref<24576xf32, #tpu.memory_space<hbm>>
      %dma_wait3A_387 = tpu.memref_slice %arg4[%mul3A_105] : memref<25165824xf32, #tpu.memory_space<hbm>> -> memref<24576xf32, #tpu.memory_space<hbm>>
      tpu.wait_dma2 semaphore(%run_scoped3A : memref<!tpu.dma_semaphore, #tpu.memory_space<semaphore_mem>>) src(%arg6 : memref<24576xf32, #tpu.memory_space<vmem>>) dst(%dma_wait3A_387 : memref<24576xf32, #tpu.memory_space<hbm>>)
      tpu.yield
    }) : () -> ()
    %add3A_113 = arith.constant 8192 : i32
    %add3A_114 = arith.addi %add3A_113, %add3A_99 : i32
    %mul3A_115 = arith.constant 768 : i32
    %mul3A_116 = arith.muli %add3A_114, %mul3A_115 : i32
    "tpu.region"() ({
      %run_scoped3A = tpu.sem_alloc : memref<!tpu.dma_semaphore, #tpu.memory_space<semaphore_mem>>
      %dma_start3A = tpu.memref_slice %arg2[%mul3A_116] : memref<25165824xf32, #tpu.memory_space<hbm>> -> memref<24576xf32, #tpu.memory_space<hbm>>
      %dma_start3A_386 = tpu.memref_slice %arg2[%mul3A_116] : memref<25165824xf32, #tpu.memory_space<hbm>> -> memref<24576xf32, #tpu.memory_space<hbm>>
      tpu.enqueue_dma source(%dma_start3A_386 : memref<24576xf32, #tpu.memory_space<hbm>>) target(%arg6 : memref<24576xf32, #tpu.memory_space<vmem>>) target_semaphore(%run_scoped3A : memref<!tpu.dma_semaphore, #tpu.memory_space<semaphore_mem>>)
      %dma_wait3A = tpu.memref_slice %arg2[%mul3A_116] : memref<25165824xf32, #tpu.memory_space<hbm>> -> memref<24576xf32, #tpu.memory_space<hbm>>
      %dma_wait3A_387 = tpu.memref_slice %arg2[%mul3A_116] : memref<25165824xf32, #tpu.memory_space<hbm>> -> memref<24576xf32, #tpu.memory_space<hbm>>
      tpu.wait_dma2 semaphore(%run_scoped3A : memref<!tpu.dma_semaphore, #tpu.memory_space<semaphore_mem>>) src(%dma_wait3A_387 : memref<24576xf32, #tpu.memory_space<hbm>>) dst(%arg6 : memref<24576xf32, #tpu.memory_space<vmem>>)
      tpu.yield
    }) : () -> ()
    %scan3A_117 = arith.constant 0 : i32
    %scan3A_118 = arith.constant 0 : i32
    %scan3A_119 = arith.constant 1536 : i32
    %scan3A_120 = arith.addi %scan3A_118, %scan3A_119 : i32
    %scan3A_121 = arith.constant 1 : i32
    %scan3A_122 = scf.for %scan3A_386 = %scan3A_118 to %scan3A_120 step %scan3A_121 iter_args(%scan3A_387 = %scan3A_117) -> (i32)  : i32 {
      %mul3A_388 = arith.constant 16 : i32
      %mul3A_389 = arith.muli %scan3A_386, %mul3A_388 : i32
      %get3A = arith.index_cast %mul3A_389 : i32 to index
      %get3A_390 = tpu.vector_load %arg6[%get3A] {strides = array<i32>} : memref<24576xf32, #tpu.memory_space<vmem>>, vector<16xf32>,
      %get3A_391 = vector.shape_cast %get3A_390 : vector<16xf32> to vector<16xf32>
      %get3A_392 = arith.index_cast %mul3A_389 : i32 to index
      %get3A_393 = tpu.vector_load %arg5[%get3A_392] {strides = array<i32>} : memref<24576xf32, #tpu.memory_space<vmem>>, vector<16xf32>,
      %get3A_394 = vector.shape_cast %get3A_393 : vector<16xf32> to vector<16xf32>
      %add3A_395 = arith.addf %get3A_391, %get3A_394 : vector<16xf32>
      %swap3A = arith.index_cast %mul3A_389 : i32 to index
      %swap3A_396 = tpu.vector_load %arg6[%swap3A] {strides = array<i32>} : memref<24576xf32, #tpu.memory_space<vmem>>, vector<16xf32>,
      %swap3A_397 = vector.shape_cast %swap3A_396 : vector<16xf32> to vector<16xf32>
      %swap3A_398 = vector.shape_cast %add3A_395 : vector<16xf32> to vector<16xf32>
      tpu.vector_store %arg6[%swap3A], %swap3A_398 {strides = array<i32>} : memref<24576xf32, #tpu.memory_space<vmem>>, vector<16xf32>,
      %scan3A_399 = arith.constant 0 : i32
      scf.yield %scan3A_399 : i32
    }
    %scan3A_123 = arith.constant 1536 : i32
    "tpu.region"() ({
      %run_scoped3A = tpu.sem_alloc : memref<!tpu.dma_semaphore, #tpu.memory_space<semaphore_mem>>
      %dma_start3A = tpu.memref_slice %arg4[%mul3A_116] : memref<25165824xf32, #tpu.memory_space<hbm>> -> memref<24576xf32, #tpu.memory_space<hbm>>
      %dma_start3A_386 = tpu.memref_slice %arg4[%mul3A_116] : memref<25165824xf32, #tpu.memory_space<hbm>> -> memref<24576xf32, #tpu.memory_space<hbm>>
      tpu.enqueue_dma source(%arg6 : memref<24576xf32, #tpu.memory_space<vmem>>) target(%dma_start3A_386 : memref<24576xf32, #tpu.memory_space<hbm>>) target_semaphore(%run_scoped3A : memref<!tpu.dma_semaphore, #tpu.memory_space<semaphore_mem>>)
      %dma_wait3A = tpu.memref_slice %arg4[%mul3A_116] : memref<25165824xf32, #tpu.memory_space<hbm>> -> memref<24576xf32, #tpu.memory_space<hbm>>
      %dma_wait3A_387 = tpu.memref_slice %arg4[%mul3A_116] : memref<25165824xf32, #tpu.memory_space<hbm>> -> memref<24576xf32, #tpu.memory_space<hbm>>
      tpu.wait_dma2 semaphore(%run_scoped3A : memref<!tpu.dma_semaphore, #tpu.memory_space<semaphore_mem>>) src(%arg6 : memref<24576xf32, #tpu.memory_space<vmem>>) dst(%dma_wait3A_387 : memref<24576xf32, #tpu.memory_space<hbm>>)
      tpu.yield
    }) : () -> ()
    %add3A_124 = arith.constant 16384 : i32
    %add3A_125 = arith.addi %add3A_124, %add3A_99 : i32
    %mul3A_126 = arith.constant 768 : i32
    %mul3A_127 = arith.muli %add3A_125, %mul3A_126 : i32
    "tpu.region"() ({
      %run_scoped3A = tpu.sem_alloc : memref<!tpu.dma_semaphore, #tpu.memory_space<semaphore_mem>>
      %dma_start3A = tpu.memref_slice %arg2[%mul3A_127] : memref<25165824xf32, #tpu.memory_space<hbm>> -> memref<24576xf32, #tpu.memory_space<hbm>>
      %dma_start3A_386 = tpu.memref_slice %arg2[%mul3A_127] : memref<25165824xf32, #tpu.memory_space<hbm>> -> memref<24576xf32, #tpu.memory_space<hbm>>
      tpu.enqueue_dma source(%dma_start3A_386 : memref<24576xf32, #tpu.memory_space<hbm>>) target(%arg6 : memref<24576xf32, #tpu.memory_space<vmem>>) target_semaphore(%run_scoped3A : memref<!tpu.dma_semaphore, #tpu.memory_space<semaphore_mem>>)
      %dma_wait3A = tpu.memref_slice %arg2[%mul3A_127] : memref<25165824xf32, #tpu.memory_space<hbm>> -> memref<24576xf32, #tpu.memory_space<hbm>>
      %dma_wait3A_387 = tpu.memref_slice %arg2[%mul3A_127] : memref<25165824xf32, #tpu.memory_space<hbm>> -> memref<24576xf32, #tpu.memory_space<hbm>>
      tpu.wait_dma2 semaphore(%run_scoped3A : memref<!tpu.dma_semaphore, #tpu.memory_space<semaphore_mem>>) src(%dma_wait3A_387 : memref<24576xf32, #tpu.memory_space<hbm>>) dst(%arg6 : memref<24576xf32, #tpu.memory_space<vmem>>)
      tpu.yield
    }) : () -> ()
    %scan3A_128 = arith.constant 0 : i32
    %scan3A_129 = arith.constant 0 : i32
    %scan3A_130 = arith.constant 1536 : i32
    %scan3A_131 = arith.addi %scan3A_129, %scan3A_130 : i32
    %scan3A_132 = arith.constant 1 : i32
    %scan3A_133 = scf.for %scan3A_386 = %scan3A_129 to %scan3A_131 step %scan3A_132 iter_args(%scan3A_387 = %scan3A_128) -> (i32)  : i32 {
      %mul3A_388 = arith.constant 16 : i32
      %mul3A_389 = arith.muli %scan3A_386, %mul3A_388 : i32
      %get3A = arith.index_cast %mul3A_389 : i32 to index
      %get3A_390 = tpu.vector_load %arg6[%get3A] {strides = array<i32>} : memref<24576xf32, #tpu.memory_space<vmem>>, vector<16xf32>,
      %get3A_391 = vector.shape_cast %get3A_390 : vector<16xf32> to vector<16xf32>
      %get3A_392 = arith.index_cast %mul3A_389 : i32 to index
      %get3A_393 = tpu.vector_load %arg5[%get3A_392] {strides = array<i32>} : memref<24576xf32, #tpu.memory_space<vmem>>, vector<16xf32>,
      %get3A_394 = vector.shape_cast %get3A_393 : vector<16xf32> to vector<16xf32>
      %add3A_395 = arith.addf %get3A_391, %get3A_394 : vector<16xf32>
      %swap3A = arith.index_cast %mul3A_389 : i32 to index
      %swap3A_396 = tpu.vector_load %arg6[%swap3A] {strides = array<i32>} : memref<24576xf32, #tpu.memory_space<vmem>>, vector<16xf32>,
      %swap3A_397 = vector.shape_cast %swap3A_396 : vector<16xf32> to vector<16xf32>
      %swap3A_398 = vector.shape_cast %add3A_395 : vector<16xf32> to vector<16xf32>
      tpu.vector_store %arg6[%swap3A], %swap3A_398 {strides = array<i32>} : memref<24576xf32, #tpu.memory_space<vmem>>, vector<16xf32>,
      %scan3A_399 = arith.constant 0 : i32
      scf.yield %scan3A_399 : i32
    }
    %scan3A_134 = arith.constant 1536 : i32
    "tpu.region"() ({
      %run_scoped3A = tpu.sem_alloc : memref<!tpu.dma_semaphore, #tpu.memory_space<semaphore_mem>>
      %dma_start3A = tpu.memref_slice %arg4[%mul3A_127] : memref<25165824xf32, #tpu.memory_space<hbm>> -> memref<24576xf32, #tpu.memory_space<hbm>>
      %dma_start3A_386 = tpu.memref_slice %arg4[%mul3A_127] : memref<25165824xf32, #tpu.memory_space<hbm>> -> memref<24576xf32, #tpu.memory_space<hbm>>
      tpu.enqueue_dma source(%arg6 : memref<24576xf32, #tpu.memory_space<vmem>>) target(%dma_start3A_386 : memref<24576xf32, #tpu.memory_space<hbm>>) target_semaphore(%run_scoped3A : memref<!tpu.dma_semaphore, #tpu.memory_space<semaphore_mem>>)
      %dma_wait3A = tpu.memref_slice %arg4[%mul3A_127] : memref<25165824xf32, #tpu.memory_space<hbm>> -> memref<24576xf32, #tpu.memory_space<hbm>>
      %dma_wait3A_387 = tpu.memref_slice %arg4[%mul3A_127] : memref<25165824xf32, #tpu.memory_space<hbm>> -> memref<24576xf32, #tpu.memory_space<hbm>>
      tpu.wait_dma2 semaphore(%run_scoped3A : memref<!tpu.dma_semaphore, #tpu.memory_space<semaphore_mem>>) src(%arg6 : memref<24576xf32, #tpu.memory_space<vmem>>) dst(%dma_wait3A_387 : memref<24576xf32, #tpu.memory_space<hbm>>)
      tpu.yield
    }) : () -> ()
    %add3A_135 = arith.constant 24576 : i32
    %add3A_136 = arith.addi %add3A_135, %add3A_99 : i32
    %mul3A_137 = arith.constant 768 : i32
    %mul3A_138 = arith.muli %add3A_136, %mul3A_137 : i32
    "tpu.region"() ({
      %run_scoped3A = tpu.sem_alloc : memref<!tpu.dma_semaphore, #tpu.memory_space<semaphore_mem>>
      %dma_start3A = tpu.memref_slice %arg2[%mul3A_138] : memref<25165824xf32, #tpu.memory_space<hbm>> -> memref<24576xf32, #tpu.memory_space<hbm>>
      %dma_start3A_386 = tpu.memref_slice %arg2[%mul3A_138] : memref<25165824xf32, #tpu.memory_space<hbm>> -> memref<24576xf32, #tpu.memory_space<hbm>>
      tpu.enqueue_dma source(%dma_start3A_386 : memref<24576xf32, #tpu.memory_space<hbm>>) target(%arg6 : memref<24576xf32, #tpu.memory_space<vmem>>) target_semaphore(%run_scoped3A : memref<!tpu.dma_semaphore, #tpu.memory_space<semaphore_mem>>)
      %dma_wait3A = tpu.memref_slice %arg2[%mul3A_138] : memref<25165824xf32, #tpu.memory_space<hbm>> -> memref<24576xf32, #tpu.memory_space<hbm>>
      %dma_wait3A_387 = tpu.memref_slice %arg2[%mul3A_138] : memref<25165824xf32, #tpu.memory_space<hbm>> -> memref<24576xf32, #tpu.memory_space<hbm>>
      tpu.wait_dma2 semaphore(%run_scoped3A : memref<!tpu.dma_semaphore, #tpu.memory_space<semaphore_mem>>) src(%dma_wait3A_387 : memref<24576xf32, #tpu.memory_space<hbm>>) dst(%arg6 : memref<24576xf32, #tpu.memory_space<vmem>>)
      tpu.yield
    }) : () -> ()
    %scan3A_139 = arith.constant 0 : i32
    %scan3A_140 = arith.constant 0 : i32
    %scan3A_141 = arith.constant 1536 : i32
    %scan3A_142 = arith.addi %scan3A_140, %scan3A_141 : i32
    %scan3A_143 = arith.constant 1 : i32
    %scan3A_144 = scf.for %scan3A_386 = %scan3A_140 to %scan3A_142 step %scan3A_143 iter_args(%scan3A_387 = %scan3A_139) -> (i32)  : i32 {
      %mul3A_388 = arith.constant 16 : i32
      %mul3A_389 = arith.muli %scan3A_386, %mul3A_388 : i32
      %get3A = arith.index_cast %mul3A_389 : i32 to index
      %get3A_390 = tpu.vector_load %arg6[%get3A] {strides = array<i32>} : memref<24576xf32, #tpu.memory_space<vmem>>, vector<16xf32>,
      %get3A_391 = vector.shape_cast %get3A_390 : vector<16xf32> to vector<16xf32>
      %get3A_392 = arith.index_cast %mul3A_389 : i32 to index
      %get3A_393 = tpu.vector_load %arg5[%get3A_392] {strides = array<i32>} : memref<24576xf32, #tpu.memory_space<vmem>>, vector<16xf32>,
      %get3A_394 = vector.shape_cast %get3A_393 : vector<16xf32> to vector<16xf32>
      %add3A_395 = arith.addf %get3A_391, %get3A_394 : vector<16xf32>
      %swap3A = arith.index_cast %mul3A_389 : i32 to index
      %swap3A_396 = tpu.vector_load %arg6[%swap3A] {strides = array<i32>} : memref<24576xf32, #tpu.memory_space<vmem>>, vector<16xf32>,
      %swap3A_397 = vector.shape_cast %swap3A_396 : vector<16xf32> to vector<16xf32>
      %swap3A_398 = vector.shape_cast %add3A_395 : vector<16xf32> to vector<16xf32>
      tpu.vector_store %arg6[%swap3A], %swap3A_398 {strides = array<i32>} : memref<24576xf32, #tpu.memory_space<vmem>>, vector<16xf32>,
      %scan3A_399 = arith.constant 0 : i32
      scf.yield %scan3A_399 : i32
    }
    %scan3A_145 = arith.constant 1536 : i32
    "tpu.region"() ({
      %run_scoped3A = tpu.sem_alloc : memref<!tpu.dma_semaphore, #tpu.memory_space<semaphore_mem>>
      %dma_start3A = tpu.memref_slice %arg4[%mul3A_138] : memref<25165824xf32, #tpu.memory_space<hbm>> -> memref<24576xf32, #tpu.memory_space<hbm>>
      %dma_start3A_386 = tpu.memref_slice %arg4[%mul3A_138] : memref<25165824xf32, #tpu.memory_space<hbm>> -> memref<24576xf32, #tpu.memory_space<hbm>>
      tpu.enqueue_dma source(%arg6 : memref<24576xf32, #tpu.memory_space<vmem>>) target(%dma_start3A_386 : memref<24576xf32, #tpu.memory_space<hbm>>) target_semaphore(%run_scoped3A : memref<!tpu.dma_semaphore, #tpu.memory_space<semaphore_mem>>)
      %dma_wait3A = tpu.memref_slice %arg4[%mul3A_138] : memref<25165824xf32, #tpu.memory_space<hbm>> -> memref<24576xf32, #tpu.memory_space<hbm>>
      %dma_wait3A_387 = tpu.memref_slice %arg4[%mul3A_138] : memref<25165824xf32, #tpu.memory_space<hbm>> -> memref<24576xf32, #tpu.memory_space<hbm>>
      tpu.wait_dma2 semaphore(%run_scoped3A : memref<!tpu.dma_semaphore, #tpu.memory_space<semaphore_mem>>) src(%arg6 : memref<24576xf32, #tpu.memory_space<vmem>>) dst(%dma_wait3A_387 : memref<24576xf32, #tpu.memory_space<hbm>>)
      tpu.yield
    }) : () -> ()
    %add3A_146 = arith.constant 96 : i32
    %add3A_147 = arith.addi %mul3A_2, %add3A_146 : i32
    %mul3A_148 = arith.constant 768 : i32
    %mul3A_149 = arith.muli %add3A_147, %mul3A_148 : i32
    "tpu.region"() ({
      %run_scoped3A = tpu.sem_alloc : memref<!tpu.dma_semaphore, #tpu.memory_space<semaphore_mem>>
      %dma_start3A = tpu.memref_slice %arg3[%mul3A_149] : memref<6291456xf32, #tpu.memory_space<hbm>> -> memref<24576xf32, #tpu.memory_space<hbm>>
      %dma_start3A_386 = tpu.memref_slice %arg3[%mul3A_149] : memref<6291456xf32, #tpu.memory_space<hbm>> -> memref<24576xf32, #tpu.memory_space<hbm>>
      tpu.enqueue_dma source(%dma_start3A_386 : memref<24576xf32, #tpu.memory_space<hbm>>) target(%arg5 : memref<24576xf32, #tpu.memory_space<vmem>>) target_semaphore(%run_scoped3A : memref<!tpu.dma_semaphore, #tpu.memory_space<semaphore_mem>>)
      %dma_wait3A = tpu.memref_slice %arg3[%mul3A_149] : memref<6291456xf32, #tpu.memory_space<hbm>> -> memref<24576xf32, #tpu.memory_space<hbm>>
      %dma_wait3A_387 = tpu.memref_slice %arg3[%mul3A_149] : memref<6291456xf32, #tpu.memory_space<hbm>> -> memref<24576xf32, #tpu.memory_space<hbm>>
      tpu.wait_dma2 semaphore(%run_scoped3A : memref<!tpu.dma_semaphore, #tpu.memory_space<semaphore_mem>>) src(%dma_wait3A_387 : memref<24576xf32, #tpu.memory_space<hbm>>) dst(%arg5 : memref<24576xf32, #tpu.memory_space<vmem>>)
      tpu.yield
    }) : () -> ()
    %add3A_150 = arith.constant 0 : i32
    %add3A_151 = arith.addi %add3A_150, %add3A_147 : i32
    %mul3A_152 = arith.constant 768 : i32
    %mul3A_153 = arith.muli %add3A_151, %mul3A_152 : i32
    "tpu.region"() ({
      %run_scoped3A = tpu.sem_alloc : memref<!tpu.dma_semaphore, #tpu.memory_space<semaphore_mem>>
      %dma_start3A = tpu.memref_slice %arg2[%mul3A_153] : memref<25165824xf32, #tpu.memory_space<hbm>> -> memref<24576xf32, #tpu.memory_space<hbm>>
      %dma_start3A_386 = tpu.memref_slice %arg2[%mul3A_153] : memref<25165824xf32, #tpu.memory_space<hbm>> -> memref<24576xf32, #tpu.memory_space<hbm>>
      tpu.enqueue_dma source(%dma_start3A_386 : memref<24576xf32, #tpu.memory_space<hbm>>) target(%arg6 : memref<24576xf32, #tpu.memory_space<vmem>>) target_semaphore(%run_scoped3A : memref<!tpu.dma_semaphore, #tpu.memory_space<semaphore_mem>>)
      %dma_wait3A = tpu.memref_slice %arg2[%mul3A_153] : memref<25165824xf32, #tpu.memory_space<hbm>> -> memref<24576xf32, #tpu.memory_space<hbm>>
      %dma_wait3A_387 = tpu.memref_slice %arg2[%mul3A_153] : memref<25165824xf32, #tpu.memory_space<hbm>> -> memref<24576xf32, #tpu.memory_space<hbm>>
      tpu.wait_dma2 semaphore(%run_scoped3A : memref<!tpu.dma_semaphore, #tpu.memory_space<semaphore_mem>>) src(%dma_wait3A_387 : memref<24576xf32, #tpu.memory_space<hbm>>) dst(%arg6 : memref<24576xf32, #tpu.memory_space<vmem>>)
      tpu.yield
    }) : () -> ()
    %scan3A_154 = arith.constant 0 : i32
    %scan3A_155 = arith.constant 0 : i32
    %scan3A_156 = arith.constant 1536 : i32
    %scan3A_157 = arith.addi %scan3A_155, %scan3A_156 : i32
    %scan3A_158 = arith.constant 1 : i32
    %scan3A_159 = scf.for %scan3A_386 = %scan3A_155 to %scan3A_157 step %scan3A_158 iter_args(%scan3A_387 = %scan3A_154) -> (i32)  : i32 {
      %mul3A_388 = arith.constant 16 : i32
      %mul3A_389 = arith.muli %scan3A_386, %mul3A_388 : i32
      %get3A = arith.index_cast %mul3A_389 : i32 to index
      %get3A_390 = tpu.vector_load %arg6[%get3A] {strides = array<i32>} : memref<24576xf32, #tpu.memory_space<vmem>>, vector<16xf32>,
      %get3A_391 = vector.shape_cast %get3A_390 : vector<16xf32> to vector<16xf32>
      %get3A_392 = arith.index_cast %mul3A_389 : i32 to index
      %get3A_393 = tpu.vector_load %arg5[%get3A_392] {strides = array<i32>} : memref<24576xf32, #tpu.memory_space<vmem>>, vector<16xf32>,
      %get3A_394 = vector.shape_cast %get3A_393 : vector<16xf32> to vector<16xf32>
      %add3A_395 = arith.addf %get3A_391, %get3A_394 : vector<16xf32>
      %swap3A = arith.index_cast %mul3A_389 : i32 to index
      %swap3A_396 = tpu.vector_load %arg6[%swap3A] {strides = array<i32>} : memref<24576xf32, #tpu.memory_space<vmem>>, vector<16xf32>,
      %swap3A_397 = vector.shape_cast %swap3A_396 : vector<16xf32> to vector<16xf32>
      %swap3A_398 = vector.shape_cast %add3A_395 : vector<16xf32> to vector<16xf32>
      tpu.vector_store %arg6[%swap3A], %swap3A_398 {strides = array<i32>} : memref<24576xf32, #tpu.memory_space<vmem>>, vector<16xf32>,
      %scan3A_399 = arith.constant 0 : i32
      scf.yield %scan3A_399 : i32
    }
    %scan3A_160 = arith.constant 1536 : i32
    "tpu.region"() ({
      %run_scoped3A = tpu.sem_alloc : memref<!tpu.dma_semaphore, #tpu.memory_space<semaphore_mem>>
      %dma_start3A = tpu.memref_slice %arg4[%mul3A_153] : memref<25165824xf32, #tpu.memory_space<hbm>> -> memref<24576xf32, #tpu.memory_space<hbm>>
      %dma_start3A_386 = tpu.memref_slice %arg4[%mul3A_153] : memref<25165824xf32, #tpu.memory_space<hbm>> -> memref<24576xf32, #tpu.memory_space<hbm>>
      tpu.enqueue_dma source(%arg6 : memref<24576xf32, #tpu.memory_space<vmem>>) target(%dma_start3A_386 : memref<24576xf32, #tpu.memory_space<hbm>>) target_semaphore(%run_scoped3A : memref<!tpu.dma_semaphore, #tpu.memory_space<semaphore_mem>>)
      %dma_wait3A = tpu.memref_slice %arg4[%mul3A_153] : memref<25165824xf32, #tpu.memory_space<hbm>> -> memref<24576xf32, #tpu.memory_space<hbm>>
      %dma_wait3A_387 = tpu.memref_slice %arg4[%mul3A_153] : memref<25165824xf32, #tpu.memory_space<hbm>> -> memref<24576xf32, #tpu.memory_space<hbm>>
      tpu.wait_dma2 semaphore(%run_scoped3A : memref<!tpu.dma_semaphore, #tpu.memory_space<semaphore_mem>>) src(%arg6 : memref<24576xf32, #tpu.memory_space<vmem>>) dst(%dma_wait3A_387 : memref<24576xf32, #tpu.memory_space<hbm>>)
      tpu.yield
    }) : () -> ()
    %add3A_161 = arith.constant 8192 : i32
    %add3A_162 = arith.addi %add3A_161, %add3A_147 : i32
    %mul3A_163 = arith.constant 768 : i32
    %mul3A_164 = arith.muli %add3A_162, %mul3A_163 : i32
    "tpu.region"() ({
      %run_scoped3A = tpu.sem_alloc : memref<!tpu.dma_semaphore, #tpu.memory_space<semaphore_mem>>
      %dma_start3A = tpu.memref_slice %arg2[%mul3A_164] : memref<25165824xf32, #tpu.memory_space<hbm>> -> memref<24576xf32, #tpu.memory_space<hbm>>
      %dma_start3A_386 = tpu.memref_slice %arg2[%mul3A_164] : memref<25165824xf32, #tpu.memory_space<hbm>> -> memref<24576xf32, #tpu.memory_space<hbm>>
      tpu.enqueue_dma source(%dma_start3A_386 : memref<24576xf32, #tpu.memory_space<hbm>>) target(%arg6 : memref<24576xf32, #tpu.memory_space<vmem>>) target_semaphore(%run_scoped3A : memref<!tpu.dma_semaphore, #tpu.memory_space<semaphore_mem>>)
      %dma_wait3A = tpu.memref_slice %arg2[%mul3A_164] : memref<25165824xf32, #tpu.memory_space<hbm>> -> memref<24576xf32, #tpu.memory_space<hbm>>
      %dma_wait3A_387 = tpu.memref_slice %arg2[%mul3A_164] : memref<25165824xf32, #tpu.memory_space<hbm>> -> memref<24576xf32, #tpu.memory_space<hbm>>
      tpu.wait_dma2 semaphore(%run_scoped3A : memref<!tpu.dma_semaphore, #tpu.memory_space<semaphore_mem>>) src(%dma_wait3A_387 : memref<24576xf32, #tpu.memory_space<hbm>>) dst(%arg6 : memref<24576xf32, #tpu.memory_space<vmem>>)
      tpu.yield
    }) : () -> ()
    %scan3A_165 = arith.constant 0 : i32
    %scan3A_166 = arith.constant 0 : i32
    %scan3A_167 = arith.constant 1536 : i32
    %scan3A_168 = arith.addi %scan3A_166, %scan3A_167 : i32
    %scan3A_169 = arith.constant 1 : i32
    %scan3A_170 = scf.for %scan3A_386 = %scan3A_166 to %scan3A_168 step %scan3A_169 iter_args(%scan3A_387 = %scan3A_165) -> (i32)  : i32 {
      %mul3A_388 = arith.constant 16 : i32
      %mul3A_389 = arith.muli %scan3A_386, %mul3A_388 : i32
      %get3A = arith.index_cast %mul3A_389 : i32 to index
      %get3A_390 = tpu.vector_load %arg6[%get3A] {strides = array<i32>} : memref<24576xf32, #tpu.memory_space<vmem>>, vector<16xf32>,
      %get3A_391 = vector.shape_cast %get3A_390 : vector<16xf32> to vector<16xf32>
      %get3A_392 = arith.index_cast %mul3A_389 : i32 to index
      %get3A_393 = tpu.vector_load %arg5[%get3A_392] {strides = array<i32>} : memref<24576xf32, #tpu.memory_space<vmem>>, vector<16xf32>,
      %get3A_394 = vector.shape_cast %get3A_393 : vector<16xf32> to vector<16xf32>
      %add3A_395 = arith.addf %get3A_391, %get3A_394 : vector<16xf32>
      %swap3A = arith.index_cast %mul3A_389 : i32 to index
      %swap3A_396 = tpu.vector_load %arg6[%swap3A] {strides = array<i32>} : memref<24576xf32, #tpu.memory_space<vmem>>, vector<16xf32>,
      %swap3A_397 = vector.shape_cast %swap3A_396 : vector<16xf32> to vector<16xf32>
      %swap3A_398 = vector.shape_cast %add3A_395 : vector<16xf32> to vector<16xf32>
      tpu.vector_store %arg6[%swap3A], %swap3A_398 {strides = array<i32>} : memref<24576xf32, #tpu.memory_space<vmem>>, vector<16xf32>,
      %scan3A_399 = arith.constant 0 : i32
      scf.yield %scan3A_399 : i32
    }
    %scan3A_171 = arith.constant 1536 : i32
    "tpu.region"() ({
      %run_scoped3A = tpu.sem_alloc : memref<!tpu.dma_semaphore, #tpu.memory_space<semaphore_mem>>
      %dma_start3A = tpu.memref_slice %arg4[%mul3A_164] : memref<25165824xf32, #tpu.memory_space<hbm>> -> memref<24576xf32, #tpu.memory_space<hbm>>
      %dma_start3A_386 = tpu.memref_slice %arg4[%mul3A_164] : memref<25165824xf32, #tpu.memory_space<hbm>> -> memref<24576xf32, #tpu.memory_space<hbm>>
      tpu.enqueue_dma source(%arg6 : memref<24576xf32, #tpu.memory_space<vmem>>) target(%dma_start3A_386 : memref<24576xf32, #tpu.memory_space<hbm>>) target_semaphore(%run_scoped3A : memref<!tpu.dma_semaphore, #tpu.memory_space<semaphore_mem>>)
      %dma_wait3A = tpu.memref_slice %arg4[%mul3A_164] : memref<25165824xf32, #tpu.memory_space<hbm>> -> memref<24576xf32, #tpu.memory_space<hbm>>
      %dma_wait3A_387 = tpu.memref_slice %arg4[%mul3A_164] : memref<25165824xf32, #tpu.memory_space<hbm>> -> memref<24576xf32, #tpu.memory_space<hbm>>
      tpu.wait_dma2 semaphore(%run_scoped3A : memref<!tpu.dma_semaphore, #tpu.memory_space<semaphore_mem>>) src(%arg6 : memref<24576xf32, #tpu.memory_space<vmem>>) dst(%dma_wait3A_387 : memref<24576xf32, #tpu.memory_space<hbm>>)
      tpu.yield
    }) : () -> ()
    %add3A_172 = arith.constant 16384 : i32
    %add3A_173 = arith.addi %add3A_172, %add3A_147 : i32
    %mul3A_174 = arith.constant 768 : i32
    %mul3A_175 = arith.muli %add3A_173, %mul3A_174 : i32
    "tpu.region"() ({
      %run_scoped3A = tpu.sem_alloc : memref<!tpu.dma_semaphore, #tpu.memory_space<semaphore_mem>>
      %dma_start3A = tpu.memref_slice %arg2[%mul3A_175] : memref<25165824xf32, #tpu.memory_space<hbm>> -> memref<24576xf32, #tpu.memory_space<hbm>>
      %dma_start3A_386 = tpu.memref_slice %arg2[%mul3A_175] : memref<25165824xf32, #tpu.memory_space<hbm>> -> memref<24576xf32, #tpu.memory_space<hbm>>
      tpu.enqueue_dma source(%dma_start3A_386 : memref<24576xf32, #tpu.memory_space<hbm>>) target(%arg6 : memref<24576xf32, #tpu.memory_space<vmem>>) target_semaphore(%run_scoped3A : memref<!tpu.dma_semaphore, #tpu.memory_space<semaphore_mem>>)
      %dma_wait3A = tpu.memref_slice %arg2[%mul3A_175] : memref<25165824xf32, #tpu.memory_space<hbm>> -> memref<24576xf32, #tpu.memory_space<hbm>>
      %dma_wait3A_387 = tpu.memref_slice %arg2[%mul3A_175] : memref<25165824xf32, #tpu.memory_space<hbm>> -> memref<24576xf32, #tpu.memory_space<hbm>>
      tpu.wait_dma2 semaphore(%run_scoped3A : memref<!tpu.dma_semaphore, #tpu.memory_space<semaphore_mem>>) src(%dma_wait3A_387 : memref<24576xf32, #tpu.memory_space<hbm>>) dst(%arg6 : memref<24576xf32, #tpu.memory_space<vmem>>)
      tpu.yield
    }) : () -> ()
    %scan3A_176 = arith.constant 0 : i32
    %scan3A_177 = arith.constant 0 : i32
    %scan3A_178 = arith.constant 1536 : i32
    %scan3A_179 = arith.addi %scan3A_177, %scan3A_178 : i32
    %scan3A_180 = arith.constant 1 : i32
    %scan3A_181 = scf.for %scan3A_386 = %scan3A_177 to %scan3A_179 step %scan3A_180 iter_args(%scan3A_387 = %scan3A_176) -> (i32)  : i32 {
      %mul3A_388 = arith.constant 16 : i32
      %mul3A_389 = arith.muli %scan3A_386, %mul3A_388 : i32
      %get3A = arith.index_cast %mul3A_389 : i32 to index
      %get3A_390 = tpu.vector_load %arg6[%get3A] {strides = array<i32>} : memref<24576xf32, #tpu.memory_space<vmem>>, vector<16xf32>,
      %get3A_391 = vector.shape_cast %get3A_390 : vector<16xf32> to vector<16xf32>
      %get3A_392 = arith.index_cast %mul3A_389 : i32 to index
      %get3A_393 = tpu.vector_load %arg5[%get3A_392] {strides = array<i32>} : memref<24576xf32, #tpu.memory_space<vmem>>, vector<16xf32>,
      %get3A_394 = vector.shape_cast %get3A_393 : vector<16xf32> to vector<16xf32>
      %add3A_395 = arith.addf %get3A_391, %get3A_394 : vector<16xf32>
      %swap3A = arith.index_cast %mul3A_389 : i32 to index
      %swap3A_396 = tpu.vector_load %arg6[%swap3A] {strides = array<i32>} : memref<24576xf32, #tpu.memory_space<vmem>>, vector<16xf32>,
      %swap3A_397 = vector.shape_cast %swap3A_396 : vector<16xf32> to vector<16xf32>
      %swap3A_398 = vector.shape_cast %add3A_395 : vector<16xf32> to vector<16xf32>
      tpu.vector_store %arg6[%swap3A], %swap3A_398 {strides = array<i32>} : memref<24576xf32, #tpu.memory_space<vmem>>, vector<16xf32>,
      %scan3A_399 = arith.constant 0 : i32
      scf.yield %scan3A_399 : i32
    }
    %scan3A_182 = arith.constant 1536 : i32
    "tpu.region"() ({
      %run_scoped3A = tpu.sem_alloc : memref<!tpu.dma_semaphore, #tpu.memory_space<semaphore_mem>>
      %dma_start3A = tpu.memref_slice %arg4[%mul3A_175] : memref<25165824xf32, #tpu.memory_space<hbm>> -> memref<24576xf32, #tpu.memory_space<hbm>>
      %dma_start3A_386 = tpu.memref_slice %arg4[%mul3A_175] : memref<25165824xf32, #tpu.memory_space<hbm>> -> memref<24576xf32, #tpu.memory_space<hbm>>
      tpu.enqueue_dma source(%arg6 : memref<24576xf32, #tpu.memory_space<vmem>>) target(%dma_start3A_386 : memref<24576xf32, #tpu.memory_space<hbm>>) target_semaphore(%run_scoped3A : memref<!tpu.dma_semaphore, #tpu.memory_space<semaphore_mem>>)
      %dma_wait3A = tpu.memref_slice %arg4[%mul3A_175] : memref<25165824xf32, #tpu.memory_space<hbm>> -> memref<24576xf32, #tpu.memory_space<hbm>>
      %dma_wait3A_387 = tpu.memref_slice %arg4[%mul3A_175] : memref<25165824xf32, #tpu.memory_space<hbm>> -> memref<24576xf32, #tpu.memory_space<hbm>>
      tpu.wait_dma2 semaphore(%run_scoped3A : memref<!tpu.dma_semaphore, #tpu.memory_space<semaphore_mem>>) src(%arg6 : memref<24576xf32, #tpu.memory_space<vmem>>) dst(%dma_wait3A_387 : memref<24576xf32, #tpu.memory_space<hbm>>)
      tpu.yield
    }) : () -> ()
    %add3A_183 = arith.constant 24576 : i32
    %add3A_184 = arith.addi %add3A_183, %add3A_147 : i32
    %mul3A_185 = arith.constant 768 : i32
    %mul3A_186 = arith.muli %add3A_184, %mul3A_185 : i32
    "tpu.region"() ({
      %run_scoped3A = tpu.sem_alloc : memref<!tpu.dma_semaphore, #tpu.memory_space<semaphore_mem>>
      %dma_start3A = tpu.memref_slice %arg2[%mul3A_186] : memref<25165824xf32, #tpu.memory_space<hbm>> -> memref<24576xf32, #tpu.memory_space<hbm>>
      %dma_start3A_386 = tpu.memref_slice %arg2[%mul3A_186] : memref<25165824xf32, #tpu.memory_space<hbm>> -> memref<24576xf32, #tpu.memory_space<hbm>>
      tpu.enqueue_dma source(%dma_start3A_386 : memref<24576xf32, #tpu.memory_space<hbm>>) target(%arg6 : memref<24576xf32, #tpu.memory_space<vmem>>) target_semaphore(%run_scoped3A : memref<!tpu.dma_semaphore, #tpu.memory_space<semaphore_mem>>)
      %dma_wait3A = tpu.memref_slice %arg2[%mul3A_186] : memref<25165824xf32, #tpu.memory_space<hbm>> -> memref<24576xf32, #tpu.memory_space<hbm>>
      %dma_wait3A_387 = tpu.memref_slice %arg2[%mul3A_186] : memref<25165824xf32, #tpu.memory_space<hbm>> -> memref<24576xf32, #tpu.memory_space<hbm>>
      tpu.wait_dma2 semaphore(%run_scoped3A : memref<!tpu.dma_semaphore, #tpu.memory_space<semaphore_mem>>) src(%dma_wait3A_387 : memref<24576xf32, #tpu.memory_space<hbm>>) dst(%arg6 : memref<24576xf32, #tpu.memory_space<vmem>>)
      tpu.yield
    }) : () -> ()
    %scan3A_187 = arith.constant 0 : i32
    %scan3A_188 = arith.constant 0 : i32
    %scan3A_189 = arith.constant 1536 : i32
    %scan3A_190 = arith.addi %scan3A_188, %scan3A_189 : i32
    %scan3A_191 = arith.constant 1 : i32
    %scan3A_192 = scf.for %scan3A_386 = %scan3A_188 to %scan3A_190 step %scan3A_191 iter_args(%scan3A_387 = %scan3A_187) -> (i32)  : i32 {
      %mul3A_388 = arith.constant 16 : i32
      %mul3A_389 = arith.muli %scan3A_386, %mul3A_388 : i32
      %get3A = arith.index_cast %mul3A_389 : i32 to index
      %get3A_390 = tpu.vector_load %arg6[%get3A] {strides = array<i32>} : memref<24576xf32, #tpu.memory_space<vmem>>, vector<16xf32>,
      %get3A_391 = vector.shape_cast %get3A_390 : vector<16xf32> to vector<16xf32>
      %get3A_392 = arith.index_cast %mul3A_389 : i32 to index
      %get3A_393 = tpu.vector_load %arg5[%get3A_392] {strides = array<i32>} : memref<24576xf32, #tpu.memory_space<vmem>>, vector<16xf32>,
      %get3A_394 = vector.shape_cast %get3A_393 : vector<16xf32> to vector<16xf32>
      %add3A_395 = arith.addf %get3A_391, %get3A_394 : vector<16xf32>
      %swap3A = arith.index_cast %mul3A_389 : i32 to index
      %swap3A_396 = tpu.vector_load %arg6[%swap3A] {strides = array<i32>} : memref<24576xf32, #tpu.memory_space<vmem>>, vector<16xf32>,
      %swap3A_397 = vector.shape_cast %swap3A_396 : vector<16xf32> to vector<16xf32>
      %swap3A_398 = vector.shape_cast %add3A_395 : vector<16xf32> to vector<16xf32>
      tpu.vector_store %arg6[%swap3A], %swap3A_398 {strides = array<i32>} : memref<24576xf32, #tpu.memory_space<vmem>>, vector<16xf32>,
      %scan3A_399 = arith.constant 0 : i32
      scf.yield %scan3A_399 : i32
    }
    %scan3A_193 = arith.constant 1536 : i32
    "tpu.region"() ({
      %run_scoped3A = tpu.sem_alloc : memref<!tpu.dma_semaphore, #tpu.memory_space<semaphore_mem>>
      %dma_start3A = tpu.memref_slice %arg4[%mul3A_186] : memref<25165824xf32, #tpu.memory_space<hbm>> -> memref<24576xf32, #tpu.memory_space<hbm>>
      %dma_start3A_386 = tpu.memref_slice %arg4[%mul3A_186] : memref<25165824xf32, #tpu.memory_space<hbm>> -> memref<24576xf32, #tpu.memory_space<hbm>>
      tpu.enqueue_dma source(%arg6 : memref<24576xf32, #tpu.memory_space<vmem>>) target(%dma_start3A_386 : memref<24576xf32, #tpu.memory_space<hbm>>) target_semaphore(%run_scoped3A : memref<!tpu.dma_semaphore, #tpu.memory_space<semaphore_mem>>)
      %dma_wait3A = tpu.memref_slice %arg4[%mul3A_186] : memref<25165824xf32, #tpu.memory_space<hbm>> -> memref<24576xf32, #tpu.memory_space<hbm>>
      %dma_wait3A_387 = tpu.memref_slice %arg4[%mul3A_186] : memref<25165824xf32, #tpu.memory_space<hbm>> -> memref<24576xf32, #tpu.memory_space<hbm>>
      tpu.wait_dma2 semaphore(%run_scoped3A : memref<!tpu.dma_semaphore, #tpu.memory_space<semaphore_mem>>) src(%arg6 : memref<24576xf32, #tpu.memory_space<vmem>>) dst(%dma_wait3A_387 : memref<24576xf32, #tpu.memory_space<hbm>>)
      tpu.yield
    }) : () -> ()
    %add3A_194 = arith.constant 128 : i32
    %add3A_195 = arith.addi %mul3A_2, %add3A_194 : i32
    %mul3A_196 = arith.constant 768 : i32
    %mul3A_197 = arith.muli %add3A_195, %mul3A_196 : i32
    "tpu.region"() ({
      %run_scoped3A = tpu.sem_alloc : memref<!tpu.dma_semaphore, #tpu.memory_space<semaphore_mem>>
      %dma_start3A = tpu.memref_slice %arg3[%mul3A_197] : memref<6291456xf32, #tpu.memory_space<hbm>> -> memref<24576xf32, #tpu.memory_space<hbm>>
      %dma_start3A_386 = tpu.memref_slice %arg3[%mul3A_197] : memref<6291456xf32, #tpu.memory_space<hbm>> -> memref<24576xf32, #tpu.memory_space<hbm>>
      tpu.enqueue_dma source(%dma_start3A_386 : memref<24576xf32, #tpu.memory_space<hbm>>) target(%arg5 : memref<24576xf32, #tpu.memory_space<vmem>>) target_semaphore(%run_scoped3A : memref<!tpu.dma_semaphore, #tpu.memory_space<semaphore_mem>>)
      %dma_wait3A = tpu.memref_slice %arg3[%mul3A_197] : memref<6291456xf32, #tpu.memory_space<hbm>> -> memref<24576xf32, #tpu.memory_space<hbm>>
      %dma_wait3A_387 = tpu.memref_slice %arg3[%mul3A_197] : memref<6291456xf32, #tpu.memory_space<hbm>> -> memref<24576xf32, #tpu.memory_space<hbm>>
      tpu.wait_dma2 semaphore(%run_scoped3A : memref<!tpu.dma_semaphore, #tpu.memory_space<semaphore_mem>>) src(%dma_wait3A_387 : memref<24576xf32, #tpu.memory_space<hbm>>) dst(%arg5 : memref<24576xf32, #tpu.memory_space<vmem>>)
      tpu.yield
    }) : () -> ()
    %add3A_198 = arith.constant 0 : i32
    %add3A_199 = arith.addi %add3A_198, %add3A_195 : i32
    %mul3A_200 = arith.constant 768 : i32
    %mul3A_201 = arith.muli %add3A_199, %mul3A_200 : i32
    "tpu.region"() ({
      %run_scoped3A = tpu.sem_alloc : memref<!tpu.dma_semaphore, #tpu.memory_space<semaphore_mem>>
      %dma_start3A = tpu.memref_slice %arg2[%mul3A_201] : memref<25165824xf32, #tpu.memory_space<hbm>> -> memref<24576xf32, #tpu.memory_space<hbm>>
      %dma_start3A_386 = tpu.memref_slice %arg2[%mul3A_201] : memref<25165824xf32, #tpu.memory_space<hbm>> -> memref<24576xf32, #tpu.memory_space<hbm>>
      tpu.enqueue_dma source(%dma_start3A_386 : memref<24576xf32, #tpu.memory_space<hbm>>) target(%arg6 : memref<24576xf32, #tpu.memory_space<vmem>>) target_semaphore(%run_scoped3A : memref<!tpu.dma_semaphore, #tpu.memory_space<semaphore_mem>>)
      %dma_wait3A = tpu.memref_slice %arg2[%mul3A_201] : memref<25165824xf32, #tpu.memory_space<hbm>> -> memref<24576xf32, #tpu.memory_space<hbm>>
      %dma_wait3A_387 = tpu.memref_slice %arg2[%mul3A_201] : memref<25165824xf32, #tpu.memory_space<hbm>> -> memref<24576xf32, #tpu.memory_space<hbm>>
      tpu.wait_dma2 semaphore(%run_scoped3A : memref<!tpu.dma_semaphore, #tpu.memory_space<semaphore_mem>>) src(%dma_wait3A_387 : memref<24576xf32, #tpu.memory_space<hbm>>) dst(%arg6 : memref<24576xf32, #tpu.memory_space<vmem>>)
      tpu.yield
    }) : () -> ()
    %scan3A_202 = arith.constant 0 : i32
    %scan3A_203 = arith.constant 0 : i32
    %scan3A_204 = arith.constant 1536 : i32
    %scan3A_205 = arith.addi %scan3A_203, %scan3A_204 : i32
    %scan3A_206 = arith.constant 1 : i32
    %scan3A_207 = scf.for %scan3A_386 = %scan3A_203 to %scan3A_205 step %scan3A_206 iter_args(%scan3A_387 = %scan3A_202) -> (i32)  : i32 {
      %mul3A_388 = arith.constant 16 : i32
      %mul3A_389 = arith.muli %scan3A_386, %mul3A_388 : i32
      %get3A = arith.index_cast %mul3A_389 : i32 to index
      %get3A_390 = tpu.vector_load %arg6[%get3A] {strides = array<i32>} : memref<24576xf32, #tpu.memory_space<vmem>>, vector<16xf32>,
      %get3A_391 = vector.shape_cast %get3A_390 : vector<16xf32> to vector<16xf32>
      %get3A_392 = arith.index_cast %mul3A_389 : i32 to index
      %get3A_393 = tpu.vector_load %arg5[%get3A_392] {strides = array<i32>} : memref<24576xf32, #tpu.memory_space<vmem>>, vector<16xf32>,
      %get3A_394 = vector.shape_cast %get3A_393 : vector<16xf32> to vector<16xf32>
      %add3A_395 = arith.addf %get3A_391, %get3A_394 : vector<16xf32>
      %swap3A = arith.index_cast %mul3A_389 : i32 to index
      %swap3A_396 = tpu.vector_load %arg6[%swap3A] {strides = array<i32>} : memref<24576xf32, #tpu.memory_space<vmem>>, vector<16xf32>,
      %swap3A_397 = vector.shape_cast %swap3A_396 : vector<16xf32> to vector<16xf32>
      %swap3A_398 = vector.shape_cast %add3A_395 : vector<16xf32> to vector<16xf32>
      tpu.vector_store %arg6[%swap3A], %swap3A_398 {strides = array<i32>} : memref<24576xf32, #tpu.memory_space<vmem>>, vector<16xf32>,
      %scan3A_399 = arith.constant 0 : i32
      scf.yield %scan3A_399 : i32
    }
    %scan3A_208 = arith.constant 1536 : i32
    "tpu.region"() ({
      %run_scoped3A = tpu.sem_alloc : memref<!tpu.dma_semaphore, #tpu.memory_space<semaphore_mem>>
      %dma_start3A = tpu.memref_slice %arg4[%mul3A_201] : memref<25165824xf32, #tpu.memory_space<hbm>> -> memref<24576xf32, #tpu.memory_space<hbm>>
      %dma_start3A_386 = tpu.memref_slice %arg4[%mul3A_201] : memref<25165824xf32, #tpu.memory_space<hbm>> -> memref<24576xf32, #tpu.memory_space<hbm>>
      tpu.enqueue_dma source(%arg6 : memref<24576xf32, #tpu.memory_space<vmem>>) target(%dma_start3A_386 : memref<24576xf32, #tpu.memory_space<hbm>>) target_semaphore(%run_scoped3A : memref<!tpu.dma_semaphore, #tpu.memory_space<semaphore_mem>>)
      %dma_wait3A = tpu.memref_slice %arg4[%mul3A_201] : memref<25165824xf32, #tpu.memory_space<hbm>> -> memref<24576xf32, #tpu.memory_space<hbm>>
      %dma_wait3A_387 = tpu.memref_slice %arg4[%mul3A_201] : memref<25165824xf32, #tpu.memory_space<hbm>> -> memref<24576xf32, #tpu.memory_space<hbm>>
      tpu.wait_dma2 semaphore(%run_scoped3A : memref<!tpu.dma_semaphore, #tpu.memory_space<semaphore_mem>>) src(%arg6 : memref<24576xf32, #tpu.memory_space<vmem>>) dst(%dma_wait3A_387 : memref<24576xf32, #tpu.memory_space<hbm>>)
      tpu.yield
    }) : () -> ()
    %add3A_209 = arith.constant 8192 : i32
    %add3A_210 = arith.addi %add3A_209, %add3A_195 : i32
    %mul3A_211 = arith.constant 768 : i32
    %mul3A_212 = arith.muli %add3A_210, %mul3A_211 : i32
    "tpu.region"() ({
      %run_scoped3A = tpu.sem_alloc : memref<!tpu.dma_semaphore, #tpu.memory_space<semaphore_mem>>
      %dma_start3A = tpu.memref_slice %arg2[%mul3A_212] : memref<25165824xf32, #tpu.memory_space<hbm>> -> memref<24576xf32, #tpu.memory_space<hbm>>
      %dma_start3A_386 = tpu.memref_slice %arg2[%mul3A_212] : memref<25165824xf32, #tpu.memory_space<hbm>> -> memref<24576xf32, #tpu.memory_space<hbm>>
      tpu.enqueue_dma source(%dma_start3A_386 : memref<24576xf32, #tpu.memory_space<hbm>>) target(%arg6 : memref<24576xf32, #tpu.memory_space<vmem>>) target_semaphore(%run_scoped3A : memref<!tpu.dma_semaphore, #tpu.memory_space<semaphore_mem>>)
      %dma_wait3A = tpu.memref_slice %arg2[%mul3A_212] : memref<25165824xf32, #tpu.memory_space<hbm>> -> memref<24576xf32, #tpu.memory_space<hbm>>
      %dma_wait3A_387 = tpu.memref_slice %arg2[%mul3A_212] : memref<25165824xf32, #tpu.memory_space<hbm>> -> memref<24576xf32, #tpu.memory_space<hbm>>
      tpu.wait_dma2 semaphore(%run_scoped3A : memref<!tpu.dma_semaphore, #tpu.memory_space<semaphore_mem>>) src(%dma_wait3A_387 : memref<24576xf32, #tpu.memory_space<hbm>>) dst(%arg6 : memref<24576xf32, #tpu.memory_space<vmem>>)
      tpu.yield
    }) : () -> ()
    %scan3A_213 = arith.constant 0 : i32
    %scan3A_214 = arith.constant 0 : i32
    %scan3A_215 = arith.constant 1536 : i32
    %scan3A_216 = arith.addi %scan3A_214, %scan3A_215 : i32
    %scan3A_217 = arith.constant 1 : i32
    %scan3A_218 = scf.for %scan3A_386 = %scan3A_214 to %scan3A_216 step %scan3A_217 iter_args(%scan3A_387 = %scan3A_213) -> (i32)  : i32 {
      %mul3A_388 = arith.constant 16 : i32
      %mul3A_389 = arith.muli %scan3A_386, %mul3A_388 : i32
      %get3A = arith.index_cast %mul3A_389 : i32 to index
      %get3A_390 = tpu.vector_load %arg6[%get3A] {strides = array<i32>} : memref<24576xf32, #tpu.memory_space<vmem>>, vector<16xf32>,
      %get3A_391 = vector.shape_cast %get3A_390 : vector<16xf32> to vector<16xf32>
      %get3A_392 = arith.index_cast %mul3A_389 : i32 to index
      %get3A_393 = tpu.vector_load %arg5[%get3A_392] {strides = array<i32>} : memref<24576xf32, #tpu.memory_space<vmem>>, vector<16xf32>,
      %get3A_394 = vector.shape_cast %get3A_393 : vector<16xf32> to vector<16xf32>
      %add3A_395 = arith.addf %get3A_391, %get3A_394 : vector<16xf32>
      %swap3A = arith.index_cast %mul3A_389 : i32 to index
      %swap3A_396 = tpu.vector_load %arg6[%swap3A] {strides = array<i32>} : memref<24576xf32, #tpu.memory_space<vmem>>, vector<16xf32>,
      %swap3A_397 = vector.shape_cast %swap3A_396 : vector<16xf32> to vector<16xf32>
      %swap3A_398 = vector.shape_cast %add3A_395 : vector<16xf32> to vector<16xf32>
      tpu.vector_store %arg6[%swap3A], %swap3A_398 {strides = array<i32>} : memref<24576xf32, #tpu.memory_space<vmem>>, vector<16xf32>,
      %scan3A_399 = arith.constant 0 : i32
      scf.yield %scan3A_399 : i32
    }
    %scan3A_219 = arith.constant 1536 : i32
    "tpu.region"() ({
      %run_scoped3A = tpu.sem_alloc : memref<!tpu.dma_semaphore, #tpu.memory_space<semaphore_mem>>
      %dma_start3A = tpu.memref_slice %arg4[%mul3A_212] : memref<25165824xf32, #tpu.memory_space<hbm>> -> memref<24576xf32, #tpu.memory_space<hbm>>
      %dma_start3A_386 = tpu.memref_slice %arg4[%mul3A_212] : memref<25165824xf32, #tpu.memory_space<hbm>> -> memref<24576xf32, #tpu.memory_space<hbm>>
      tpu.enqueue_dma source(%arg6 : memref<24576xf32, #tpu.memory_space<vmem>>) target(%dma_start3A_386 : memref<24576xf32, #tpu.memory_space<hbm>>) target_semaphore(%run_scoped3A : memref<!tpu.dma_semaphore, #tpu.memory_space<semaphore_mem>>)
      %dma_wait3A = tpu.memref_slice %arg4[%mul3A_212] : memref<25165824xf32, #tpu.memory_space<hbm>> -> memref<24576xf32, #tpu.memory_space<hbm>>
      %dma_wait3A_387 = tpu.memref_slice %arg4[%mul3A_212] : memref<25165824xf32, #tpu.memory_space<hbm>> -> memref<24576xf32, #tpu.memory_space<hbm>>
      tpu.wait_dma2 semaphore(%run_scoped3A : memref<!tpu.dma_semaphore, #tpu.memory_space<semaphore_mem>>) src(%arg6 : memref<24576xf32, #tpu.memory_space<vmem>>) dst(%dma_wait3A_387 : memref<24576xf32, #tpu.memory_space<hbm>>)
      tpu.yield
    }) : () -> ()
    %add3A_220 = arith.constant 16384 : i32
    %add3A_221 = arith.addi %add3A_220, %add3A_195 : i32
    %mul3A_222 = arith.constant 768 : i32
    %mul3A_223 = arith.muli %add3A_221, %mul3A_222 : i32
    "tpu.region"() ({
      %run_scoped3A = tpu.sem_alloc : memref<!tpu.dma_semaphore, #tpu.memory_space<semaphore_mem>>
      %dma_start3A = tpu.memref_slice %arg2[%mul3A_223] : memref<25165824xf32, #tpu.memory_space<hbm>> -> memref<24576xf32, #tpu.memory_space<hbm>>
      %dma_start3A_386 = tpu.memref_slice %arg2[%mul3A_223] : memref<25165824xf32, #tpu.memory_space<hbm>> -> memref<24576xf32, #tpu.memory_space<hbm>>
      tpu.enqueue_dma source(%dma_start3A_386 : memref<24576xf32, #tpu.memory_space<hbm>>) target(%arg6 : memref<24576xf32, #tpu.memory_space<vmem>>) target_semaphore(%run_scoped3A : memref<!tpu.dma_semaphore, #tpu.memory_space<semaphore_mem>>)
      %dma_wait3A = tpu.memref_slice %arg2[%mul3A_223] : memref<25165824xf32, #tpu.memory_space<hbm>> -> memref<24576xf32, #tpu.memory_space<hbm>>
      %dma_wait3A_387 = tpu.memref_slice %arg2[%mul3A_223] : memref<25165824xf32, #tpu.memory_space<hbm>> -> memref<24576xf32, #tpu.memory_space<hbm>>
      tpu.wait_dma2 semaphore(%run_scoped3A : memref<!tpu.dma_semaphore, #tpu.memory_space<semaphore_mem>>) src(%dma_wait3A_387 : memref<24576xf32, #tpu.memory_space<hbm>>) dst(%arg6 : memref<24576xf32, #tpu.memory_space<vmem>>)
      tpu.yield
    }) : () -> ()
    %scan3A_224 = arith.constant 0 : i32
    %scan3A_225 = arith.constant 0 : i32
    %scan3A_226 = arith.constant 1536 : i32
    %scan3A_227 = arith.addi %scan3A_225, %scan3A_226 : i32
    %scan3A_228 = arith.constant 1 : i32
    %scan3A_229 = scf.for %scan3A_386 = %scan3A_225 to %scan3A_227 step %scan3A_228 iter_args(%scan3A_387 = %scan3A_224) -> (i32)  : i32 {
      %mul3A_388 = arith.constant 16 : i32
      %mul3A_389 = arith.muli %scan3A_386, %mul3A_388 : i32
      %get3A = arith.index_cast %mul3A_389 : i32 to index
      %get3A_390 = tpu.vector_load %arg6[%get3A] {strides = array<i32>} : memref<24576xf32, #tpu.memory_space<vmem>>, vector<16xf32>,
      %get3A_391 = vector.shape_cast %get3A_390 : vector<16xf32> to vector<16xf32>
      %get3A_392 = arith.index_cast %mul3A_389 : i32 to index
      %get3A_393 = tpu.vector_load %arg5[%get3A_392] {strides = array<i32>} : memref<24576xf32, #tpu.memory_space<vmem>>, vector<16xf32>,
      %get3A_394 = vector.shape_cast %get3A_393 : vector<16xf32> to vector<16xf32>
      %add3A_395 = arith.addf %get3A_391, %get3A_394 : vector<16xf32>
      %swap3A = arith.index_cast %mul3A_389 : i32 to index
      %swap3A_396 = tpu.vector_load %arg6[%swap3A] {strides = array<i32>} : memref<24576xf32, #tpu.memory_space<vmem>>, vector<16xf32>,
      %swap3A_397 = vector.shape_cast %swap3A_396 : vector<16xf32> to vector<16xf32>
      %swap3A_398 = vector.shape_cast %add3A_395 : vector<16xf32> to vector<16xf32>
      tpu.vector_store %arg6[%swap3A], %swap3A_398 {strides = array<i32>} : memref<24576xf32, #tpu.memory_space<vmem>>, vector<16xf32>,
      %scan3A_399 = arith.constant 0 : i32
      scf.yield %scan3A_399 : i32
    }
    %scan3A_230 = arith.constant 1536 : i32
    "tpu.region"() ({
      %run_scoped3A = tpu.sem_alloc : memref<!tpu.dma_semaphore, #tpu.memory_space<semaphore_mem>>
      %dma_start3A = tpu.memref_slice %arg4[%mul3A_223] : memref<25165824xf32, #tpu.memory_space<hbm>> -> memref<24576xf32, #tpu.memory_space<hbm>>
      %dma_start3A_386 = tpu.memref_slice %arg4[%mul3A_223] : memref<25165824xf32, #tpu.memory_space<hbm>> -> memref<24576xf32, #tpu.memory_space<hbm>>
      tpu.enqueue_dma source(%arg6 : memref<24576xf32, #tpu.memory_space<vmem>>) target(%dma_start3A_386 : memref<24576xf32, #tpu.memory_space<hbm>>) target_semaphore(%run_scoped3A : memref<!tpu.dma_semaphore, #tpu.memory_space<semaphore_mem>>)
      %dma_wait3A = tpu.memref_slice %arg4[%mul3A_223] : memref<25165824xf32, #tpu.memory_space<hbm>> -> memref<24576xf32, #tpu.memory_space<hbm>>
      %dma_wait3A_387 = tpu.memref_slice %arg4[%mul3A_223] : memref<25165824xf32, #tpu.memory_space<hbm>> -> memref<24576xf32, #tpu.memory_space<hbm>>
      tpu.wait_dma2 semaphore(%run_scoped3A : memref<!tpu.dma_semaphore, #tpu.memory_space<semaphore_mem>>) src(%arg6 : memref<24576xf32, #tpu.memory_space<vmem>>) dst(%dma_wait3A_387 : memref<24576xf32, #tpu.memory_space<hbm>>)
      tpu.yield
    }) : () -> ()
    %add3A_231 = arith.constant 24576 : i32
    %add3A_232 = arith.addi %add3A_231, %add3A_195 : i32
    %mul3A_233 = arith.constant 768 : i32
    %mul3A_234 = arith.muli %add3A_232, %mul3A_233 : i32
    "tpu.region"() ({
      %run_scoped3A = tpu.sem_alloc : memref<!tpu.dma_semaphore, #tpu.memory_space<semaphore_mem>>
      %dma_start3A = tpu.memref_slice %arg2[%mul3A_234] : memref<25165824xf32, #tpu.memory_space<hbm>> -> memref<24576xf32, #tpu.memory_space<hbm>>
      %dma_start3A_386 = tpu.memref_slice %arg2[%mul3A_234] : memref<25165824xf32, #tpu.memory_space<hbm>> -> memref<24576xf32, #tpu.memory_space<hbm>>
      tpu.enqueue_dma source(%dma_start3A_386 : memref<24576xf32, #tpu.memory_space<hbm>>) target(%arg6 : memref<24576xf32, #tpu.memory_space<vmem>>) target_semaphore(%run_scoped3A : memref<!tpu.dma_semaphore, #tpu.memory_space<semaphore_mem>>)
      %dma_wait3A = tpu.memref_slice %arg2[%mul3A_234] : memref<25165824xf32, #tpu.memory_space<hbm>> -> memref<24576xf32, #tpu.memory_space<hbm>>
      %dma_wait3A_387 = tpu.memref_slice %arg2[%mul3A_234] : memref<25165824xf32, #tpu.memory_space<hbm>> -> memref<24576xf32, #tpu.memory_space<hbm>>
      tpu.wait_dma2 semaphore(%run_scoped3A : memref<!tpu.dma_semaphore, #tpu.memory_space<semaphore_mem>>) src(%dma_wait3A_387 : memref<24576xf32, #tpu.memory_space<hbm>>) dst(%arg6 : memref<24576xf32, #tpu.memory_space<vmem>>)
      tpu.yield
    }) : () -> ()
    %scan3A_235 = arith.constant 0 : i32
    %scan3A_236 = arith.constant 0 : i32
    %scan3A_237 = arith.constant 1536 : i32
    %scan3A_238 = arith.addi %scan3A_236, %scan3A_237 : i32
    %scan3A_239 = arith.constant 1 : i32
    %scan3A_240 = scf.for %scan3A_386 = %scan3A_236 to %scan3A_238 step %scan3A_239 iter_args(%scan3A_387 = %scan3A_235) -> (i32)  : i32 {
      %mul3A_388 = arith.constant 16 : i32
      %mul3A_389 = arith.muli %scan3A_386, %mul3A_388 : i32
      %get3A = arith.index_cast %mul3A_389 : i32 to index
      %get3A_390 = tpu.vector_load %arg6[%get3A] {strides = array<i32>} : memref<24576xf32, #tpu.memory_space<vmem>>, vector<16xf32>,
      %get3A_391 = vector.shape_cast %get3A_390 : vector<16xf32> to vector<16xf32>
      %get3A_392 = arith.index_cast %mul3A_389 : i32 to index
      %get3A_393 = tpu.vector_load %arg5[%get3A_392] {strides = array<i32>} : memref<24576xf32, #tpu.memory_space<vmem>>, vector<16xf32>,
      %get3A_394 = vector.shape_cast %get3A_393 : vector<16xf32> to vector<16xf32>
      %add3A_395 = arith.addf %get3A_391, %get3A_394 : vector<16xf32>
      %swap3A = arith.index_cast %mul3A_389 : i32 to index
      %swap3A_396 = tpu.vector_load %arg6[%swap3A] {strides = array<i32>} : memref<24576xf32, #tpu.memory_space<vmem>>, vector<16xf32>,
      %swap3A_397 = vector.shape_cast %swap3A_396 : vector<16xf32> to vector<16xf32>
      %swap3A_398 = vector.shape_cast %add3A_395 : vector<16xf32> to vector<16xf32>
      tpu.vector_store %arg6[%swap3A], %swap3A_398 {strides = array<i32>} : memref<24576xf32, #tpu.memory_space<vmem>>, vector<16xf32>,
      %scan3A_399 = arith.constant 0 : i32
      scf.yield %scan3A_399 : i32
    }
    %scan3A_241 = arith.constant 1536 : i32
    "tpu.region"() ({
      %run_scoped3A = tpu.sem_alloc : memref<!tpu.dma_semaphore, #tpu.memory_space<semaphore_mem>>
      %dma_start3A = tpu.memref_slice %arg4[%mul3A_234] : memref<25165824xf32, #tpu.memory_space<hbm>> -> memref<24576xf32, #tpu.memory_space<hbm>>
      %dma_start3A_386 = tpu.memref_slice %arg4[%mul3A_234] : memref<25165824xf32, #tpu.memory_space<hbm>> -> memref<24576xf32, #tpu.memory_space<hbm>>
      tpu.enqueue_dma source(%arg6 : memref<24576xf32, #tpu.memory_space<vmem>>) target(%dma_start3A_386 : memref<24576xf32, #tpu.memory_space<hbm>>) target_semaphore(%run_scoped3A : memref<!tpu.dma_semaphore, #tpu.memory_space<semaphore_mem>>)
      %dma_wait3A = tpu.memref_slice %arg4[%mul3A_234] : memref<25165824xf32, #tpu.memory_space<hbm>> -> memref<24576xf32, #tpu.memory_space<hbm>>
      %dma_wait3A_387 = tpu.memref_slice %arg4[%mul3A_234] : memref<25165824xf32, #tpu.memory_space<hbm>> -> memref<24576xf32, #tpu.memory_space<hbm>>
      tpu.wait_dma2 semaphore(%run_scoped3A : memref<!tpu.dma_semaphore, #tpu.memory_space<semaphore_mem>>) src(%arg6 : memref<24576xf32, #tpu.memory_space<vmem>>) dst(%dma_wait3A_387 : memref<24576xf32, #tpu.memory_space<hbm>>)
      tpu.yield
    }) : () -> ()
    %add3A_242 = arith.constant 160 : i32
    %add3A_243 = arith.addi %mul3A_2, %add3A_242 : i32
    %mul3A_244 = arith.constant 768 : i32
    %mul3A_245 = arith.muli %add3A_243, %mul3A_244 : i32
    "tpu.region"() ({
      %run_scoped3A = tpu.sem_alloc : memref<!tpu.dma_semaphore, #tpu.memory_space<semaphore_mem>>
      %dma_start3A = tpu.memref_slice %arg3[%mul3A_245] : memref<6291456xf32, #tpu.memory_space<hbm>> -> memref<24576xf32, #tpu.memory_space<hbm>>
      %dma_start3A_386 = tpu.memref_slice %arg3[%mul3A_245] : memref<6291456xf32, #tpu.memory_space<hbm>> -> memref<24576xf32, #tpu.memory_space<hbm>>
      tpu.enqueue_dma source(%dma_start3A_386 : memref<24576xf32, #tpu.memory_space<hbm>>) target(%arg5 : memref<24576xf32, #tpu.memory_space<vmem>>) target_semaphore(%run_scoped3A : memref<!tpu.dma_semaphore, #tpu.memory_space<semaphore_mem>>)
      %dma_wait3A = tpu.memref_slice %arg3[%mul3A_245] : memref<6291456xf32, #tpu.memory_space<hbm>> -> memref<24576xf32, #tpu.memory_space<hbm>>
      %dma_wait3A_387 = tpu.memref_slice %arg3[%mul3A_245] : memref<6291456xf32, #tpu.memory_space<hbm>> -> memref<24576xf32, #tpu.memory_space<hbm>>
      tpu.wait_dma2 semaphore(%run_scoped3A : memref<!tpu.dma_semaphore, #tpu.memory_space<semaphore_mem>>) src(%dma_wait3A_387 : memref<24576xf32, #tpu.memory_space<hbm>>) dst(%arg5 : memref<24576xf32, #tpu.memory_space<vmem>>)
      tpu.yield
    }) : () -> ()
    %add3A_246 = arith.constant 0 : i32
    %add3A_247 = arith.addi %add3A_246, %add3A_243 : i32
    %mul3A_248 = arith.constant 768 : i32
    %mul3A_249 = arith.muli %add3A_247, %mul3A_248 : i32
    "tpu.region"() ({
      %run_scoped3A = tpu.sem_alloc : memref<!tpu.dma_semaphore, #tpu.memory_space<semaphore_mem>>
      %dma_start3A = tpu.memref_slice %arg2[%mul3A_249] : memref<25165824xf32, #tpu.memory_space<hbm>> -> memref<24576xf32, #tpu.memory_space<hbm>>
      %dma_start3A_386 = tpu.memref_slice %arg2[%mul3A_249] : memref<25165824xf32, #tpu.memory_space<hbm>> -> memref<24576xf32, #tpu.memory_space<hbm>>
      tpu.enqueue_dma source(%dma_start3A_386 : memref<24576xf32, #tpu.memory_space<hbm>>) target(%arg6 : memref<24576xf32, #tpu.memory_space<vmem>>) target_semaphore(%run_scoped3A : memref<!tpu.dma_semaphore, #tpu.memory_space<semaphore_mem>>)
      %dma_wait3A = tpu.memref_slice %arg2[%mul3A_249] : memref<25165824xf32, #tpu.memory_space<hbm>> -> memref<24576xf32, #tpu.memory_space<hbm>>
      %dma_wait3A_387 = tpu.memref_slice %arg2[%mul3A_249] : memref<25165824xf32, #tpu.memory_space<hbm>> -> memref<24576xf32, #tpu.memory_space<hbm>>
      tpu.wait_dma2 semaphore(%run_scoped3A : memref<!tpu.dma_semaphore, #tpu.memory_space<semaphore_mem>>) src(%dma_wait3A_387 : memref<24576xf32, #tpu.memory_space<hbm>>) dst(%arg6 : memref<24576xf32, #tpu.memory_space<vmem>>)
      tpu.yield
    }) : () -> ()
    %scan3A_250 = arith.constant 0 : i32
    %scan3A_251 = arith.constant 0 : i32
    %scan3A_252 = arith.constant 1536 : i32
    %scan3A_253 = arith.addi %scan3A_251, %scan3A_252 : i32
    %scan3A_254 = arith.constant 1 : i32
    %scan3A_255 = scf.for %scan3A_386 = %scan3A_251 to %scan3A_253 step %scan3A_254 iter_args(%scan3A_387 = %scan3A_250) -> (i32)  : i32 {
      %mul3A_388 = arith.constant 16 : i32
      %mul3A_389 = arith.muli %scan3A_386, %mul3A_388 : i32
      %get3A = arith.index_cast %mul3A_389 : i32 to index
      %get3A_390 = tpu.vector_load %arg6[%get3A] {strides = array<i32>} : memref<24576xf32, #tpu.memory_space<vmem>>, vector<16xf32>,
      %get3A_391 = vector.shape_cast %get3A_390 : vector<16xf32> to vector<16xf32>
      %get3A_392 = arith.index_cast %mul3A_389 : i32 to index
      %get3A_393 = tpu.vector_load %arg5[%get3A_392] {strides = array<i32>} : memref<24576xf32, #tpu.memory_space<vmem>>, vector<16xf32>,
      %get3A_394 = vector.shape_cast %get3A_393 : vector<16xf32> to vector<16xf32>
      %add3A_395 = arith.addf %get3A_391, %get3A_394 : vector<16xf32>
      %swap3A = arith.index_cast %mul3A_389 : i32 to index
      %swap3A_396 = tpu.vector_load %arg6[%swap3A] {strides = array<i32>} : memref<24576xf32, #tpu.memory_space<vmem>>, vector<16xf32>,
      %swap3A_397 = vector.shape_cast %swap3A_396 : vector<16xf32> to vector<16xf32>
      %swap3A_398 = vector.shape_cast %add3A_395 : vector<16xf32> to vector<16xf32>
      tpu.vector_store %arg6[%swap3A], %swap3A_398 {strides = array<i32>} : memref<24576xf32, #tpu.memory_space<vmem>>, vector<16xf32>,
      %scan3A_399 = arith.constant 0 : i32
      scf.yield %scan3A_399 : i32
    }
    %scan3A_256 = arith.constant 1536 : i32
    "tpu.region"() ({
      %run_scoped3A = tpu.sem_alloc : memref<!tpu.dma_semaphore, #tpu.memory_space<semaphore_mem>>
      %dma_start3A = tpu.memref_slice %arg4[%mul3A_249] : memref<25165824xf32, #tpu.memory_space<hbm>> -> memref<24576xf32, #tpu.memory_space<hbm>>
      %dma_start3A_386 = tpu.memref_slice %arg4[%mul3A_249] : memref<25165824xf32, #tpu.memory_space<hbm>> -> memref<24576xf32, #tpu.memory_space<hbm>>
      tpu.enqueue_dma source(%arg6 : memref<24576xf32, #tpu.memory_space<vmem>>) target(%dma_start3A_386 : memref<24576xf32, #tpu.memory_space<hbm>>) target_semaphore(%run_scoped3A : memref<!tpu.dma_semaphore, #tpu.memory_space<semaphore_mem>>)
      %dma_wait3A = tpu.memref_slice %arg4[%mul3A_249] : memref<25165824xf32, #tpu.memory_space<hbm>> -> memref<24576xf32, #tpu.memory_space<hbm>>
      %dma_wait3A_387 = tpu.memref_slice %arg4[%mul3A_249] : memref<25165824xf32, #tpu.memory_space<hbm>> -> memref<24576xf32, #tpu.memory_space<hbm>>
      tpu.wait_dma2 semaphore(%run_scoped3A : memref<!tpu.dma_semaphore, #tpu.memory_space<semaphore_mem>>) src(%arg6 : memref<24576xf32, #tpu.memory_space<vmem>>) dst(%dma_wait3A_387 : memref<24576xf32, #tpu.memory_space<hbm>>)
      tpu.yield
    }) : () -> ()
    %add3A_257 = arith.constant 8192 : i32
    %add3A_258 = arith.addi %add3A_257, %add3A_243 : i32
    %mul3A_259 = arith.constant 768 : i32
    %mul3A_260 = arith.muli %add3A_258, %mul3A_259 : i32
    "tpu.region"() ({
      %run_scoped3A = tpu.sem_alloc : memref<!tpu.dma_semaphore, #tpu.memory_space<semaphore_mem>>
      %dma_start3A = tpu.memref_slice %arg2[%mul3A_260] : memref<25165824xf32, #tpu.memory_space<hbm>> -> memref<24576xf32, #tpu.memory_space<hbm>>
      %dma_start3A_386 = tpu.memref_slice %arg2[%mul3A_260] : memref<25165824xf32, #tpu.memory_space<hbm>> -> memref<24576xf32, #tpu.memory_space<hbm>>
      tpu.enqueue_dma source(%dma_start3A_386 : memref<24576xf32, #tpu.memory_space<hbm>>) target(%arg6 : memref<24576xf32, #tpu.memory_space<vmem>>) target_semaphore(%run_scoped3A : memref<!tpu.dma_semaphore, #tpu.memory_space<semaphore_mem>>)
      %dma_wait3A = tpu.memref_slice %arg2[%mul3A_260] : memref<25165824xf32, #tpu.memory_space<hbm>> -> memref<24576xf32, #tpu.memory_space<hbm>>
      %dma_wait3A_387 = tpu.memref_slice %arg2[%mul3A_260] : memref<25165824xf32, #tpu.memory_space<hbm>> -> memref<24576xf32, #tpu.memory_space<hbm>>
      tpu.wait_dma2 semaphore(%run_scoped3A : memref<!tpu.dma_semaphore, #tpu.memory_space<semaphore_mem>>) src(%dma_wait3A_387 : memref<24576xf32, #tpu.memory_space<hbm>>) dst(%arg6 : memref<24576xf32, #tpu.memory_space<vmem>>)
      tpu.yield
    }) : () -> ()
    %scan3A_261 = arith.constant 0 : i32
    %scan3A_262 = arith.constant 0 : i32
    %scan3A_263 = arith.constant 1536 : i32
    %scan3A_264 = arith.addi %scan3A_262, %scan3A_263 : i32
    %scan3A_265 = arith.constant 1 : i32
    %scan3A_266 = scf.for %scan3A_386 = %scan3A_262 to %scan3A_264 step %scan3A_265 iter_args(%scan3A_387 = %scan3A_261) -> (i32)  : i32 {
      %mul3A_388 = arith.constant 16 : i32
      %mul3A_389 = arith.muli %scan3A_386, %mul3A_388 : i32
      %get3A = arith.index_cast %mul3A_389 : i32 to index
      %get3A_390 = tpu.vector_load %arg6[%get3A] {strides = array<i32>} : memref<24576xf32, #tpu.memory_space<vmem>>, vector<16xf32>,
      %get3A_391 = vector.shape_cast %get3A_390 : vector<16xf32> to vector<16xf32>
      %get3A_392 = arith.index_cast %mul3A_389 : i32 to index
      %get3A_393 = tpu.vector_load %arg5[%get3A_392] {strides = array<i32>} : memref<24576xf32, #tpu.memory_space<vmem>>, vector<16xf32>,
      %get3A_394 = vector.shape_cast %get3A_393 : vector<16xf32> to vector<16xf32>
      %add3A_395 = arith.addf %get3A_391, %get3A_394 : vector<16xf32>
      %swap3A = arith.index_cast %mul3A_389 : i32 to index
      %swap3A_396 = tpu.vector_load %arg6[%swap3A] {strides = array<i32>} : memref<24576xf32, #tpu.memory_space<vmem>>, vector<16xf32>,
      %swap3A_397 = vector.shape_cast %swap3A_396 : vector<16xf32> to vector<16xf32>
      %swap3A_398 = vector.shape_cast %add3A_395 : vector<16xf32> to vector<16xf32>
      tpu.vector_store %arg6[%swap3A], %swap3A_398 {strides = array<i32>} : memref<24576xf32, #tpu.memory_space<vmem>>, vector<16xf32>,
      %scan3A_399 = arith.constant 0 : i32
      scf.yield %scan3A_399 : i32
    }
    %scan3A_267 = arith.constant 1536 : i32
    "tpu.region"() ({
      %run_scoped3A = tpu.sem_alloc : memref<!tpu.dma_semaphore, #tpu.memory_space<semaphore_mem>>
      %dma_start3A = tpu.memref_slice %arg4[%mul3A_260] : memref<25165824xf32, #tpu.memory_space<hbm>> -> memref<24576xf32, #tpu.memory_space<hbm>>
      %dma_start3A_386 = tpu.memref_slice %arg4[%mul3A_260] : memref<25165824xf32, #tpu.memory_space<hbm>> -> memref<24576xf32, #tpu.memory_space<hbm>>
      tpu.enqueue_dma source(%arg6 : memref<24576xf32, #tpu.memory_space<vmem>>) target(%dma_start3A_386 : memref<24576xf32, #tpu.memory_space<hbm>>) target_semaphore(%run_scoped3A : memref<!tpu.dma_semaphore, #tpu.memory_space<semaphore_mem>>)
      %dma_wait3A = tpu.memref_slice %arg4[%mul3A_260] : memref<25165824xf32, #tpu.memory_space<hbm>> -> memref<24576xf32, #tpu.memory_space<hbm>>
      %dma_wait3A_387 = tpu.memref_slice %arg4[%mul3A_260] : memref<25165824xf32, #tpu.memory_space<hbm>> -> memref<24576xf32, #tpu.memory_space<hbm>>
      tpu.wait_dma2 semaphore(%run_scoped3A : memref<!tpu.dma_semaphore, #tpu.memory_space<semaphore_mem>>) src(%arg6 : memref<24576xf32, #tpu.memory_space<vmem>>) dst(%dma_wait3A_387 : memref<24576xf32, #tpu.memory_space<hbm>>)
      tpu.yield
    }) : () -> ()
    %add3A_268 = arith.constant 16384 : i32
    %add3A_269 = arith.addi %add3A_268, %add3A_243 : i32
    %mul3A_270 = arith.constant 768 : i32
    %mul3A_271 = arith.muli %add3A_269, %mul3A_270 : i32
    "tpu.region"() ({
      %run_scoped3A = tpu.sem_alloc : memref<!tpu.dma_semaphore, #tpu.memory_space<semaphore_mem>>
      %dma_start3A = tpu.memref_slice %arg2[%mul3A_271] : memref<25165824xf32, #tpu.memory_space<hbm>> -> memref<24576xf32, #tpu.memory_space<hbm>>
      %dma_start3A_386 = tpu.memref_slice %arg2[%mul3A_271] : memref<25165824xf32, #tpu.memory_space<hbm>> -> memref<24576xf32, #tpu.memory_space<hbm>>
      tpu.enqueue_dma source(%dma_start3A_386 : memref<24576xf32, #tpu.memory_space<hbm>>) target(%arg6 : memref<24576xf32, #tpu.memory_space<vmem>>) target_semaphore(%run_scoped3A : memref<!tpu.dma_semaphore, #tpu.memory_space<semaphore_mem>>)
      %dma_wait3A = tpu.memref_slice %arg2[%mul3A_271] : memref<25165824xf32, #tpu.memory_space<hbm>> -> memref<24576xf32, #tpu.memory_space<hbm>>
      %dma_wait3A_387 = tpu.memref_slice %arg2[%mul3A_271] : memref<25165824xf32, #tpu.memory_space<hbm>> -> memref<24576xf32, #tpu.memory_space<hbm>>
      tpu.wait_dma2 semaphore(%run_scoped3A : memref<!tpu.dma_semaphore, #tpu.memory_space<semaphore_mem>>) src(%dma_wait3A_387 : memref<24576xf32, #tpu.memory_space<hbm>>) dst(%arg6 : memref<24576xf32, #tpu.memory_space<vmem>>)
      tpu.yield
    }) : () -> ()
    %scan3A_272 = arith.constant 0 : i32
    %scan3A_273 = arith.constant 0 : i32
    %scan3A_274 = arith.constant 1536 : i32
    %scan3A_275 = arith.addi %scan3A_273, %scan3A_274 : i32
    %scan3A_276 = arith.constant 1 : i32
    %scan3A_277 = scf.for %scan3A_386 = %scan3A_273 to %scan3A_275 step %scan3A_276 iter_args(%scan3A_387 = %scan3A_272) -> (i32)  : i32 {
      %mul3A_388 = arith.constant 16 : i32
      %mul3A_389 = arith.muli %scan3A_386, %mul3A_388 : i32
      %get3A = arith.index_cast %mul3A_389 : i32 to index
      %get3A_390 = tpu.vector_load %arg6[%get3A] {strides = array<i32>} : memref<24576xf32, #tpu.memory_space<vmem>>, vector<16xf32>,
      %get3A_391 = vector.shape_cast %get3A_390 : vector<16xf32> to vector<16xf32>
      %get3A_392 = arith.index_cast %mul3A_389 : i32 to index
      %get3A_393 = tpu.vector_load %arg5[%get3A_392] {strides = array<i32>} : memref<24576xf32, #tpu.memory_space<vmem>>, vector<16xf32>,
      %get3A_394 = vector.shape_cast %get3A_393 : vector<16xf32> to vector<16xf32>
      %add3A_395 = arith.addf %get3A_391, %get3A_394 : vector<16xf32>
      %swap3A = arith.index_cast %mul3A_389 : i32 to index
      %swap3A_396 = tpu.vector_load %arg6[%swap3A] {strides = array<i32>} : memref<24576xf32, #tpu.memory_space<vmem>>, vector<16xf32>,
      %swap3A_397 = vector.shape_cast %swap3A_396 : vector<16xf32> to vector<16xf32>
      %swap3A_398 = vector.shape_cast %add3A_395 : vector<16xf32> to vector<16xf32>
      tpu.vector_store %arg6[%swap3A], %swap3A_398 {strides = array<i32>} : memref<24576xf32, #tpu.memory_space<vmem>>, vector<16xf32>,
      %scan3A_399 = arith.constant 0 : i32
      scf.yield %scan3A_399 : i32
    }
    %scan3A_278 = arith.constant 1536 : i32
    "tpu.region"() ({
      %run_scoped3A = tpu.sem_alloc : memref<!tpu.dma_semaphore, #tpu.memory_space<semaphore_mem>>
      %dma_start3A = tpu.memref_slice %arg4[%mul3A_271] : memref<25165824xf32, #tpu.memory_space<hbm>> -> memref<24576xf32, #tpu.memory_space<hbm>>
      %dma_start3A_386 = tpu.memref_slice %arg4[%mul3A_271] : memref<25165824xf32, #tpu.memory_space<hbm>> -> memref<24576xf32, #tpu.memory_space<hbm>>
      tpu.enqueue_dma source(%arg6 : memref<24576xf32, #tpu.memory_space<vmem>>) target(%dma_start3A_386 : memref<24576xf32, #tpu.memory_space<hbm>>) target_semaphore(%run_scoped3A : memref<!tpu.dma_semaphore, #tpu.memory_space<semaphore_mem>>)
      %dma_wait3A = tpu.memref_slice %arg4[%mul3A_271] : memref<25165824xf32, #tpu.memory_space<hbm>> -> memref<24576xf32, #tpu.memory_space<hbm>>
      %dma_wait3A_387 = tpu.memref_slice %arg4[%mul3A_271] : memref<25165824xf32, #tpu.memory_space<hbm>> -> memref<24576xf32, #tpu.memory_space<hbm>>
      tpu.wait_dma2 semaphore(%run_scoped3A : memref<!tpu.dma_semaphore, #tpu.memory_space<semaphore_mem>>) src(%arg6 : memref<24576xf32, #tpu.memory_space<vmem>>) dst(%dma_wait3A_387 : memref<24576xf32, #tpu.memory_space<hbm>>)
      tpu.yield
    }) : () -> ()
    %add3A_279 = arith.constant 24576 : i32
    %add3A_280 = arith.addi %add3A_279, %add3A_243 : i32
    %mul3A_281 = arith.constant 768 : i32
    %mul3A_282 = arith.muli %add3A_280, %mul3A_281 : i32
    "tpu.region"() ({
      %run_scoped3A = tpu.sem_alloc : memref<!tpu.dma_semaphore, #tpu.memory_space<semaphore_mem>>
      %dma_start3A = tpu.memref_slice %arg2[%mul3A_282] : memref<25165824xf32, #tpu.memory_space<hbm>> -> memref<24576xf32, #tpu.memory_space<hbm>>
      %dma_start3A_386 = tpu.memref_slice %arg2[%mul3A_282] : memref<25165824xf32, #tpu.memory_space<hbm>> -> memref<24576xf32, #tpu.memory_space<hbm>>
      tpu.enqueue_dma source(%dma_start3A_386 : memref<24576xf32, #tpu.memory_space<hbm>>) target(%arg6 : memref<24576xf32, #tpu.memory_space<vmem>>) target_semaphore(%run_scoped3A : memref<!tpu.dma_semaphore, #tpu.memory_space<semaphore_mem>>)
      %dma_wait3A = tpu.memref_slice %arg2[%mul3A_282] : memref<25165824xf32, #tpu.memory_space<hbm>> -> memref<24576xf32, #tpu.memory_space<hbm>>
      %dma_wait3A_387 = tpu.memref_slice %arg2[%mul3A_282] : memref<25165824xf32, #tpu.memory_space<hbm>> -> memref<24576xf32, #tpu.memory_space<hbm>>
      tpu.wait_dma2 semaphore(%run_scoped3A : memref<!tpu.dma_semaphore, #tpu.memory_space<semaphore_mem>>) src(%dma_wait3A_387 : memref<24576xf32, #tpu.memory_space<hbm>>) dst(%arg6 : memref<24576xf32, #tpu.memory_space<vmem>>)
      tpu.yield
    }) : () -> ()
    %scan3A_283 = arith.constant 0 : i32
    %scan3A_284 = arith.constant 0 : i32
    %scan3A_285 = arith.constant 1536 : i32
    %scan3A_286 = arith.addi %scan3A_284, %scan3A_285 : i32
    %scan3A_287 = arith.constant 1 : i32
    %scan3A_288 = scf.for %scan3A_386 = %scan3A_284 to %scan3A_286 step %scan3A_287 iter_args(%scan3A_387 = %scan3A_283) -> (i32)  : i32 {
      %mul3A_388 = arith.constant 16 : i32
      %mul3A_389 = arith.muli %scan3A_386, %mul3A_388 : i32
      %get3A = arith.index_cast %mul3A_389 : i32 to index
      %get3A_390 = tpu.vector_load %arg6[%get3A] {strides = array<i32>} : memref<24576xf32, #tpu.memory_space<vmem>>, vector<16xf32>,
      %get3A_391 = vector.shape_cast %get3A_390 : vector<16xf32> to vector<16xf32>
      %get3A_392 = arith.index_cast %mul3A_389 : i32 to index
      %get3A_393 = tpu.vector_load %arg5[%get3A_392] {strides = array<i32>} : memref<24576xf32, #tpu.memory_space<vmem>>, vector<16xf32>,
      %get3A_394 = vector.shape_cast %get3A_393 : vector<16xf32> to vector<16xf32>
      %add3A_395 = arith.addf %get3A_391, %get3A_394 : vector<16xf32>
      %swap3A = arith.index_cast %mul3A_389 : i32 to index
      %swap3A_396 = tpu.vector_load %arg6[%swap3A] {strides = array<i32>} : memref<24576xf32, #tpu.memory_space<vmem>>, vector<16xf32>,
      %swap3A_397 = vector.shape_cast %swap3A_396 : vector<16xf32> to vector<16xf32>
      %swap3A_398 = vector.shape_cast %add3A_395 : vector<16xf32> to vector<16xf32>
      tpu.vector_store %arg6[%swap3A], %swap3A_398 {strides = array<i32>} : memref<24576xf32, #tpu.memory_space<vmem>>, vector<16xf32>,
      %scan3A_399 = arith.constant 0 : i32
      scf.yield %scan3A_399 : i32
    }
    %scan3A_289 = arith.constant 1536 : i32
    "tpu.region"() ({
      %run_scoped3A = tpu.sem_alloc : memref<!tpu.dma_semaphore, #tpu.memory_space<semaphore_mem>>
      %dma_start3A = tpu.memref_slice %arg4[%mul3A_282] : memref<25165824xf32, #tpu.memory_space<hbm>> -> memref<24576xf32, #tpu.memory_space<hbm>>
      %dma_start3A_386 = tpu.memref_slice %arg4[%mul3A_282] : memref<25165824xf32, #tpu.memory_space<hbm>> -> memref<24576xf32, #tpu.memory_space<hbm>>
      tpu.enqueue_dma source(%arg6 : memref<24576xf32, #tpu.memory_space<vmem>>) target(%dma_start3A_386 : memref<24576xf32, #tpu.memory_space<hbm>>) target_semaphore(%run_scoped3A : memref<!tpu.dma_semaphore, #tpu.memory_space<semaphore_mem>>)
      %dma_wait3A = tpu.memref_slice %arg4[%mul3A_282] : memref<25165824xf32, #tpu.memory_space<hbm>> -> memref<24576xf32, #tpu.memory_space<hbm>>
      %dma_wait3A_387 = tpu.memref_slice %arg4[%mul3A_282] : memref<25165824xf32, #tpu.memory_space<hbm>> -> memref<24576xf32, #tpu.memory_space<hbm>>
      tpu.wait_dma2 semaphore(%run_scoped3A : memref<!tpu.dma_semaphore, #tpu.memory_space<semaphore_mem>>) src(%arg6 : memref<24576xf32, #tpu.memory_space<vmem>>) dst(%dma_wait3A_387 : memref<24576xf32, #tpu.memory_space<hbm>>)
      tpu.yield
    }) : () -> ()
    %add3A_290 = arith.constant 192 : i32
    %add3A_291 = arith.addi %mul3A_2, %add3A_290 : i32
    %mul3A_292 = arith.constant 768 : i32
    %mul3A_293 = arith.muli %add3A_291, %mul3A_292 : i32
    "tpu.region"() ({
      %run_scoped3A = tpu.sem_alloc : memref<!tpu.dma_semaphore, #tpu.memory_space<semaphore_mem>>
      %dma_start3A = tpu.memref_slice %arg3[%mul3A_293] : memref<6291456xf32, #tpu.memory_space<hbm>> -> memref<24576xf32, #tpu.memory_space<hbm>>
      %dma_start3A_386 = tpu.memref_slice %arg3[%mul3A_293] : memref<6291456xf32, #tpu.memory_space<hbm>> -> memref<24576xf32, #tpu.memory_space<hbm>>
      tpu.enqueue_dma source(%dma_start3A_386 : memref<24576xf32, #tpu.memory_space<hbm>>) target(%arg5 : memref<24576xf32, #tpu.memory_space<vmem>>) target_semaphore(%run_scoped3A : memref<!tpu.dma_semaphore, #tpu.memory_space<semaphore_mem>>)
      %dma_wait3A = tpu.memref_slice %arg3[%mul3A_293] : memref<6291456xf32, #tpu.memory_space<hbm>> -> memref<24576xf32, #tpu.memory_space<hbm>>
      %dma_wait3A_387 = tpu.memref_slice %arg3[%mul3A_293] : memref<6291456xf32, #tpu.memory_space<hbm>> -> memref<24576xf32, #tpu.memory_space<hbm>>
      tpu.wait_dma2 semaphore(%run_scoped3A : memref<!tpu.dma_semaphore, #tpu.memory_space<semaphore_mem>>) src(%dma_wait3A_387 : memref<24576xf32, #tpu.memory_space<hbm>>) dst(%arg5 : memref<24576xf32, #tpu.memory_space<vmem>>)
      tpu.yield
    }) : () -> ()
    %add3A_294 = arith.constant 0 : i32
    %add3A_295 = arith.addi %add3A_294, %add3A_291 : i32
    %mul3A_296 = arith.constant 768 : i32
    %mul3A_297 = arith.muli %add3A_295, %mul3A_296 : i32
    "tpu.region"() ({
      %run_scoped3A = tpu.sem_alloc : memref<!tpu.dma_semaphore, #tpu.memory_space<semaphore_mem>>
      %dma_start3A = tpu.memref_slice %arg2[%mul3A_297] : memref<25165824xf32, #tpu.memory_space<hbm>> -> memref<24576xf32, #tpu.memory_space<hbm>>
      %dma_start3A_386 = tpu.memref_slice %arg2[%mul3A_297] : memref<25165824xf32, #tpu.memory_space<hbm>> -> memref<24576xf32, #tpu.memory_space<hbm>>
      tpu.enqueue_dma source(%dma_start3A_386 : memref<24576xf32, #tpu.memory_space<hbm>>) target(%arg6 : memref<24576xf32, #tpu.memory_space<vmem>>) target_semaphore(%run_scoped3A : memref<!tpu.dma_semaphore, #tpu.memory_space<semaphore_mem>>)
      %dma_wait3A = tpu.memref_slice %arg2[%mul3A_297] : memref<25165824xf32, #tpu.memory_space<hbm>> -> memref<24576xf32, #tpu.memory_space<hbm>>
      %dma_wait3A_387 = tpu.memref_slice %arg2[%mul3A_297] : memref<25165824xf32, #tpu.memory_space<hbm>> -> memref<24576xf32, #tpu.memory_space<hbm>>
      tpu.wait_dma2 semaphore(%run_scoped3A : memref<!tpu.dma_semaphore, #tpu.memory_space<semaphore_mem>>) src(%dma_wait3A_387 : memref<24576xf32, #tpu.memory_space<hbm>>) dst(%arg6 : memref<24576xf32, #tpu.memory_space<vmem>>)
      tpu.yield
    }) : () -> ()
    %scan3A_298 = arith.constant 0 : i32
    %scan3A_299 = arith.constant 0 : i32
    %scan3A_300 = arith.constant 1536 : i32
    %scan3A_301 = arith.addi %scan3A_299, %scan3A_300 : i32
    %scan3A_302 = arith.constant 1 : i32
    %scan3A_303 = scf.for %scan3A_386 = %scan3A_299 to %scan3A_301 step %scan3A_302 iter_args(%scan3A_387 = %scan3A_298) -> (i32)  : i32 {
      %mul3A_388 = arith.constant 16 : i32
      %mul3A_389 = arith.muli %scan3A_386, %mul3A_388 : i32
      %get3A = arith.index_cast %mul3A_389 : i32 to index
      %get3A_390 = tpu.vector_load %arg6[%get3A] {strides = array<i32>} : memref<24576xf32, #tpu.memory_space<vmem>>, vector<16xf32>,
      %get3A_391 = vector.shape_cast %get3A_390 : vector<16xf32> to vector<16xf32>
      %get3A_392 = arith.index_cast %mul3A_389 : i32 to index
      %get3A_393 = tpu.vector_load %arg5[%get3A_392] {strides = array<i32>} : memref<24576xf32, #tpu.memory_space<vmem>>, vector<16xf32>,
      %get3A_394 = vector.shape_cast %get3A_393 : vector<16xf32> to vector<16xf32>
      %add3A_395 = arith.addf %get3A_391, %get3A_394 : vector<16xf32>
      %swap3A = arith.index_cast %mul3A_389 : i32 to index
      %swap3A_396 = tpu.vector_load %arg6[%swap3A] {strides = array<i32>} : memref<24576xf32, #tpu.memory_space<vmem>>, vector<16xf32>,
      %swap3A_397 = vector.shape_cast %swap3A_396 : vector<16xf32> to vector<16xf32>
      %swap3A_398 = vector.shape_cast %add3A_395 : vector<16xf32> to vector<16xf32>
      tpu.vector_store %arg6[%swap3A], %swap3A_398 {strides = array<i32>} : memref<24576xf32, #tpu.memory_space<vmem>>, vector<16xf32>,
      %scan3A_399 = arith.constant 0 : i32
      scf.yield %scan3A_399 : i32
    }
    %scan3A_304 = arith.constant 1536 : i32
    "tpu.region"() ({
      %run_scoped3A = tpu.sem_alloc : memref<!tpu.dma_semaphore, #tpu.memory_space<semaphore_mem>>
      %dma_start3A = tpu.memref_slice %arg4[%mul3A_297] : memref<25165824xf32, #tpu.memory_space<hbm>> -> memref<24576xf32, #tpu.memory_space<hbm>>
      %dma_start3A_386 = tpu.memref_slice %arg4[%mul3A_297] : memref<25165824xf32, #tpu.memory_space<hbm>> -> memref<24576xf32, #tpu.memory_space<hbm>>
      tpu.enqueue_dma source(%arg6 : memref<24576xf32, #tpu.memory_space<vmem>>) target(%dma_start3A_386 : memref<24576xf32, #tpu.memory_space<hbm>>) target_semaphore(%run_scoped3A : memref<!tpu.dma_semaphore, #tpu.memory_space<semaphore_mem>>)
      %dma_wait3A = tpu.memref_slice %arg4[%mul3A_297] : memref<25165824xf32, #tpu.memory_space<hbm>> -> memref<24576xf32, #tpu.memory_space<hbm>>
      %dma_wait3A_387 = tpu.memref_slice %arg4[%mul3A_297] : memref<25165824xf32, #tpu.memory_space<hbm>> -> memref<24576xf32, #tpu.memory_space<hbm>>
      tpu.wait_dma2 semaphore(%run_scoped3A : memref<!tpu.dma_semaphore, #tpu.memory_space<semaphore_mem>>) src(%arg6 : memref<24576xf32, #tpu.memory_space<vmem>>) dst(%dma_wait3A_387 : memref<24576xf32, #tpu.memory_space<hbm>>)
      tpu.yield
    }) : () -> ()
    %add3A_305 = arith.constant 8192 : i32
    %add3A_306 = arith.addi %add3A_305, %add3A_291 : i32
    %mul3A_307 = arith.constant 768 : i32
    %mul3A_308 = arith.muli %add3A_306, %mul3A_307 : i32
    "tpu.region"() ({
      %run_scoped3A = tpu.sem_alloc : memref<!tpu.dma_semaphore, #tpu.memory_space<semaphore_mem>>
      %dma_start3A = tpu.memref_slice %arg2[%mul3A_308] : memref<25165824xf32, #tpu.memory_space<hbm>> -> memref<24576xf32, #tpu.memory_space<hbm>>
      %dma_start3A_386 = tpu.memref_slice %arg2[%mul3A_308] : memref<25165824xf32, #tpu.memory_space<hbm>> -> memref<24576xf32, #tpu.memory_space<hbm>>
      tpu.enqueue_dma source(%dma_start3A_386 : memref<24576xf32, #tpu.memory_space<hbm>>) target(%arg6 : memref<24576xf32, #tpu.memory_space<vmem>>) target_semaphore(%run_scoped3A : memref<!tpu.dma_semaphore, #tpu.memory_space<semaphore_mem>>)
      %dma_wait3A = tpu.memref_slice %arg2[%mul3A_308] : memref<25165824xf32, #tpu.memory_space<hbm>> -> memref<24576xf32, #tpu.memory_space<hbm>>
      %dma_wait3A_387 = tpu.memref_slice %arg2[%mul3A_308] : memref<25165824xf32, #tpu.memory_space<hbm>> -> memref<24576xf32, #tpu.memory_space<hbm>>
      tpu.wait_dma2 semaphore(%run_scoped3A : memref<!tpu.dma_semaphore, #tpu.memory_space<semaphore_mem>>) src(%dma_wait3A_387 : memref<24576xf32, #tpu.memory_space<hbm>>) dst(%arg6 : memref<24576xf32, #tpu.memory_space<vmem>>)
      tpu.yield
    }) : () -> ()
    %scan3A_309 = arith.constant 0 : i32
    %scan3A_310 = arith.constant 0 : i32
    %scan3A_311 = arith.constant 1536 : i32
    %scan3A_312 = arith.addi %scan3A_310, %scan3A_311 : i32
    %scan3A_313 = arith.constant 1 : i32
    %scan3A_314 = scf.for %scan3A_386 = %scan3A_310 to %scan3A_312 step %scan3A_313 iter_args(%scan3A_387 = %scan3A_309) -> (i32)  : i32 {
      %mul3A_388 = arith.constant 16 : i32
      %mul3A_389 = arith.muli %scan3A_386, %mul3A_388 : i32
      %get3A = arith.index_cast %mul3A_389 : i32 to index
      %get3A_390 = tpu.vector_load %arg6[%get3A] {strides = array<i32>} : memref<24576xf32, #tpu.memory_space<vmem>>, vector<16xf32>,
      %get3A_391 = vector.shape_cast %get3A_390 : vector<16xf32> to vector<16xf32>
      %get3A_392 = arith.index_cast %mul3A_389 : i32 to index
      %get3A_393 = tpu.vector_load %arg5[%get3A_392] {strides = array<i32>} : memref<24576xf32, #tpu.memory_space<vmem>>, vector<16xf32>,
      %get3A_394 = vector.shape_cast %get3A_393 : vector<16xf32> to vector<16xf32>
      %add3A_395 = arith.addf %get3A_391, %get3A_394 : vector<16xf32>
      %swap3A = arith.index_cast %mul3A_389 : i32 to index
      %swap3A_396 = tpu.vector_load %arg6[%swap3A] {strides = array<i32>} : memref<24576xf32, #tpu.memory_space<vmem>>, vector<16xf32>,
      %swap3A_397 = vector.shape_cast %swap3A_396 : vector<16xf32> to vector<16xf32>
      %swap3A_398 = vector.shape_cast %add3A_395 : vector<16xf32> to vector<16xf32>
      tpu.vector_store %arg6[%swap3A], %swap3A_398 {strides = array<i32>} : memref<24576xf32, #tpu.memory_space<vmem>>, vector<16xf32>,
      %scan3A_399 = arith.constant 0 : i32
      scf.yield %scan3A_399 : i32
    }
    %scan3A_315 = arith.constant 1536 : i32
    "tpu.region"() ({
      %run_scoped3A = tpu.sem_alloc : memref<!tpu.dma_semaphore, #tpu.memory_space<semaphore_mem>>
      %dma_start3A = tpu.memref_slice %arg4[%mul3A_308] : memref<25165824xf32, #tpu.memory_space<hbm>> -> memref<24576xf32, #tpu.memory_space<hbm>>
      %dma_start3A_386 = tpu.memref_slice %arg4[%mul3A_308] : memref<25165824xf32, #tpu.memory_space<hbm>> -> memref<24576xf32, #tpu.memory_space<hbm>>
      tpu.enqueue_dma source(%arg6 : memref<24576xf32, #tpu.memory_space<vmem>>) target(%dma_start3A_386 : memref<24576xf32, #tpu.memory_space<hbm>>) target_semaphore(%run_scoped3A : memref<!tpu.dma_semaphore, #tpu.memory_space<semaphore_mem>>)
      %dma_wait3A = tpu.memref_slice %arg4[%mul3A_308] : memref<25165824xf32, #tpu.memory_space<hbm>> -> memref<24576xf32, #tpu.memory_space<hbm>>
      %dma_wait3A_387 = tpu.memref_slice %arg4[%mul3A_308] : memref<25165824xf32, #tpu.memory_space<hbm>> -> memref<24576xf32, #tpu.memory_space<hbm>>
      tpu.wait_dma2 semaphore(%run_scoped3A : memref<!tpu.dma_semaphore, #tpu.memory_space<semaphore_mem>>) src(%arg6 : memref<24576xf32, #tpu.memory_space<vmem>>) dst(%dma_wait3A_387 : memref<24576xf32, #tpu.memory_space<hbm>>)
      tpu.yield
    }) : () -> ()
    %add3A_316 = arith.constant 16384 : i32
    %add3A_317 = arith.addi %add3A_316, %add3A_291 : i32
    %mul3A_318 = arith.constant 768 : i32
    %mul3A_319 = arith.muli %add3A_317, %mul3A_318 : i32
    "tpu.region"() ({
      %run_scoped3A = tpu.sem_alloc : memref<!tpu.dma_semaphore, #tpu.memory_space<semaphore_mem>>
      %dma_start3A = tpu.memref_slice %arg2[%mul3A_319] : memref<25165824xf32, #tpu.memory_space<hbm>> -> memref<24576xf32, #tpu.memory_space<hbm>>
      %dma_start3A_386 = tpu.memref_slice %arg2[%mul3A_319] : memref<25165824xf32, #tpu.memory_space<hbm>> -> memref<24576xf32, #tpu.memory_space<hbm>>
      tpu.enqueue_dma source(%dma_start3A_386 : memref<24576xf32, #tpu.memory_space<hbm>>) target(%arg6 : memref<24576xf32, #tpu.memory_space<vmem>>) target_semaphore(%run_scoped3A : memref<!tpu.dma_semaphore, #tpu.memory_space<semaphore_mem>>)
      %dma_wait3A = tpu.memref_slice %arg2[%mul3A_319] : memref<25165824xf32, #tpu.memory_space<hbm>> -> memref<24576xf32, #tpu.memory_space<hbm>>
      %dma_wait3A_387 = tpu.memref_slice %arg2[%mul3A_319] : memref<25165824xf32, #tpu.memory_space<hbm>> -> memref<24576xf32, #tpu.memory_space<hbm>>
      tpu.wait_dma2 semaphore(%run_scoped3A : memref<!tpu.dma_semaphore, #tpu.memory_space<semaphore_mem>>) src(%dma_wait3A_387 : memref<24576xf32, #tpu.memory_space<hbm>>) dst(%arg6 : memref<24576xf32, #tpu.memory_space<vmem>>)
      tpu.yield
    }) : () -> ()
    %scan3A_320 = arith.constant 0 : i32
    %scan3A_321 = arith.constant 0 : i32
    %scan3A_322 = arith.constant 1536 : i32
    %scan3A_323 = arith.addi %scan3A_321, %scan3A_322 : i32
    %scan3A_324 = arith.constant 1 : i32
    %scan3A_325 = scf.for %scan3A_386 = %scan3A_321 to %scan3A_323 step %scan3A_324 iter_args(%scan3A_387 = %scan3A_320) -> (i32)  : i32 {
      %mul3A_388 = arith.constant 16 : i32
      %mul3A_389 = arith.muli %scan3A_386, %mul3A_388 : i32
      %get3A = arith.index_cast %mul3A_389 : i32 to index
      %get3A_390 = tpu.vector_load %arg6[%get3A] {strides = array<i32>} : memref<24576xf32, #tpu.memory_space<vmem>>, vector<16xf32>,
      %get3A_391 = vector.shape_cast %get3A_390 : vector<16xf32> to vector<16xf32>
      %get3A_392 = arith.index_cast %mul3A_389 : i32 to index
      %get3A_393 = tpu.vector_load %arg5[%get3A_392] {strides = array<i32>} : memref<24576xf32, #tpu.memory_space<vmem>>, vector<16xf32>,
      %get3A_394 = vector.shape_cast %get3A_393 : vector<16xf32> to vector<16xf32>
      %add3A_395 = arith.addf %get3A_391, %get3A_394 : vector<16xf32>
      %swap3A = arith.index_cast %mul3A_389 : i32 to index
      %swap3A_396 = tpu.vector_load %arg6[%swap3A] {strides = array<i32>} : memref<24576xf32, #tpu.memory_space<vmem>>, vector<16xf32>,
      %swap3A_397 = vector.shape_cast %swap3A_396 : vector<16xf32> to vector<16xf32>
      %swap3A_398 = vector.shape_cast %add3A_395 : vector<16xf32> to vector<16xf32>
      tpu.vector_store %arg6[%swap3A], %swap3A_398 {strides = array<i32>} : memref<24576xf32, #tpu.memory_space<vmem>>, vector<16xf32>,
      %scan3A_399 = arith.constant 0 : i32
      scf.yield %scan3A_399 : i32
    }
    %scan3A_326 = arith.constant 1536 : i32
    "tpu.region"() ({
      %run_scoped3A = tpu.sem_alloc : memref<!tpu.dma_semaphore, #tpu.memory_space<semaphore_mem>>
      %dma_start3A = tpu.memref_slice %arg4[%mul3A_319] : memref<25165824xf32, #tpu.memory_space<hbm>> -> memref<24576xf32, #tpu.memory_space<hbm>>
      %dma_start3A_386 = tpu.memref_slice %arg4[%mul3A_319] : memref<25165824xf32, #tpu.memory_space<hbm>> -> memref<24576xf32, #tpu.memory_space<hbm>>
      tpu.enqueue_dma source(%arg6 : memref<24576xf32, #tpu.memory_space<vmem>>) target(%dma_start3A_386 : memref<24576xf32, #tpu.memory_space<hbm>>) target_semaphore(%run_scoped3A : memref<!tpu.dma_semaphore, #tpu.memory_space<semaphore_mem>>)
      %dma_wait3A = tpu.memref_slice %arg4[%mul3A_319] : memref<25165824xf32, #tpu.memory_space<hbm>> -> memref<24576xf32, #tpu.memory_space<hbm>>
      %dma_wait3A_387 = tpu.memref_slice %arg4[%mul3A_319] : memref<25165824xf32, #tpu.memory_space<hbm>> -> memref<24576xf32, #tpu.memory_space<hbm>>
      tpu.wait_dma2 semaphore(%run_scoped3A : memref<!tpu.dma_semaphore, #tpu.memory_space<semaphore_mem>>) src(%arg6 : memref<24576xf32, #tpu.memory_space<vmem>>) dst(%dma_wait3A_387 : memref<24576xf32, #tpu.memory_space<hbm>>)
      tpu.yield
    }) : () -> ()
    %add3A_327 = arith.constant 24576 : i32
    %add3A_328 = arith.addi %add3A_327, %add3A_291 : i32
    %mul3A_329 = arith.constant 768 : i32
    %mul3A_330 = arith.muli %add3A_328, %mul3A_329 : i32
    "tpu.region"() ({
      %run_scoped3A = tpu.sem_alloc : memref<!tpu.dma_semaphore, #tpu.memory_space<semaphore_mem>>
      %dma_start3A = tpu.memref_slice %arg2[%mul3A_330] : memref<25165824xf32, #tpu.memory_space<hbm>> -> memref<24576xf32, #tpu.memory_space<hbm>>
      %dma_start3A_386 = tpu.memref_slice %arg2[%mul3A_330] : memref<25165824xf32, #tpu.memory_space<hbm>> -> memref<24576xf32, #tpu.memory_space<hbm>>
      tpu.enqueue_dma source(%dma_start3A_386 : memref<24576xf32, #tpu.memory_space<hbm>>) target(%arg6 : memref<24576xf32, #tpu.memory_space<vmem>>) target_semaphore(%run_scoped3A : memref<!tpu.dma_semaphore, #tpu.memory_space<semaphore_mem>>)
      %dma_wait3A = tpu.memref_slice %arg2[%mul3A_330] : memref<25165824xf32, #tpu.memory_space<hbm>> -> memref<24576xf32, #tpu.memory_space<hbm>>
      %dma_wait3A_387 = tpu.memref_slice %arg2[%mul3A_330] : memref<25165824xf32, #tpu.memory_space<hbm>> -> memref<24576xf32, #tpu.memory_space<hbm>>
      tpu.wait_dma2 semaphore(%run_scoped3A : memref<!tpu.dma_semaphore, #tpu.memory_space<semaphore_mem>>) src(%dma_wait3A_387 : memref<24576xf32, #tpu.memory_space<hbm>>) dst(%arg6 : memref<24576xf32, #tpu.memory_space<vmem>>)
      tpu.yield
    }) : () -> ()
    %scan3A_331 = arith.constant 0 : i32
    %scan3A_332 = arith.constant 0 : i32
    %scan3A_333 = arith.constant 1536 : i32
    %scan3A_334 = arith.addi %scan3A_332, %scan3A_333 : i32
    %scan3A_335 = arith.constant 1 : i32
    %scan3A_336 = scf.for %scan3A_386 = %scan3A_332 to %scan3A_334 step %scan3A_335 iter_args(%scan3A_387 = %scan3A_331) -> (i32)  : i32 {
      %mul3A_388 = arith.constant 16 : i32
      %mul3A_389 = arith.muli %scan3A_386, %mul3A_388 : i32
      %get3A = arith.index_cast %mul3A_389 : i32 to index
      %get3A_390 = tpu.vector_load %arg6[%get3A] {strides = array<i32>} : memref<24576xf32, #tpu.memory_space<vmem>>, vector<16xf32>,
      %get3A_391 = vector.shape_cast %get3A_390 : vector<16xf32> to vector<16xf32>
      %get3A_392 = arith.index_cast %mul3A_389 : i32 to index
      %get3A_393 = tpu.vector_load %arg5[%get3A_392] {strides = array<i32>} : memref<24576xf32, #tpu.memory_space<vmem>>, vector<16xf32>,
      %get3A_394 = vector.shape_cast %get3A_393 : vector<16xf32> to vector<16xf32>
      %add3A_395 = arith.addf %get3A_391, %get3A_394 : vector<16xf32>
      %swap3A = arith.index_cast %mul3A_389 : i32 to index
      %swap3A_396 = tpu.vector_load %arg6[%swap3A] {strides = array<i32>} : memref<24576xf32, #tpu.memory_space<vmem>>, vector<16xf32>,
      %swap3A_397 = vector.shape_cast %swap3A_396 : vector<16xf32> to vector<16xf32>
      %swap3A_398 = vector.shape_cast %add3A_395 : vector<16xf32> to vector<16xf32>
      tpu.vector_store %arg6[%swap3A], %swap3A_398 {strides = array<i32>} : memref<24576xf32, #tpu.memory_space<vmem>>, vector<16xf32>,
      %scan3A_399 = arith.constant 0 : i32
      scf.yield %scan3A_399 : i32
    }
    %scan3A_337 = arith.constant 1536 : i32
    "tpu.region"() ({
      %run_scoped3A = tpu.sem_alloc : memref<!tpu.dma_semaphore, #tpu.memory_space<semaphore_mem>>
      %dma_start3A = tpu.memref_slice %arg4[%mul3A_330] : memref<25165824xf32, #tpu.memory_space<hbm>> -> memref<24576xf32, #tpu.memory_space<hbm>>
      %dma_start3A_386 = tpu.memref_slice %arg4[%mul3A_330] : memref<25165824xf32, #tpu.memory_space<hbm>> -> memref<24576xf32, #tpu.memory_space<hbm>>
      tpu.enqueue_dma source(%arg6 : memref<24576xf32, #tpu.memory_space<vmem>>) target(%dma_start3A_386 : memref<24576xf32, #tpu.memory_space<hbm>>) target_semaphore(%run_scoped3A : memref<!tpu.dma_semaphore, #tpu.memory_space<semaphore_mem>>)
      %dma_wait3A = tpu.memref_slice %arg4[%mul3A_330] : memref<25165824xf32, #tpu.memory_space<hbm>> -> memref<24576xf32, #tpu.memory_space<hbm>>
      %dma_wait3A_387 = tpu.memref_slice %arg4[%mul3A_330] : memref<25165824xf32, #tpu.memory_space<hbm>> -> memref<24576xf32, #tpu.memory_space<hbm>>
      tpu.wait_dma2 semaphore(%run_scoped3A : memref<!tpu.dma_semaphore, #tpu.memory_space<semaphore_mem>>) src(%arg6 : memref<24576xf32, #tpu.memory_space<vmem>>) dst(%dma_wait3A_387 : memref<24576xf32, #tpu.memory_space<hbm>>)
      tpu.yield
    }) : () -> ()
    %add3A_338 = arith.constant 224 : i32
    %add3A_339 = arith.addi %mul3A_2, %add3A_338 : i32
    %mul3A_340 = arith.constant 768 : i32
    %mul3A_341 = arith.muli %add3A_339, %mul3A_340 : i32
    "tpu.region"() ({
      %run_scoped3A = tpu.sem_alloc : memref<!tpu.dma_semaphore, #tpu.memory_space<semaphore_mem>>
      %dma_start3A = tpu.memref_slice %arg3[%mul3A_341] : memref<6291456xf32, #tpu.memory_space<hbm>> -> memref<24576xf32, #tpu.memory_space<hbm>>
      %dma_start3A_386 = tpu.memref_slice %arg3[%mul3A_341] : memref<6291456xf32, #tpu.memory_space<hbm>> -> memref<24576xf32, #tpu.memory_space<hbm>>
      tpu.enqueue_dma source(%dma_start3A_386 : memref<24576xf32, #tpu.memory_space<hbm>>) target(%arg5 : memref<24576xf32, #tpu.memory_space<vmem>>) target_semaphore(%run_scoped3A : memref<!tpu.dma_semaphore, #tpu.memory_space<semaphore_mem>>)
      %dma_wait3A = tpu.memref_slice %arg3[%mul3A_341] : memref<6291456xf32, #tpu.memory_space<hbm>> -> memref<24576xf32, #tpu.memory_space<hbm>>
      %dma_wait3A_387 = tpu.memref_slice %arg3[%mul3A_341] : memref<6291456xf32, #tpu.memory_space<hbm>> -> memref<24576xf32, #tpu.memory_space<hbm>>
      tpu.wait_dma2 semaphore(%run_scoped3A : memref<!tpu.dma_semaphore, #tpu.memory_space<semaphore_mem>>) src(%dma_wait3A_387 : memref<24576xf32, #tpu.memory_space<hbm>>) dst(%arg5 : memref<24576xf32, #tpu.memory_space<vmem>>)
      tpu.yield
    }) : () -> ()
    %add3A_342 = arith.constant 0 : i32
    %add3A_343 = arith.addi %add3A_342, %add3A_339 : i32
    %mul3A_344 = arith.constant 768 : i32
    %mul3A_345 = arith.muli %add3A_343, %mul3A_344 : i32
    "tpu.region"() ({
      %run_scoped3A = tpu.sem_alloc : memref<!tpu.dma_semaphore, #tpu.memory_space<semaphore_mem>>
      %dma_start3A = tpu.memref_slice %arg2[%mul3A_345] : memref<25165824xf32, #tpu.memory_space<hbm>> -> memref<24576xf32, #tpu.memory_space<hbm>>
      %dma_start3A_386 = tpu.memref_slice %arg2[%mul3A_345] : memref<25165824xf32, #tpu.memory_space<hbm>> -> memref<24576xf32, #tpu.memory_space<hbm>>
      tpu.enqueue_dma source(%dma_start3A_386 : memref<24576xf32, #tpu.memory_space<hbm>>) target(%arg6 : memref<24576xf32, #tpu.memory_space<vmem>>) target_semaphore(%run_scoped3A : memref<!tpu.dma_semaphore, #tpu.memory_space<semaphore_mem>>)
      %dma_wait3A = tpu.memref_slice %arg2[%mul3A_345] : memref<25165824xf32, #tpu.memory_space<hbm>> -> memref<24576xf32, #tpu.memory_space<hbm>>
      %dma_wait3A_387 = tpu.memref_slice %arg2[%mul3A_345] : memref<25165824xf32, #tpu.memory_space<hbm>> -> memref<24576xf32, #tpu.memory_space<hbm>>
      tpu.wait_dma2 semaphore(%run_scoped3A : memref<!tpu.dma_semaphore, #tpu.memory_space<semaphore_mem>>) src(%dma_wait3A_387 : memref<24576xf32, #tpu.memory_space<hbm>>) dst(%arg6 : memref<24576xf32, #tpu.memory_space<vmem>>)
      tpu.yield
    }) : () -> ()
    %scan3A_346 = arith.constant 0 : i32
    %scan3A_347 = arith.constant 0 : i32
    %scan3A_348 = arith.constant 1536 : i32
    %scan3A_349 = arith.addi %scan3A_347, %scan3A_348 : i32
    %scan3A_350 = arith.constant 1 : i32
    %scan3A_351 = scf.for %scan3A_386 = %scan3A_347 to %scan3A_349 step %scan3A_350 iter_args(%scan3A_387 = %scan3A_346) -> (i32)  : i32 {
      %mul3A_388 = arith.constant 16 : i32
      %mul3A_389 = arith.muli %scan3A_386, %mul3A_388 : i32
      %get3A = arith.index_cast %mul3A_389 : i32 to index
      %get3A_390 = tpu.vector_load %arg6[%get3A] {strides = array<i32>} : memref<24576xf32, #tpu.memory_space<vmem>>, vector<16xf32>,
      %get3A_391 = vector.shape_cast %get3A_390 : vector<16xf32> to vector<16xf32>
      %get3A_392 = arith.index_cast %mul3A_389 : i32 to index
      %get3A_393 = tpu.vector_load %arg5[%get3A_392] {strides = array<i32>} : memref<24576xf32, #tpu.memory_space<vmem>>, vector<16xf32>,
      %get3A_394 = vector.shape_cast %get3A_393 : vector<16xf32> to vector<16xf32>
      %add3A_395 = arith.addf %get3A_391, %get3A_394 : vector<16xf32>
      %swap3A = arith.index_cast %mul3A_389 : i32 to index
      %swap3A_396 = tpu.vector_load %arg6[%swap3A] {strides = array<i32>} : memref<24576xf32, #tpu.memory_space<vmem>>, vector<16xf32>,
      %swap3A_397 = vector.shape_cast %swap3A_396 : vector<16xf32> to vector<16xf32>
      %swap3A_398 = vector.shape_cast %add3A_395 : vector<16xf32> to vector<16xf32>
      tpu.vector_store %arg6[%swap3A], %swap3A_398 {strides = array<i32>} : memref<24576xf32, #tpu.memory_space<vmem>>, vector<16xf32>,
      %scan3A_399 = arith.constant 0 : i32
      scf.yield %scan3A_399 : i32
    }
    %scan3A_352 = arith.constant 1536 : i32
    "tpu.region"() ({
      %run_scoped3A = tpu.sem_alloc : memref<!tpu.dma_semaphore, #tpu.memory_space<semaphore_mem>>
      %dma_start3A = tpu.memref_slice %arg4[%mul3A_345] : memref<25165824xf32, #tpu.memory_space<hbm>> -> memref<24576xf32, #tpu.memory_space<hbm>>
      %dma_start3A_386 = tpu.memref_slice %arg4[%mul3A_345] : memref<25165824xf32, #tpu.memory_space<hbm>> -> memref<24576xf32, #tpu.memory_space<hbm>>
      tpu.enqueue_dma source(%arg6 : memref<24576xf32, #tpu.memory_space<vmem>>) target(%dma_start3A_386 : memref<24576xf32, #tpu.memory_space<hbm>>) target_semaphore(%run_scoped3A : memref<!tpu.dma_semaphore, #tpu.memory_space<semaphore_mem>>)
      %dma_wait3A = tpu.memref_slice %arg4[%mul3A_345] : memref<25165824xf32, #tpu.memory_space<hbm>> -> memref<24576xf32, #tpu.memory_space<hbm>>
      %dma_wait3A_387 = tpu.memref_slice %arg4[%mul3A_345] : memref<25165824xf32, #tpu.memory_space<hbm>> -> memref<24576xf32, #tpu.memory_space<hbm>>
      tpu.wait_dma2 semaphore(%run_scoped3A : memref<!tpu.dma_semaphore, #tpu.memory_space<semaphore_mem>>) src(%arg6 : memref<24576xf32, #tpu.memory_space<vmem>>) dst(%dma_wait3A_387 : memref<24576xf32, #tpu.memory_space<hbm>>)
      tpu.yield
    }) : () -> ()
    %add3A_353 = arith.constant 8192 : i32
    %add3A_354 = arith.addi %add3A_353, %add3A_339 : i32
    %mul3A_355 = arith.constant 768 : i32
    %mul3A_356 = arith.muli %add3A_354, %mul3A_355 : i32
    "tpu.region"() ({
      %run_scoped3A = tpu.sem_alloc : memref<!tpu.dma_semaphore, #tpu.memory_space<semaphore_mem>>
      %dma_start3A = tpu.memref_slice %arg2[%mul3A_356] : memref<25165824xf32, #tpu.memory_space<hbm>> -> memref<24576xf32, #tpu.memory_space<hbm>>
      %dma_start3A_386 = tpu.memref_slice %arg2[%mul3A_356] : memref<25165824xf32, #tpu.memory_space<hbm>> -> memref<24576xf32, #tpu.memory_space<hbm>>
      tpu.enqueue_dma source(%dma_start3A_386 : memref<24576xf32, #tpu.memory_space<hbm>>) target(%arg6 : memref<24576xf32, #tpu.memory_space<vmem>>) target_semaphore(%run_scoped3A : memref<!tpu.dma_semaphore, #tpu.memory_space<semaphore_mem>>)
      %dma_wait3A = tpu.memref_slice %arg2[%mul3A_356] : memref<25165824xf32, #tpu.memory_space<hbm>> -> memref<24576xf32, #tpu.memory_space<hbm>>
      %dma_wait3A_387 = tpu.memref_slice %arg2[%mul3A_356] : memref<25165824xf32, #tpu.memory_space<hbm>> -> memref<24576xf32, #tpu.memory_space<hbm>>
      tpu.wait_dma2 semaphore(%run_scoped3A : memref<!tpu.dma_semaphore, #tpu.memory_space<semaphore_mem>>) src(%dma_wait3A_387 : memref<24576xf32, #tpu.memory_space<hbm>>) dst(%arg6 : memref<24576xf32, #tpu.memory_space<vmem>>)
      tpu.yield
    }) : () -> ()
    %scan3A_357 = arith.constant 0 : i32
    %scan3A_358 = arith.constant 0 : i32
    %scan3A_359 = arith.constant 1536 : i32
    %scan3A_360 = arith.addi %scan3A_358, %scan3A_359 : i32
    %scan3A_361 = arith.constant 1 : i32
    %scan3A_362 = scf.for %scan3A_386 = %scan3A_358 to %scan3A_360 step %scan3A_361 iter_args(%scan3A_387 = %scan3A_357) -> (i32)  : i32 {
      %mul3A_388 = arith.constant 16 : i32
      %mul3A_389 = arith.muli %scan3A_386, %mul3A_388 : i32
      %get3A = arith.index_cast %mul3A_389 : i32 to index
      %get3A_390 = tpu.vector_load %arg6[%get3A] {strides = array<i32>} : memref<24576xf32, #tpu.memory_space<vmem>>, vector<16xf32>,
      %get3A_391 = vector.shape_cast %get3A_390 : vector<16xf32> to vector<16xf32>
      %get3A_392 = arith.index_cast %mul3A_389 : i32 to index
      %get3A_393 = tpu.vector_load %arg5[%get3A_392] {strides = array<i32>} : memref<24576xf32, #tpu.memory_space<vmem>>, vector<16xf32>,
      %get3A_394 = vector.shape_cast %get3A_393 : vector<16xf32> to vector<16xf32>
      %add3A_395 = arith.addf %get3A_391, %get3A_394 : vector<16xf32>
      %swap3A = arith.index_cast %mul3A_389 : i32 to index
      %swap3A_396 = tpu.vector_load %arg6[%swap3A] {strides = array<i32>} : memref<24576xf32, #tpu.memory_space<vmem>>, vector<16xf32>,
      %swap3A_397 = vector.shape_cast %swap3A_396 : vector<16xf32> to vector<16xf32>
      %swap3A_398 = vector.shape_cast %add3A_395 : vector<16xf32> to vector<16xf32>
      tpu.vector_store %arg6[%swap3A], %swap3A_398 {strides = array<i32>} : memref<24576xf32, #tpu.memory_space<vmem>>, vector<16xf32>,
      %scan3A_399 = arith.constant 0 : i32
      scf.yield %scan3A_399 : i32
    }
    %scan3A_363 = arith.constant 1536 : i32
    "tpu.region"() ({
      %run_scoped3A = tpu.sem_alloc : memref<!tpu.dma_semaphore, #tpu.memory_space<semaphore_mem>>
      %dma_start3A = tpu.memref_slice %arg4[%mul3A_356] : memref<25165824xf32, #tpu.memory_space<hbm>> -> memref<24576xf32, #tpu.memory_space<hbm>>
      %dma_start3A_386 = tpu.memref_slice %arg4[%mul3A_356] : memref<25165824xf32, #tpu.memory_space<hbm>> -> memref<24576xf32, #tpu.memory_space<hbm>>
      tpu.enqueue_dma source(%arg6 : memref<24576xf32, #tpu.memory_space<vmem>>) target(%dma_start3A_386 : memref<24576xf32, #tpu.memory_space<hbm>>) target_semaphore(%run_scoped3A : memref<!tpu.dma_semaphore, #tpu.memory_space<semaphore_mem>>)
      %dma_wait3A = tpu.memref_slice %arg4[%mul3A_356] : memref<25165824xf32, #tpu.memory_space<hbm>> -> memref<24576xf32, #tpu.memory_space<hbm>>
      %dma_wait3A_387 = tpu.memref_slice %arg4[%mul3A_356] : memref<25165824xf32, #tpu.memory_space<hbm>> -> memref<24576xf32, #tpu.memory_space<hbm>>
      tpu.wait_dma2 semaphore(%run_scoped3A : memref<!tpu.dma_semaphore, #tpu.memory_space<semaphore_mem>>) src(%arg6 : memref<24576xf32, #tpu.memory_space<vmem>>) dst(%dma_wait3A_387 : memref<24576xf32, #tpu.memory_space<hbm>>)
      tpu.yield
    }) : () -> ()
    %add3A_364 = arith.constant 16384 : i32
    %add3A_365 = arith.addi %add3A_364, %add3A_339 : i32
    %mul3A_366 = arith.constant 768 : i32
    %mul3A_367 = arith.muli %add3A_365, %mul3A_366 : i32
    "tpu.region"() ({
      %run_scoped3A = tpu.sem_alloc : memref<!tpu.dma_semaphore, #tpu.memory_space<semaphore_mem>>
      %dma_start3A = tpu.memref_slice %arg2[%mul3A_367] : memref<25165824xf32, #tpu.memory_space<hbm>> -> memref<24576xf32, #tpu.memory_space<hbm>>
      %dma_start3A_386 = tpu.memref_slice %arg2[%mul3A_367] : memref<25165824xf32, #tpu.memory_space<hbm>> -> memref<24576xf32, #tpu.memory_space<hbm>>
      tpu.enqueue_dma source(%dma_start3A_386 : memref<24576xf32, #tpu.memory_space<hbm>>) target(%arg6 : memref<24576xf32, #tpu.memory_space<vmem>>) target_semaphore(%run_scoped3A : memref<!tpu.dma_semaphore, #tpu.memory_space<semaphore_mem>>)
      %dma_wait3A = tpu.memref_slice %arg2[%mul3A_367] : memref<25165824xf32, #tpu.memory_space<hbm>> -> memref<24576xf32, #tpu.memory_space<hbm>>
      %dma_wait3A_387 = tpu.memref_slice %arg2[%mul3A_367] : memref<25165824xf32, #tpu.memory_space<hbm>> -> memref<24576xf32, #tpu.memory_space<hbm>>
      tpu.wait_dma2 semaphore(%run_scoped3A : memref<!tpu.dma_semaphore, #tpu.memory_space<semaphore_mem>>) src(%dma_wait3A_387 : memref<24576xf32, #tpu.memory_space<hbm>>) dst(%arg6 : memref<24576xf32, #tpu.memory_space<vmem>>)
      tpu.yield
    }) : () -> ()
    %scan3A_368 = arith.constant 0 : i32
    %scan3A_369 = arith.constant 0 : i32
    %scan3A_370 = arith.constant 1536 : i32
    %scan3A_371 = arith.addi %scan3A_369, %scan3A_370 : i32
    %scan3A_372 = arith.constant 1 : i32
    %scan3A_373 = scf.for %scan3A_386 = %scan3A_369 to %scan3A_371 step %scan3A_372 iter_args(%scan3A_387 = %scan3A_368) -> (i32)  : i32 {
      %mul3A_388 = arith.constant 16 : i32
      %mul3A_389 = arith.muli %scan3A_386, %mul3A_388 : i32
      %get3A = arith.index_cast %mul3A_389 : i32 to index
      %get3A_390 = tpu.vector_load %arg6[%get3A] {strides = array<i32>} : memref<24576xf32, #tpu.memory_space<vmem>>, vector<16xf32>,
      %get3A_391 = vector.shape_cast %get3A_390 : vector<16xf32> to vector<16xf32>
      %get3A_392 = arith.index_cast %mul3A_389 : i32 to index
      %get3A_393 = tpu.vector_load %arg5[%get3A_392] {strides = array<i32>} : memref<24576xf32, #tpu.memory_space<vmem>>, vector<16xf32>,
      %get3A_394 = vector.shape_cast %get3A_393 : vector<16xf32> to vector<16xf32>
      %add3A_395 = arith.addf %get3A_391, %get3A_394 : vector<16xf32>
      %swap3A = arith.index_cast %mul3A_389 : i32 to index
      %swap3A_396 = tpu.vector_load %arg6[%swap3A] {strides = array<i32>} : memref<24576xf32, #tpu.memory_space<vmem>>, vector<16xf32>,
      %swap3A_397 = vector.shape_cast %swap3A_396 : vector<16xf32> to vector<16xf32>
      %swap3A_398 = vector.shape_cast %add3A_395 : vector<16xf32> to vector<16xf32>
      tpu.vector_store %arg6[%swap3A], %swap3A_398 {strides = array<i32>} : memref<24576xf32, #tpu.memory_space<vmem>>, vector<16xf32>,
      %scan3A_399 = arith.constant 0 : i32
      scf.yield %scan3A_399 : i32
    }
    %scan3A_374 = arith.constant 1536 : i32
    "tpu.region"() ({
      %run_scoped3A = tpu.sem_alloc : memref<!tpu.dma_semaphore, #tpu.memory_space<semaphore_mem>>
      %dma_start3A = tpu.memref_slice %arg4[%mul3A_367] : memref<25165824xf32, #tpu.memory_space<hbm>> -> memref<24576xf32, #tpu.memory_space<hbm>>
      %dma_start3A_386 = tpu.memref_slice %arg4[%mul3A_367] : memref<25165824xf32, #tpu.memory_space<hbm>> -> memref<24576xf32, #tpu.memory_space<hbm>>
      tpu.enqueue_dma source(%arg6 : memref<24576xf32, #tpu.memory_space<vmem>>) target(%dma_start3A_386 : memref<24576xf32, #tpu.memory_space<hbm>>) target_semaphore(%run_scoped3A : memref<!tpu.dma_semaphore, #tpu.memory_space<semaphore_mem>>)
      %dma_wait3A = tpu.memref_slice %arg4[%mul3A_367] : memref<25165824xf32, #tpu.memory_space<hbm>> -> memref<24576xf32, #tpu.memory_space<hbm>>
      %dma_wait3A_387 = tpu.memref_slice %arg4[%mul3A_367] : memref<25165824xf32, #tpu.memory_space<hbm>> -> memref<24576xf32, #tpu.memory_space<hbm>>
      tpu.wait_dma2 semaphore(%run_scoped3A : memref<!tpu.dma_semaphore, #tpu.memory_space<semaphore_mem>>) src(%arg6 : memref<24576xf32, #tpu.memory_space<vmem>>) dst(%dma_wait3A_387 : memref<24576xf32, #tpu.memory_space<hbm>>)
      tpu.yield
    }) : () -> ()
    %add3A_375 = arith.constant 24576 : i32
    %add3A_376 = arith.addi %add3A_375, %add3A_339 : i32
    %mul3A_377 = arith.constant 768 : i32
    %mul3A_378 = arith.muli %add3A_376, %mul3A_377 : i32
    "tpu.region"() ({
      %run_scoped3A = tpu.sem_alloc : memref<!tpu.dma_semaphore, #tpu.memory_space<semaphore_mem>>
      %dma_start3A = tpu.memref_slice %arg2[%mul3A_378] : memref<25165824xf32, #tpu.memory_space<hbm>> -> memref<24576xf32, #tpu.memory_space<hbm>>
      %dma_start3A_386 = tpu.memref_slice %arg2[%mul3A_378] : memref<25165824xf32, #tpu.memory_space<hbm>> -> memref<24576xf32, #tpu.memory_space<hbm>>
      tpu.enqueue_dma source(%dma_start3A_386 : memref<24576xf32, #tpu.memory_space<hbm>>) target(%arg6 : memref<24576xf32, #tpu.memory_space<vmem>>) target_semaphore(%run_scoped3A : memref<!tpu.dma_semaphore, #tpu.memory_space<semaphore_mem>>)
      %dma_wait3A = tpu.memref_slice %arg2[%mul3A_378] : memref<25165824xf32, #tpu.memory_space<hbm>> -> memref<24576xf32, #tpu.memory_space<hbm>>
      %dma_wait3A_387 = tpu.memref_slice %arg2[%mul3A_378] : memref<25165824xf32, #tpu.memory_space<hbm>> -> memref<24576xf32, #tpu.memory_space<hbm>>
      tpu.wait_dma2 semaphore(%run_scoped3A : memref<!tpu.dma_semaphore, #tpu.memory_space<semaphore_mem>>) src(%dma_wait3A_387 : memref<24576xf32, #tpu.memory_space<hbm>>) dst(%arg6 : memref<24576xf32, #tpu.memory_space<vmem>>)
      tpu.yield
    }) : () -> ()
    %scan3A_379 = arith.constant 0 : i32
    %scan3A_380 = arith.constant 0 : i32
    %scan3A_381 = arith.constant 1536 : i32
    %scan3A_382 = arith.addi %scan3A_380, %scan3A_381 : i32
    %scan3A_383 = arith.constant 1 : i32
    %scan3A_384 = scf.for %scan3A_386 = %scan3A_380 to %scan3A_382 step %scan3A_383 iter_args(%scan3A_387 = %scan3A_379) -> (i32)  : i32 {
      %mul3A_388 = arith.constant 16 : i32
      %mul3A_389 = arith.muli %scan3A_386, %mul3A_388 : i32
      %get3A = arith.index_cast %mul3A_389 : i32 to index
      %get3A_390 = tpu.vector_load %arg6[%get3A] {strides = array<i32>} : memref<24576xf32, #tpu.memory_space<vmem>>, vector<16xf32>,
      %get3A_391 = vector.shape_cast %get3A_390 : vector<16xf32> to vector<16xf32>
      %get3A_392 = arith.index_cast %mul3A_389 : i32 to index
      %get3A_393 = tpu.vector_load %arg5[%get3A_392] {strides = array<i32>} : memref<24576xf32, #tpu.memory_space<vmem>>, vector<16xf32>,
      %get3A_394 = vector.shape_cast %get3A_393 : vector<16xf32> to vector<16xf32>
      %add3A_395 = arith.addf %get3A_391, %get3A_394 : vector<16xf32>
      %swap3A = arith.index_cast %mul3A_389 : i32 to index
      %swap3A_396 = tpu.vector_load %arg6[%swap3A] {strides = array<i32>} : memref<24576xf32, #tpu.memory_space<vmem>>, vector<16xf32>,
      %swap3A_397 = vector.shape_cast %swap3A_396 : vector<16xf32> to vector<16xf32>
      %swap3A_398 = vector.shape_cast %add3A_395 : vector<16xf32> to vector<16xf32>
      tpu.vector_store %arg6[%swap3A], %swap3A_398 {strides = array<i32>} : memref<24576xf32, #tpu.memory_space<vmem>>, vector<16xf32>,
      %scan3A_399 = arith.constant 0 : i32
      scf.yield %scan3A_399 : i32
    }
    %scan3A_385 = arith.constant 1536 : i32
    "tpu.region"() ({
      %run_scoped3A = tpu.sem_alloc : memref<!tpu.dma_semaphore, #tpu.memory_space<semaphore_mem>>
      %dma_start3A = tpu.memref_slice %arg4[%mul3A_378] : memref<25165824xf32, #tpu.memory_space<hbm>> -> memref<24576xf32, #tpu.memory_space<hbm>>
      %dma_start3A_386 = tpu.memref_slice %arg4[%mul3A_378] : memref<25165824xf32, #tpu.memory_space<hbm>> -> memref<24576xf32, #tpu.memory_space<hbm>>
      tpu.enqueue_dma source(%arg6 : memref<24576xf32, #tpu.memory_space<vmem>>) target(%dma_start3A_386 : memref<24576xf32, #tpu.memory_space<hbm>>) target_semaphore(%run_scoped3A : memref<!tpu.dma_semaphore, #tpu.memory_space<semaphore_mem>>)
      %dma_wait3A = tpu.memref_slice %arg4[%mul3A_378] : memref<25165824xf32, #tpu.memory_space<hbm>> -> memref<24576xf32, #tpu.memory_space<hbm>>
      %dma_wait3A_387 = tpu.memref_slice %arg4[%mul3A_378] : memref<25165824xf32, #tpu.memory_space<hbm>> -> memref<24576xf32, #tpu.memory_space<hbm>>
      tpu.wait_dma2 semaphore(%run_scoped3A : memref<!tpu.dma_semaphore, #tpu.memory_space<semaphore_mem>>) src(%arg6 : memref<24576xf32, #tpu.memory_space<vmem>>) dst(%dma_wait3A_387 : memref<24576xf32, #tpu.memory_space<hbm>>)
      tpu.yield
    }) : () -> ()
    return
  }
}

</mosaic_0001>

<sc_bundles>
// kernel: _sc_add.3.cloned.1.call-start
scs
__scs_entry_jumppad:
0x0: {  	(pc) =	sbr.rel $0x88, $3  }
0x1: {  	(tag) =	ssettag $0x0;
	lr =	simm.s32 $0x1  }
0x2: {  	[smem:$0x3F9F] =	sst lr;
	_ =	strace $0xD0000000  }
0x3: {  	_ = 	snop  }
0x4: {  	_ = 	snop  }
0x5: {  	_ = 	snop  }
0x6: {  	_ = 	snop  }
0x7: {  	_ = 	snop  }
__scs_overlays_trampoline_lowered:
0x8: {  	[smem:$0x3FAE] =	sst s0  }
0x9: {  	[smem:$0x3FAF] =	sst s1  }
0xa: {  	[smem:$0x3FB0] =	sst s2  }
0xb: {  	[smem:$0x3FB1] =	sst s3  }
0xc: {  	[smem:$0x3FB2] =	sst s4  }
0xd: {  	[smem:$0x3FB3] =	sst s5  }
0xe: {  	[smem:$0x3FB4] =	sst s6  }
0xf: {  	[smem:$0x3FB5] =	sst s7  }
0x10: {  	[smem:$0x3FB6] =	sst s8  }
0x11: {  	[smem:$0x3FB7] =	sst s9;
	s0 =	simm.s32 @!p0 $0x0  }
0x12: {  	s1 =	sld [smem:$0x3F9D];
	s0 =	simm.s32 @p0 $0x1  }
0x13: {  	[smem:$0x3FB8] =	sst s0;
	s0 =	simm.s32 @!p1 $0x0  }
0x14: {  	s2 =	sld [smem:$0x3F9C];
	s0 =	simm.s32 @p1 $0x1  }
0x15: {  	[smem:$0x3FB9] =	sst s0;
	s0 =	simm.s32 @!p2 $0x0  }
0x16: {  	s3 =	sld [smem:$0x3FDB];
	s0 =	simm.s32 @p2 $0x1  }
0x17: {  	s4 =	simm.s32 $0x1BF5;
	[smem:$0x3FBB] =	sst s0  }
0x18: {  	s0 =	sld [smem:$0x3F9E];
	_ =	swait.ge [sflag:s4], $0x0  }
0x19: {  	s7 =	sld [smem:$0x3F9F]  }
0x1a: {  	s8 =	sadd.s32 $0xFFFFE003, lr  }
0x1b: {  	s9 =	sadd.s32 $0xFFFFFEF7, lr;
	s5 =	simm.s32 $0xFFFFFFFF;
	p2 =	slt.u32 s8, $0xFFFFF086  }
0x1c: {  	p1 =	slt.u32 s9, $0xF7A;
	s5 =	simm.s32 @!p2 $0x0  }
0x1d: {  	s5 =	simm.s32 @p1 $0x1;
	p0 =	seq.s32 s7, s2  }
0x1e: {  	s7 =	smul.u32 @!p0 $0xF7A, s2;
	p2 =	seq.s32 @!p0 s5, $0x0  }
0x1f: {  	s9 =	smul.u32 $0xF7A, s1;
	s8 =	simm.s32 @!p0 $0x1BF5;
	p2 =	por !p2, p0  }
0x20: {  	[sflag:s8] =	ssyncset.s32 @!p0 $0xFFFFF086;
	s6 =	sadd.s32 @!p0 s3, s7;
	s7 =	simm.s32 @!p0 $0x108  }
0x21: {  	s3 =	sadd.s32 s3, s9;
	s6 =	sadd.s32 @!p0 $0x88, s6;
	s7 =	simm.s32 @p2 $0x1082  }
0x22: {  	[simem:s7], [sflag:s8] =	dma.local @!p0 [hbm:s6], $0xF7A  }
0x23: {  	s9 =	sor.u32 $0xD0000000, s2;
	s6 =	simm.s32 $0x108;
	_ =	swait.ge @!p0 [sflag:s8], $0x0  }
0x24: {  	s3 =	sadd.s32 $0x88, s3;
	s6 =	simm.s32 @!p1 $0x1082;
	[sflag:s4] =	ssyncset.s32 $0xFFFFF086  }
0x25: {  	[simem:s6], [sflag:s4] =	dma.local [hbm:s3], $0xF7A  }
0x26: {  	[smem:$0x3F9F] =	sst s1;
	(tag) =	ssettag s2;
	_ =	strace s9  }
0x27: {  	s1 =	sld [smem:$0x3FAF]  }
0x28: {  	s2 =	sld [smem:$0x3FB0]  }
0x29: {  	s4 =	sld [smem:$0x3FB2]  }
0x2a: {  	p0 =	seq.s32 s5, $0x0;
	s5 =	sld [smem:$0x3FB3]  }
0x2b: {  	s6 =	sld [smem:$0x3FB4]  }
0x2c: {  	s7 =	sld [smem:$0x3FB5]  }
0x2d: {  	s3 =	simm.s32 $0x108;
	s8 =	sld [smem:$0x3FB6]  }
0x2e: {  	s3 =	simm.s32 @!p0 $0x1082;
	s9 =	sld [smem:$0x3FB7]  }
0x2f: {  	lr =	sadd.s32 s0, s3;
	s0 =	sld [smem:$0x3FAE]  }
0x30: {  	s3 =	sld [smem:$0x3FB1]  }
0x31: {  	[smem:$0x3FBA] =	sst s10  }
0x32: {  	s10 =	sld [smem:$0x3FB8];
	_ =	sdelay $0x3  }
0x33: {  	p0 =	seq.s32 s10, $0x1;
	s10 =	sld [smem:$0x3FBA];
	_ =	sdelay $0x3  }
0x34: {  	[smem:$0x3FBA] =	sst s10  }
0x35: {  	s10 =	sld [smem:$0x3FB9];
	_ =	sdelay $0x3  }
0x36: {  	p1 =	seq.s32 s10, $0x1;
	s10 =	sld [smem:$0x3FBA];
	_ =	sdelay $0x3  }
0x37: {  	[smem:$0x3FBA] =	sst s10  }
0x38: {  	s10 =	sld [smem:$0x3FBB]  }
0x39: {  	_ = 	snop;
	(pc) =	sbr.ind lr, $3  }
0x3a: {  	_ = 	snop  }
0x3b: {  	_ = 	snop  }
0x3c: {  	p2 =	seq.s32 s10, $0x1;
	s10 =	sld [smem:$0x3FBA]  }
0x3d: {  	_ =	shalt  }
0x3e: {  	_ =	shalt  }
0x3f: {  	_ =	shalt  }
0x40: {  	_ =	shalt  }
0x41: {  	_ =	shalt  }
0x42: {  	_ =	shalt  }
0x43: {  	_ =	shalt  }
0x44: {  	_ =	shalt  }
0x45: {  	_ =	shalt  }
0x46: {  	_ =	shalt  }
0x47: {  	_ =	shalt  }
0x48: {  	_ =	shalt  }
0x49: {  	_ =	shalt  }
0x4a: {  	_ =	shalt  }
0x4b: {  	_ =	shalt  }
0x4c: {  	_ =	shalt  }
0x4d: {  	_ =	shalt  }
0x4e: {  	_ =	shalt  }
0x4f: {  	_ =	shalt  }
0x50: {  	_ =	shalt  }
0x51: {  	_ =	shalt  }
0x52: {  	_ =	shalt  }
0x53: {  	_ =	shalt  }
0x54: {  	_ =	shalt  }
0x55: {  	_ =	shalt  }
0x56: {  	_ =	shalt  }
0x57: {  	_ =	shalt  }
0x58: {  	_ =	shalt  }
0x59: {  	_ =	shalt  }
0x5a: {  	_ =	shalt  }
0x5b: {  	_ =	shalt  }
0x5c: {  	_ =	shalt  }
0x5d: {  	_ =	shalt  }
0x5e: {  	_ =	shalt  }
0x5f: {  	_ =	shalt  }
0x60: {  	_ =	shalt  }
0x61: {  	_ =	shalt  }
0x62: {  	_ =	shalt  }
0x63: {  	_ =	shalt  }
0x64: {  	_ =	shalt  }
0x65: {  	_ =	shalt  }
0x66: {  	_ =	shalt  }
0x67: {  	_ =	shalt  }
0x68: {  	_ =	shalt  }
0x69: {  	_ =	shalt  }
0x6a: {  	_ =	shalt  }
0x6b: {  	_ =	shalt  }
0x6c: {  	_ =	shalt  }
0x6d: {  	_ =	shalt  }
0x6e: {  	_ =	shalt  }
0x6f: {  	_ =	shalt  }
0x70: {  	_ =	shalt  }
0x71: {  	_ =	shalt  }
0x72: {  	_ =	shalt  }
0x73: {  	_ =	shalt  }
0x74: {  	_ =	shalt  }
0x75: {  	_ =	shalt  }
0x76: {  	_ =	shalt  }
0x77: {  	_ =	shalt  }
0x78: {  	_ =	shalt  }
0x79: {  	_ =	shalt  }
0x7a: {  	_ =	shalt  }
0x7b: {  	_ =	shalt  }
0x7c: {  	_ =	shalt  }
0x7d: {  	_ =	shalt  }
0x7e: {  	_ =	shalt  }
0x7f: {  	_ =	shalt  }
0x80: {  	_ =	shalt  }
0x81: {  	_ =	shalt  }
0x82: {  	_ =	shalt  }
0x83: {  	_ =	shalt  }
0x84: {  	_ =	shalt  }
0x85: {  	_ =	shalt  }
0x86: {  	_ =	shalt  }
0x87: {  	_ =	shalt  }
.Lfunc_end0:
.L_simem_size_0:
called_computation_lowered:
.L_overlay_start_0:
0x88: {  	s2 =	sld [smem:$0x3FD9]  }
0x89: {  	s3 =	sld [smem:$0x3FFE];
	_ =	sdelay $0x1  }
0x8a: {  	s1 =	srdreg.scid  }
0x8b: {  	s0 =	sand.u32 $0x1, s1  }
0x8c: {  	s18 =	sshll.u32 s0, $0xA;
	s2 =	sadd.s32 s3, s2  }
0x8d: {  	s2 =	sadd.s32 s2, s18  }
0x8e: {  	[smem:$0x3FC6] =	sst s2  }
0x8f: {  	_ = 	snop  }
0x90: {  	s2 =	sld [smem:$0x3FC9]  }
0x91: {  	s19 =	sld [smem:$0x3FC8]  }
0x92: {  	s4 =	sld [smem:$0x3FD0];
	(tm) =	ssettm $0x1  }
0x93: {  	s5 =	sld [smem:$0x3FFB];
	_ =	sdelay $0x3  }
0x94: {  	_ =	strace s5  }
0x95: {  	s5 =	sld [smem:$0x3FFC];
	_ =	sdelay $0x3  }
0x96: {  	_ =	strace s5  }
0x97: {  	s5 =	sld [smem:$0x3FFD];
	_ =	sdelay $0x3  }
0x98: {  	_ =	strace s5  }
0x99: {  	_ =	strace $0x8FFFFFFF  }
0x9a: {  	s20 =	sld [smem:$0x3FDB];
	_ =	sdelay $0x1  }
0x9b: {  	s6 =	simm.s32 $_scs_section_size  }
0x9c: {  	s7 =	simm.s32 $_size__tile_overlayer_lowered;
	s8 =	simm.s32 $_tile_overlayer_lowered  }
0x9d: {  	s23 =	simm.s32 $0x1BFF;
	s22 =	sshll.u32 s8, $0x1;
	s5 =	sadd.s32 s6, s20  }
0x9e: {  	s9 =	simm.s32 $0x0;
	s21 =	sshll.u32 s7, $0x1;
	s7 =	sadd.s32 s22, s5  }
0x9f: {  	[timem:s9], [sflag:s23] =	dma.local [hbm:s7], s21  }
0xa0: {  	_ =	swait.ge [sflag:s23], s21  }
0xa1: {  	s6 =	ssub.s32 $0x0, s21;
	[sflag:s23] =	ssyncset.done $0x0  }
0xa2: {  	[sflag:s23] =	ssyncadd.s32 s6;
	_ =	sdelay $0x1  }
0xa3: {  	s24 =	simm.s32 $0x1B8B  }
0xa4: {  	_ =	swait.ge [sflag:s24], $0x1  }
0xa5: {  	[sflag:s24] =	ssyncset.done $0x0  }
0xa6: {  	s25 =	simm.s32 $0x1B8E;
	[sflag:s24] =	ssyncadd.s32 $0xFFFFFFFF  }
0xa7: {  	s26 =	simm.s32 $execute0_lowered;
	[smem:$0x3FD2] =	sst s25  }
0xa8: {  	s6 =	sshll.u32 s26, $0x1;
	_ =	strace $0x80000046;
	[dreg:$0x1] =	wrdreg $0xFFFFFFFF  }
0xa9: {  	s28 =	simm.s32 $_size_execute0_lowered;
	s5 =	sadd.s32 s5, s6;
	[dreg:$0x0] =	wrdreg $0x0  }
0xaa: {  	s6 =	sshll.u32 s28, $0x1;
	[dreg:$0x2] =	wrdreg s5  }
0xab: {  	[dreg:$0x3] =	wrdreg s6  }
0xac: {  	[dreg:$0x4] =	wrdreg $0xC0  }
0xad: {  	_ =	task [dreg:s9], $0x5FFFF  }
0xae: {  	[dreg:$0x1] =	wrdreg $0xFFFFFFFF  }
0xaf: {  	[dreg:$0x0] =	wrdreg $0x60  }
0xb0: {  	[dreg:$0x2] =	wrdreg s2  }
0xb1: {  	[dreg:$0x3] =	wrdreg s19  }
0xb2: {  	[dreg:$0x4] =	wrdreg s4  }
0xb3: {  	[dreg:$0x5] =	wrdreg $0x9  }
0xb4: {  	_ =	task.clear_ibuf [dreg:s9], $0x6FFFF;
	_ =	strace $0x90000046  }
0xb5: {  	s29 =	simm.s32 $0x9;
	_ =	strace $0x80000048  }
0xb6: {  	_ =	swait.ge [sflag:s29], $0x1  }
0xb7: {  	[sflag:s29] =	ssyncadd.s32 $0xFFFFFFFF  }
0xb8: {  	_ =	strace $0x90000048  }
0xb9: {  	_ =	sfence  }
0xba: {  	s30 =	sld [smem:$0x0];
	_ =	sdelay $0x2  }
0xbb: {  	s31 =	sshll.u32 s1, $0xD;
	s1 =	sshrl.u32 s1, $0x2  }
0xbc: {  	s3 =	sand.u32 $0x4000, s31;
	s1 =	sadd.s32 s1, s30  }
0xbd: {  	s0 =	sor.u32 s3, s0;
	s1 =	sshll.u32 s1, $0x11  }
0xbe: {  	s0 =	sor.u32 s1, s0  }
0xbf: {  	s0 =	sadd.s32 $0x8F2B, s0  }
0xc0: {  	[sflag:s0] =	ssyncadd.remote.s32 $0x1  }
0xc1: {  	_ =	sfence.sel $0xFFFF  }
0xc2: {  	[dreg:$0x0] =	wrdreg $0xFFFFFFFF;
	(pc) =	sbr.abs _section_cstart, $3  }
0xc3: {  	[dreg:$0x1] =	wrdreg $0xFFFFFFFF  }
0xc4: {  	_ =	task.clear_ibuf [dreg:s9], $0x2FFFF;
	_ =	strace $0x9FFFFFFF  }
0xc5: {  	(tm) =	ssettm $0x7FFFFFFF  }
tec
execute0_lowered:
.L_overlay_start_1:
0x0: {  	(tag) =	ssettag $0x1  }
0x1: {  	s0 =	srdreg.scid;
	s1 =	stileid.u32  }
0x2: {  	s0 =	sand.u32 $0x1, s0;
	s1 =	sshll.u32 s1, $0x1  }
0x3: {  	s12 =	rddreg [dreg:$0x0];
	s2 =	sor.u32 s0, s1  }
0x4: {  	s5 =	rddreg [dreg:$0x1];
	s3 =	smul.u32 $0x6000, s2  }
0x5: {  	s13 =	rddreg [dreg:$0x2];
	s1 =	simm.s32 $0x0;
	s0 =	ssub.s32 $0x2, s0  }
0x6: {  	s2 =	smul.u32 $0x30000, s2;
	[smem:$0x7FF] =	sst s1;
	s19 =	sadd.s32 s5, s3  }
0x7: {  	s4 =	sshrl.u32 s0, $0x1;
	s20 =	sadd.s32 s12, s3;
	[dreg:$0x4] =	wrdreg s19  }
0x8: {  	s21 =	sadd.s32 s13, s3;
	s6 =	sor.u32 $0xC00, s3;
	[dreg:$0x5] =	wrdreg s20  }
0x9: {  	s10 =	sshrl.u32 s2, $0x3;
	[dreg:$0x6] =	wrdreg s21;
	s7 =	sadd.s32 s5, s6  }
0xa: {  	s22 =	sadd.s32 $0xC0000, s10;
	s8 =	sadd.s32 s12, s6;
	[dreg:$0xd] =	wrdreg s7  }
0xb: {  	s14 =	ssub.s32 s0, s4;
	s23 =	sadd.s32 s12, s22;
	[dreg:$0xe] =	wrdreg s8  }
0xc: {  	s24 =	sadd.s32 $0x180000, s10;
	s0 =	sadd.s32 s13, s22;
	[dreg:$0x7] =	wrdreg s23  }
0xd: {  	s26 =	sadd.s32 $0x240000, s10;
	s25 =	sadd.s32 s12, s24;
	[dreg:$0x8] =	wrdreg s0  }
0xe: {  	s9 =	sadd.s32 $0xC0C00, s10;
	s4 =	sadd.s32 s12, s26;
	[dreg:$0x9] =	wrdreg s25  }
0xf: {  	s11 =	sadd.s32 s12, s9;
	[dreg:$0xb] =	wrdreg s4  }
0x10: {  	s15 =	sadd.s32 $0x180C00, s10;
	s2 =	sadd.s32 s13, s9;
	[dreg:$0x10] =	wrdreg s11  }
0x11: {  	s17 =	sadd.s32 $0x240C00, s10;
	s16 =	sadd.s32 s12, s15;
	[dreg:$0x11] =	wrdreg s2  }
0x12: {  	s19 =	sor.u32 $0x1800, s3;
	s18 =	sadd.s32 s12, s17;
	[dreg:$0x12] =	wrdreg s16  }
0x13: {  	s20 =	sadd.s32 s5, s19;
	[dreg:$0x14] =	wrdreg s18  }
0x14: {  	s21 =	sadd.s32 s12, s19;
	[dreg:$0x16] =	wrdreg s20  }
0x15: {  	s14 =	smax.u32 s14, $0x1;
	s0 =	sadd.s32 s13, s24;
	[dreg:$0x17] =	wrdreg s21  }
0x16: {  	s22 =	sadd.s32 $0xC1800, s10;
	s2 =	sadd.s32 s13, s17;
	[dreg:$0xa] =	wrdreg s0  }
0x17: {  	s3 =	sadd.s32 $0x243000, s10;
	s24 =	sadd.s32 s12, s22;
	[dreg:$0x15] =	wrdreg s2  }
0x18: {  	s23 =	sadd.s32 $0x181800, s10;
	s0 =	sadd.s32 s13, s26;
	[dreg:$0x19] =	wrdreg s24  }
0x19: {  	s4 =	sadd.s32 $0x2400, s10;
	s25 =	sadd.s32 s12, s23;
	[dreg:$0xc] =	wrdreg s0  }
0x1a: {  	s11 =	sadd.s32 $0xC2400, s10;
	s26 =	sadd.s32 s13, s23;
	[dreg:$0x1b] =	wrdreg s25  }
0x1b: {  	s16 =	sadd.s32 $0x182400, s10;
	s7 =	sadd.s32 s5, s4;
	[dreg:$0x1c] =	wrdreg s26  }
0x1c: {  	s18 =	sadd.s32 $0x242400, s10;
	s8 =	sadd.s32 s12, s4;
	[dreg:$0x1f] =	wrdreg s7  }
0x1d: {  	s20 =	sadd.s32 $0x3000, s10;
	s9 =	sadd.s32 s13, s4;
	[smem:$0x7E9] =	sst s8  }
0x1e: {  	s2 =	sadd.s32 $0x241800, s10;
	s17 =	sadd.s32 s12, s16;
	[smem:$0x7EA] =	sst s9  }
0x1f: {  	s21 =	sadd.s32 s5, s20;
	s23 =	sadd.s32 $0xC3000, s10;
	[smem:$0x7ED] =	sst s17  }
0x20: {  	s4 =	sadd.s32 s12, s3;
	s0 =	sadd.s32 s13, s6;
	[smem:$0x7F1] =	sst s21  }
0x21: {  	s6 =	sadd.s32 s12, s2;
	s24 =	sadd.s32 s12, s23;
	[smem:$0x7F8] =	sst s4  }
0x22: {  	s25 =	sadd.s32 $0x183000, s10;
	s9 =	sadd.s32 $0xC3C00, s10;
	[dreg:$0xf] =	wrdreg s0  }
0x23: {  	s17 =	sadd.s32 $0x4800, s10;
	s0 =	sadd.s32 s13, s15;
	[dreg:$0x1d] =	wrdreg s6  }
0x24: {  	s15 =	sadd.s32 s12, s11;
	[smem:$0x7F4] =	sst s24;
	s26 =	sadd.s32 s12, s25  }
0x25: {  	s6 =	sadd.s32 $0x3C00, s10;
	s21 =	sadd.s32 s13, s9;
	[dreg:$0x13] =	wrdreg s0  }
0x26: {  	s28 =	sadd.s32 s12, s17;
	s29 =	sadd.s32 s13, s17;
	[smem:$0x7EB] =	sst s15  }
0x27: {  	s0 =	sadd.s32 s13, s19;
	s19 =	sadd.s32 s12, s18;
	[smem:$0x7F6] =	sst s26  }
0x28: {  	s7 =	sadd.s32 s5, s6;
	s8 =	sadd.s32 s12, s6;
	[dreg:$0x18] =	wrdreg s0  }
0x29: {  	s15 =	sadd.s32 s12, s9;
	s26 =	sadd.s32 s5, s17;
	[smem:$0x7EF] =	sst s19  }
0x2a: {  	s9 =	sadd.s32 $0xC5400, s10;
	s17 =	simm.s32 $0x0;
	[smem:$0x7FA] =	sst s7  }
0x2b: {  	s0 =	sadd.s32 s13, s22;
	s22 =	sadd.s32 s12, s20;
	[smem:$0x7FB] =	sst s8  }
0x2c: {  	[smem:$0x7FD] =	sst s15;
	s19 =	sadd.s32 $0x184800, s10;
	s7 =	sadd.s32 $0x5400, s10  }
0x2d: {  	s8 =	sadd.s32 s12, s9;
	s9 =	sadd.s32 s13, s9;
	[dreg:$0x1a] =	wrdreg s0  }
0x2e: {  	s15 =	sadd.s32 $0x245400, s10;
	s0 =	sadd.s32 s13, s2;
	[smem:$0x7F2] =	sst s22  }
0x2f: {  	s2 =	sadd.s32 s13, s23;
	s5 =	sadd.s32 s5, s7;
	[dreg:$0x1e] =	wrdreg s0  }
0x30: {  	s0 =	sadd.s32 s13, s11;
	[smem:$0x7F5] =	sst s2;
	s2 =	sadd.s32 s13, s3  }
0x31: {  	s11 =	sadd.s32 $0x183C00, s10;
	[smem:$0x7EC] =	sst s0;
	s0 =	sadd.s32 s13, s16  }
0x32: {  	[smem:$0x7F9] =	sst s2;
	s22 =	sadd.s32 s12, s11;
	s23 =	sadd.s32 s13, s11  }
0x33: {  	s16 =	sadd.s32 $0x243C00, s10;
	s2 =	sadd.s32 s13, s19;
	s11 =	sadd.s32 $0x185400, s10  }
0x34: {  	[smem:$0x7EE] =	sst s0;
	s0 =	sadd.s32 s13, s18;
	s24 =	sadd.s32 s12, s16  }
0x35: {  	s18 =	sadd.s32 $0xC4800, s10;
	[smem:$0x7F0] =	sst s0;
	s0 =	sadd.s32 s13, s20  }
0x36: {  	s30 =	sadd.s32 s12, s18;
	s31 =	sadd.s32 s13, s18;
	s20 =	sadd.s32 $0x244800, s10  }
0x37: {  	s10 =	sadd.s32 s12, s11;
	s11 =	sadd.s32 s13, s11;
	[smem:$0x7F3] =	sst s0  }
0x38: {  	s0 =	sadd.s32 s13, s25;
	s25 =	sadd.s32 s13, s16;
	s3 =	sadd.s32 s12, s20  }
0x39: {  	s4 =	sadd.s32 s13, s20;
	s16 =	simm.s32 $0x6000;
	[smem:$0x7F7] =	sst s0  }
0x3a: {  	s0 =	sadd.s32 s13, s6;
	s6 =	sadd.s32 s12, s7;
	s7 =	sadd.s32 s13, s7  }
0x3b: {  	s13 =	sadd.s32 s13, s15;
	[smem:$0x7FC] =	sst s0;
	s0 =	sadd.s32 s12, s19  }
0x3c: {  	s12 =	sadd.s32 s12, s15;
	s15 =	simm.s32 $0x1;
	_ =	strace $0x80000047  }
.LBB2_1:
0x3d: {  	s18 =	rddreg [dreg:$0x4]  }
0x3e: {  	[tilespmem:s1], [sflag:$0x1] =	stream.linear.gather [hbm4b:s18+s1], $0x6000, $0x38;
	[tilespmem:$0xC000] =	vst v63  }
0x3f: {  	_ =	swait.ge [sflag:s15], $0x6000  }
0x40: {  	[sflag:s15] =	ssyncset.done $0x0  }
0x41: {  	s20 =	rddreg [dreg:$0x5];
	[sflag:s15] =	ssyncadd.s32 $0xFFFFA000  }
0x42: {  	[tilespmem:s16], [sflag:$0x1] =	stream.linear.gather [hbm4b:s20+s1], $0x6000, $0x38;
	[tilespmem:$0xC000] =	vst v63  }
0x43: {  	_ =	swait.ge [sflag:s15], $0x6000  }
0x44: {  	[sflag:s15] =	ssyncset.done $0x0  }
0x45: {  	s18 =	simm.s32 $0x0;
	[sflag:s15] =	ssyncadd.s32 $0xFFFFA000  }
0x46: {  	s19 =	simm.s32 $0x40;
	v0 =	vld [tilespmem:s18+$0x0]  }
.LBB2_2:
0x47: {  	p0 =	sne.s32 s19, $0x17FC0;
	v1 =	vld [tilespmem:s18+$0x6000];
	_ =	sdelay $0x2  }
.Ltmp0:
0x48: {  	(pc) =	sbr.rel @p0 .LBB2_2-.Ltmp0, $4  }
0x49: {  	_ = 	snop  }
0x4a: {  	v1 =	vadd.f32 v0, v1  }
0x4b: {  	s20 =	sshra.s32 s19, $0x2  }
0x4c: {  	s19 =	sadd.s32 $0x40, s19;
	v0 =	vld [tilespmem:s20+$0x0];
	[tilespmem:s18+$0x6000] =	vst v1;
	s18 =	smov.u32 s20  }
0x4d: {  	v1 =	vld [tilespmem:s18+$0x6000];
	_ =	sdelay $0x4  }
0x4e: {  	v0 =	vadd.f32 v0, v1;
	_ =	sdelay $0x1  }
0x4f: {  	s19 =	rddreg [dreg:$0x6];
	[tilespmem:s18+$0x6000] =	vst v0;
	s18 =	simm.s32 $0x0  }
0x50: {  	[hbm4b:s19+s18] =	stream.linear.scatter [tilespmem:s16], [sflag:$0x1], $0x6000, $0x38;
	[tilespmem:$0xC000] =	vst v63  }
0x51: {  	_ =	swait.ge [sflag:s15], $0x6000  }
0x52: {  	[sflag:s15] =	ssyncset.done $0x0  }
0x53: {  	s20 =	rddreg [dreg:$0x7];
	[sflag:s15] =	ssyncadd.s32 $0xFFFFA000  }
0x54: {  	[tilespmem:s16], [sflag:$0x1] =	stream.linear.gather [hbm4b:s20+s18], $0x6000, $0x38;
	[tilespmem:$0xC000] =	vst v63  }
0x55: {  	_ =	swait.ge [sflag:s15], $0x6000  }
0x56: {  	[sflag:s15] =	ssyncset.done $0x0  }
0x57: {  	s18 =	simm.s32 $0x0;
	[sflag:s15] =	ssyncadd.s32 $0xFFFFA000  }
0x58: {  	s19 =	simm.s32 $0x40;
	v0 =	vld [tilespmem:s18+$0x0]  }
.LBB2_4:
0x59: {  	p0 =	sne.s32 s19, $0x17FC0;
	v1 =	vld [tilespmem:s18+$0x6000];
	_ =	sdelay $0x2  }
.Ltmp1:
0x5a: {  	(pc) =	sbr.rel @p0 .LBB2_4-.Ltmp1, $4  }
0x5b: {  	_ = 	snop  }
0x5c: {  	v1 =	vadd.f32 v0, v1  }
0x5d: {  	s20 =	sshra.s32 s19, $0x2  }
0x5e: {  	s19 =	sadd.s32 $0x40, s19;
	v0 =	vld [tilespmem:s20+$0x0];
	[tilespmem:s18+$0x6000] =	vst v1;
	s18 =	smov.u32 s20  }
0x5f: {  	v1 =	vld [tilespmem:s18+$0x6000];
	_ =	sdelay $0x4  }
0x60: {  	v0 =	vadd.f32 v0, v1;
	_ =	sdelay $0x1  }
0x61: {  	s19 =	rddreg [dreg:$0x8];
	[tilespmem:s18+$0x6000] =	vst v0;
	s18 =	simm.s32 $0x0  }
0x62: {  	[hbm4b:s19+s18] =	stream.linear.scatter [tilespmem:s16], [sflag:$0x1], $0x6000, $0x38;
	[tilespmem:$0xC000] =	vst v63  }
0x63: {  	_ =	swait.ge [sflag:s15], $0x6000  }
0x64: {  	[sflag:s15] =	ssyncset.done $0x0  }
0x65: {  	s20 =	rddreg [dreg:$0x9];
	[sflag:s15] =	ssyncadd.s32 $0xFFFFA000  }
0x66: {  	[tilespmem:s16], [sflag:$0x1] =	stream.linear.gather [hbm4b:s20+s18], $0x6000, $0x38;
	[tilespmem:$0xC000] =	vst v63  }
0x67: {  	_ =	swait.ge [sflag:s15], $0x6000  }
0x68: {  	[sflag:s15] =	ssyncset.done $0x0  }
0x69: {  	s18 =	simm.s32 $0x0;
	[sflag:s15] =	ssyncadd.s32 $0xFFFFA000  }
0x6a: {  	s19 =	simm.s32 $0x40;
	v0 =	vld [tilespmem:s18+$0x0]  }
.LBB2_6:
0x6b: {  	p0 =	sne.s32 s19, $0x17FC0;
	v1 =	vld [tilespmem:s18+$0x6000];
	_ =	sdelay $0x2  }
.Ltmp2:
0x6c: {  	(pc) =	sbr.rel @p0 .LBB2_6-.Ltmp2, $4  }
0x6d: {  	_ = 	snop  }
0x6e: {  	v1 =	vadd.f32 v0, v1  }
0x6f: {  	s20 =	sshra.s32 s19, $0x2  }
0x70: {  	s19 =	sadd.s32 $0x40, s19;
	v0 =	vld [tilespmem:s20+$0x0];
	[tilespmem:s18+$0x6000] =	vst v1;
	s18 =	smov.u32 s20  }
0x71: {  	v1 =	vld [tilespmem:s18+$0x6000];
	_ =	sdelay $0x4  }
0x72: {  	v0 =	vadd.f32 v0, v1;
	_ =	sdelay $0x1  }
0x73: {  	s19 =	rddreg [dreg:$0xa];
	[tilespmem:s18+$0x6000] =	vst v0;
	s18 =	simm.s32 $0x0  }
0x74: {  	[hbm4b:s19+s18] =	stream.linear.scatter [tilespmem:s16], [sflag:$0x1], $0x6000, $0x38;
	[tilespmem:$0xC000] =	vst v63  }
0x75: {  	_ =	swait.ge [sflag:s15], $0x6000  }
0x76: {  	[sflag:s15] =	ssyncset.done $0x0  }
0x77: {  	s20 =	rddreg [dreg:$0xb];
	[sflag:s15] =	ssyncadd.s32 $0xFFFFA000  }
0x78: {  	[tilespmem:s16], [sflag:$0x1] =	stream.linear.gather [hbm4b:s20+s18], $0x6000, $0x38;
	[tilespmem:$0xC000] =	vst v63  }
0x79: {  	_ =	swait.ge [sflag:s15], $0x6000  }
0x7a: {  	[sflag:s15] =	ssyncset.done $0x0  }
0x7b: {  	s18 =	simm.s32 $0x0;
	[sflag:s15] =	ssyncadd.s32 $0xFFFFA000  }
0x7c: {  	s19 =	simm.s32 $0x40;
	v0 =	vld [tilespmem:s18+$0x0]  }
.LBB2_8:
0x7d: {  	p0 =	sne.s32 s19, $0x17FC0;
	v1 =	vld [tilespmem:s18+$0x6000];
	_ =	sdelay $0x2  }
.Ltmp3:
0x7e: {  	(pc) =	sbr.rel @p0 .LBB2_8-.Ltmp3, $4  }
0x7f: {  	_ = 	snop  }
0x80: {  	v1 =	vadd.f32 v0, v1  }
0x81: {  	s20 =	sshra.s32 s19, $0x2  }
0x82: {  	s19 =	sadd.s32 $0x40, s19;
	v0 =	vld [tilespmem:s20+$0x0];
	[tilespmem:s18+$0x6000] =	vst v1;
	s18 =	smov.u32 s20  }
0x83: {  	v1 =	vld [tilespmem:s18+$0x6000];
	_ =	sdelay $0x4  }
0x84: {  	v0 =	vadd.f32 v0, v1;
	_ =	sdelay $0x1  }
0x85: {  	s19 =	rddreg [dreg:$0xc];
	[tilespmem:s18+$0x6000] =	vst v0;
	s18 =	simm.s32 $0x0  }
0x86: {  	[hbm4b:s19+s18] =	stream.linear.scatter [tilespmem:s16], [sflag:$0x1], $0x6000, $0x38;
	[tilespmem:$0xC000] =	vst v63  }
0x87: {  	_ =	swait.ge [sflag:s15], $0x6000  }
0x88: {  	[sflag:s15] =	ssyncset.done $0x0  }
0x89: {  	s20 =	rddreg [dreg:$0xd];
	[sflag:s15] =	ssyncadd.s32 $0xFFFFA000  }
0x8a: {  	[tilespmem:s18], [sflag:$0x1] =	stream.linear.gather [hbm4b:s20+s18], $0x6000, $0x38;
	[tilespmem:$0xC000] =	vst v63  }
0x8b: {  	_ =	swait.ge [sflag:s15], $0x6000  }
0x8c: {  	[sflag:s15] =	ssyncset.done $0x0  }
0x8d: {  	s20 =	rddreg [dreg:$0xe];
	[sflag:s15] =	ssyncadd.s32 $0xFFFFA000  }
0x8e: {  	[tilespmem:s16], [sflag:$0x1] =	stream.linear.gather [hbm4b:s20+s18], $0x6000, $0x38;
	[tilespmem:$0xC000] =	vst v63  }
0x8f: {  	_ =	swait.ge [sflag:s15], $0x6000  }
0x90: {  	[sflag:s15] =	ssyncset.done $0x0  }
0x91: {  	s18 =	simm.s32 $0x0;
	[sflag:s15] =	ssyncadd.s32 $0xFFFFA000  }
0x92: {  	s19 =	simm.s32 $0x40;
	v0 =	vld [tilespmem:s18+$0x0]  }
.LBB2_10:
0x93: {  	p0 =	sne.s32 s19, $0x17FC0;
	v1 =	vld [tilespmem:s18+$0x6000];
	_ =	sdelay $0x2  }
.Ltmp4:
0x94: {  	(pc) =	sbr.rel @p0 .LBB2_10-.Ltmp4, $4  }
0x95: {  	_ = 	snop  }
0x96: {  	v1 =	vadd.f32 v0, v1  }
0x97: {  	s20 =	sshra.s32 s19, $0x2  }
0x98: {  	s19 =	sadd.s32 $0x40, s19;
	v0 =	vld [tilespmem:s20+$0x0];
	[tilespmem:s18+$0x6000] =	vst v1;
	s18 =	smov.u32 s20  }
0x99: {  	v1 =	vld [tilespmem:s18+$0x6000];
	_ =	sdelay $0x4  }
0x9a: {  	v0 =	vadd.f32 v0, v1;
	_ =	sdelay $0x1  }
0x9b: {  	s19 =	rddreg [dreg:$0xf];
	[tilespmem:s18+$0x6000] =	vst v0;
	s18 =	simm.s32 $0x0  }
0x9c: {  	[hbm4b:s19+s18] =	stream.linear.scatter [tilespmem:s16], [sflag:$0x1], $0x6000, $0x38;
	[tilespmem:$0xC000] =	vst v63  }
0x9d: {  	_ =	swait.ge [sflag:s15], $0x6000  }
0x9e: {  	[sflag:s15] =	ssyncset.done $0x0  }
0x9f: {  	s20 =	rddreg [dreg:$0x10];
	[sflag:s15] =	ssyncadd.s32 $0xFFFFA000  }
0xa0: {  	[tilespmem:s16], [sflag:$0x1] =	stream.linear.gather [hbm4b:s20+s18], $0x6000, $0x38;
	[tilespmem:$0xC000] =	vst v63  }
0xa1: {  	_ =	swait.ge [sflag:s15], $0x6000  }
0xa2: {  	[sflag:s15] =	ssyncset.done $0x0  }
0xa3: {  	s18 =	simm.s32 $0x0;
	[sflag:s15] =	ssyncadd.s32 $0xFFFFA000  }
0xa4: {  	s19 =	simm.s32 $0x40;
	v0 =	vld [tilespmem:s18+$0x0]  }
.LBB2_12:
0xa5: {  	p0 =	sne.s32 s19, $0x17FC0;
	v1 =	vld [tilespmem:s18+$0x6000];
	_ =	sdelay $0x2  }
.Ltmp5:
0xa6: {  	(pc) =	sbr.rel @p0 .LBB2_12-.Ltmp5, $4  }
0xa7: {  	_ = 	snop  }
0xa8: {  	v1 =	vadd.f32 v0, v1  }
0xa9: {  	s20 =	sshra.s32 s19, $0x2  }
0xaa: {  	s19 =	sadd.s32 $0x40, s19;
	v0 =	vld [tilespmem:s20+$0x0];
	[tilespmem:s18+$0x6000] =	vst v1;
	s18 =	smov.u32 s20  }
0xab: {  	v1 =	vld [tilespmem:s18+$0x6000];
	_ =	sdelay $0x4  }
0xac: {  	v0 =	vadd.f32 v0, v1;
	_ =	sdelay $0x1  }
0xad: {  	s19 =	rddreg [dreg:$0x11];
	[tilespmem:s18+$0x6000] =	vst v0;
	s18 =	simm.s32 $0x0  }
0xae: {  	[hbm4b:s19+s18] =	stream.linear.scatter [tilespmem:s16], [sflag:$0x1], $0x6000, $0x38;
	[tilespmem:$0xC000] =	vst v63  }
0xaf: {  	_ =	swait.ge [sflag:s15], $0x6000  }
0xb0: {  	[sflag:s15] =	ssyncset.done $0x0  }
0xb1: {  	s20 =	rddreg [dreg:$0x12];
	[sflag:s15] =	ssyncadd.s32 $0xFFFFA000  }
0xb2: {  	[tilespmem:s16], [sflag:$0x1] =	stream.linear.gather [hbm4b:s20+s18], $0x6000, $0x38;
	[tilespmem:$0xC000] =	vst v63  }
0xb3: {  	_ =	swait.ge [sflag:s15], $0x6000  }
0xb4: {  	[sflag:s15] =	ssyncset.done $0x0  }
0xb5: {  	s18 =	simm.s32 $0x0;
	[sflag:s15] =	ssyncadd.s32 $0xFFFFA000  }
0xb6: {  	s19 =	simm.s32 $0x40;
	v0 =	vld [tilespmem:s18+$0x0]  }
.LBB2_14:
0xb7: {  	p0 =	sne.s32 s19, $0x17FC0;
	v1 =	vld [tilespmem:s18+$0x6000];
	_ =	sdelay $0x2  }
.Ltmp6:
0xb8: {  	(pc) =	sbr.rel @p0 .LBB2_14-.Ltmp6, $4  }
0xb9: {  	_ = 	snop  }
0xba: {  	v1 =	vadd.f32 v0, v1  }
0xbb: {  	s20 =	sshra.s32 s19, $0x2  }
0xbc: {  	s19 =	sadd.s32 $0x40, s19;
	v0 =	vld [tilespmem:s20+$0x0];
	[tilespmem:s18+$0x6000] =	vst v1;
	s18 =	smov.u32 s20  }
0xbd: {  	v1 =	vld [tilespmem:s18+$0x6000];
	_ =	sdelay $0x4  }
0xbe: {  	v0 =	vadd.f32 v0, v1;
	_ =	sdelay $0x1  }
0xbf: {  	s19 =	rddreg [dreg:$0x13];
	[tilespmem:s18+$0x6000] =	vst v0;
	s18 =	simm.s32 $0x0  }
0xc0: {  	[hbm4b:s19+s18] =	stream.linear.scatter [tilespmem:s16], [sflag:$0x1], $0x6000, $0x38;
	[tilespmem:$0xC000] =	vst v63  }
0xc1: {  	_ =	swait.ge [sflag:s15], $0x6000  }
0xc2: {  	[sflag:s15] =	ssyncset.done $0x0  }
0xc3: {  	s20 =	rddreg [dreg:$0x14];
	[sflag:s15] =	ssyncadd.s32 $0xFFFFA000  }
0xc4: {  	[tilespmem:s16], [sflag:$0x1] =	stream.linear.gather [hbm4b:s20+s18], $0x6000, $0x38;
	[tilespmem:$0xC000] =	vst v63  }
0xc5: {  	_ =	swait.ge [sflag:s15], $0x6000  }
0xc6: {  	[sflag:s15] =	ssyncset.done $0x0  }
0xc7: {  	s18 =	simm.s32 $0x0;
	[sflag:s15] =	ssyncadd.s32 $0xFFFFA000  }
0xc8: {  	s19 =	simm.s32 $0x40;
	v0 =	vld [tilespmem:s18+$0x0]  }
.LBB2_16:
0xc9: {  	p0 =	sne.s32 s19, $0x17FC0;
	v1 =	vld [tilespmem:s18+$0x6000];
	_ =	sdelay $0x2  }
.Ltmp7:
0xca: {  	(pc) =	sbr.rel @p0 .LBB2_16-.Ltmp7, $4  }
0xcb: {  	_ = 	snop  }
0xcc: {  	v1 =	vadd.f32 v0, v1  }
0xcd: {  	s20 =	sshra.s32 s19, $0x2  }
0xce: {  	s19 =	sadd.s32 $0x40, s19;
	v0 =	vld [tilespmem:s20+$0x0];
	[tilespmem:s18+$0x6000] =	vst v1;
	s18 =	smov.u32 s20  }
0xcf: {  	v1 =	vld [tilespmem:s18+$0x6000];
	_ =	sdelay $0x4  }
0xd0: {  	v0 =	vadd.f32 v0, v1;
	_ =	sdelay $0x1  }
0xd1: {  	s19 =	rddreg [dreg:$0x15];
	[tilespmem:s18+$0x6000] =	vst v0;
	s18 =	simm.s32 $0x0  }
0xd2: {  	[hbm4b:s19+s18] =	stream.linear.scatter [tilespmem:s16], [sflag:$0x1], $0x6000, $0x38;
	[tilespmem:$0xC000] =	vst v63  }
0xd3: {  	_ =	swait.ge [sflag:s15], $0x6000  }
0xd4: {  	[sflag:s15] =	ssyncset.done $0x0  }
0xd5: {  	s20 =	rddreg [dreg:$0x16];
	[sflag:s15] =	ssyncadd.s32 $0xFFFFA000  }
0xd6: {  	[tilespmem:s18], [sflag:$0x1] =	stream.linear.gather [hbm4b:s20+s18], $0x6000, $0x38;
	[tilespmem:$0xC000] =	vst v63  }
0xd7: {  	_ =	swait.ge [sflag:s15], $0x6000  }
0xd8: {  	[sflag:s15] =	ssyncset.done $0x0  }
0xd9: {  	s20 =	rddreg [dreg:$0x17];
	[sflag:s15] =	ssyncadd.s32 $0xFFFFA000  }
0xda: {  	[tilespmem:s16], [sflag:$0x1] =	stream.linear.gather [hbm4b:s20+s18], $0x6000, $0x38;
	[tilespmem:$0xC000] =	vst v63  }
0xdb: {  	_ =	swait.ge [sflag:s15], $0x6000  }
0xdc: {  	[sflag:s15] =	ssyncset.done $0x0  }
0xdd: {  	s18 =	simm.s32 $0x0;
	[sflag:s15] =	ssyncadd.s32 $0xFFFFA000  }
0xde: {  	s19 =	simm.s32 $0x40;
	v0 =	vld [tilespmem:s18+$0x0]  }
.LBB2_18:
0xdf: {  	p0 =	sne.s32 s19, $0x17FC0;
	v1 =	vld [tilespmem:s18+$0x6000];
	_ =	sdelay $0x2  }
.Ltmp8:
0xe0: {  	(pc) =	sbr.rel @p0 .LBB2_18-.Ltmp8, $4  }
0xe1: {  	_ = 	snop  }
0xe2: {  	v1 =	vadd.f32 v0, v1  }
0xe3: {  	s20 =	sshra.s32 s19, $0x2  }
0xe4: {  	s19 =	sadd.s32 $0x40, s19;
	v0 =	vld [tilespmem:s20+$0x0];
	[tilespmem:s18+$0x6000] =	vst v1;
	s18 =	smov.u32 s20  }
0xe5: {  	v1 =	vld [tilespmem:s18+$0x6000];
	_ =	sdelay $0x4  }
0xe6: {  	v0 =	vadd.f32 v0, v1;
	_ =	sdelay $0x1  }
0xe7: {  	s19 =	rddreg [dreg:$0x18];
	[tilespmem:s18+$0x6000] =	vst v0;
	s18 =	simm.s32 $0x0  }
0xe8: {  	[hbm4b:s19+s18] =	stream.linear.scatter [tilespmem:s16], [sflag:$0x1], $0x6000, $0x38;
	[tilespmem:$0xC000] =	vst v63  }
0xe9: {  	_ =	swait.ge [sflag:s15], $0x6000  }
0xea: {  	[sflag:s15] =	ssyncset.done $0x0  }
0xeb: {  	s20 =	rddreg [dreg:$0x19];
	[sflag:s15] =	ssyncadd.s32 $0xFFFFA000  }
0xec: {  	[tilespmem:s16], [sflag:$0x1] =	stream.linear.gather [hbm4b:s20+s18], $0x6000, $0x38;
	[tilespmem:$0xC000] =	vst v63  }
0xed: {  	_ =	swait.ge [sflag:s15], $0x6000  }
0xee: {  	[sflag:s15] =	ssyncset.done $0x0  }
0xef: {  	s18 =	simm.s32 $0x0;
	[sflag:s15] =	ssyncadd.s32 $0xFFFFA000  }
0xf0: {  	s19 =	simm.s32 $0x40;
	v0 =	vld [tilespmem:s18+$0x0]  }
.LBB2_20:
0xf1: {  	p0 =	sne.s32 s19, $0x17FC0;
	v1 =	vld [tilespmem:s18+$0x6000];
	_ =	sdelay $0x2  }
.Ltmp9:
0xf2: {  	(pc) =	sbr.rel @p0 .LBB2_20-.Ltmp9, $4  }
0xf3: {  	_ = 	snop  }
0xf4: {  	v1 =	vadd.f32 v0, v1  }
0xf5: {  	s20 =	sshra.s32 s19, $0x2  }
0xf6: {  	s19 =	sadd.s32 $0x40, s19;
	v0 =	vld [tilespmem:s20+$0x0];
	[tilespmem:s18+$0x6000] =	vst v1;
	s18 =	smov.u32 s20  }
0xf7: {  	v1 =	vld [tilespmem:s18+$0x6000];
	_ =	sdelay $0x4  }
0xf8: {  	v0 =	vadd.f32 v0, v1;
	_ =	sdelay $0x1  }
0xf9: {  	s19 =	rddreg [dreg:$0x1a];
	[tilespmem:s18+$0x6000] =	vst v0;
	s18 =	simm.s32 $0x0  }
0xfa: {  	[hbm4b:s19+s18] =	stream.linear.scatter [tilespmem:s16], [sflag:$0x1], $0x6000, $0x38;
	[tilespmem:$0xC000] =	vst v63  }
0xfb: {  	_ =	swait.ge [sflag:s15], $0x6000  }
0xfc: {  	[sflag:s15] =	ssyncset.done $0x0  }
0xfd: {  	s20 =	rddreg [dreg:$0x1b];
	[sflag:s15] =	ssyncadd.s32 $0xFFFFA000  }
0xfe: {  	[tilespmem:s16], [sflag:$0x1] =	stream.linear.gather [hbm4b:s20+s18], $0x6000, $0x38;
	[tilespmem:$0xC000] =	vst v63  }
0xff: {  	_ =	swait.ge [sflag:s15], $0x6000  }
0x100: {  	[sflag:s15] =	ssyncset.done $0x0  }
0x101: {  	s18 =	simm.s32 $0x0;
	[sflag:s15] =	ssyncadd.s32 $0xFFFFA000  }
0x102: {  	s19 =	simm.s32 $0x40;
	v0 =	vld [tilespmem:s18+$0x0]  }
.LBB2_22:
0x103: {  	p0 =	sne.s32 s19, $0x17FC0;
	v1 =	vld [tilespmem:s18+$0x6000];
	_ =	sdelay $0x2  }
.Ltmp10:
0x104: {  	(pc) =	sbr.rel @p0 .LBB2_22-.Ltmp10, $4  }
0x105: {  	_ = 	snop  }
0x106: {  	v1 =	vadd.f32 v0, v1  }
0x107: {  	s20 =	sshra.s32 s19, $0x2  }
0x108: {  	s19 =	sadd.s32 $0x40, s19;
	v0 =	vld [tilespmem:s20+$0x0];
	[tilespmem:s18+$0x6000] =	vst v1;
	s18 =	smov.u32 s20  }
0x109: {  	v1 =	vld [tilespmem:s18+$0x6000];
	_ =	sdelay $0x4  }
0x10a: {  	v0 =	vadd.f32 v0, v1;
	_ =	sdelay $0x1  }
0x10b: {  	s19 =	rddreg [dreg:$0x1c];
	[tilespmem:s18+$0x6000] =	vst v0;
	s18 =	simm.s32 $0x0  }
0x10c: {  	[hbm4b:s19+s18] =	stream.linear.scatter [tilespmem:s16], [sflag:$0x1], $0x6000, $0x38;
	[tilespmem:$0xC000] =	vst v63  }
0x10d: {  	_ =	swait.ge [sflag:s15], $0x6000  }
0x10e: {  	[sflag:s15] =	ssyncset.done $0x0  }
0x10f: {  	s20 =	rddreg [dreg:$0x1d];
	[sflag:s15] =	ssyncadd.s32 $0xFFFFA000  }
0x110: {  	[tilespmem:s16], [sflag:$0x1] =	stream.linear.gather [hbm4b:s20+s18], $0x6000, $0x38;
	[tilespmem:$0xC000] =	vst v63  }
0x111: {  	_ =	swait.ge [sflag:s15], $0x6000  }
0x112: {  	[sflag:s15] =	ssyncset.done $0x0  }
0x113: {  	s18 =	simm.s32 $0x0;
	[sflag:s15] =	ssyncadd.s32 $0xFFFFA000  }
0x114: {  	s19 =	simm.s32 $0x40;
	v0 =	vld [tilespmem:s18+$0x0]  }
.LBB2_24:
0x115: {  	p0 =	sne.s32 s19, $0x17FC0;
	v1 =	vld [tilespmem:s18+$0x6000];
	_ =	sdelay $0x2  }
.Ltmp11:
0x116: {  	(pc) =	sbr.rel @p0 .LBB2_24-.Ltmp11, $4  }
0x117: {  	_ = 	snop  }
0x118: {  	v1 =	vadd.f32 v0, v1  }
0x119: {  	s20 =	sshra.s32 s19, $0x2  }
0x11a: {  	s19 =	sadd.s32 $0x40, s19;
	v0 =	vld [tilespmem:s20+$0x0];
	[tilespmem:s18+$0x6000] =	vst v1;
	s18 =	smov.u32 s20  }
0x11b: {  	v1 =	vld [tilespmem:s18+$0x6000];
	_ =	sdelay $0x4  }
0x11c: {  	v0 =	vadd.f32 v0, v1;
	_ =	sdelay $0x1  }
0x11d: {  	s19 =	rddreg [dreg:$0x1e];
	[tilespmem:s18+$0x6000] =	vst v0;
	s18 =	simm.s32 $0x0  }
0x11e: {  	[hbm4b:s19+s18] =	stream.linear.scatter [tilespmem:s16], [sflag:$0x1], $0x6000, $0x38;
	[tilespmem:$0xC000] =	vst v63  }
0x11f: {  	_ =	swait.ge [sflag:s15], $0x6000  }
0x120: {  	[sflag:s15] =	ssyncset.done $0x0  }
0x121: {  	s20 =	rddreg [dreg:$0x1f];
	[sflag:s15] =	ssyncadd.s32 $0xFFFFA000  }
0x122: {  	[tilespmem:s18], [sflag:$0x1] =	stream.linear.gather [hbm4b:s20+s18], $0x6000, $0x38;
	[tilespmem:$0xC000] =	vst v63  }
0x123: {  	_ =	swait.ge [sflag:s15], $0x6000  }
0x124: {  	s20 =	sld [smem:$0x7E9]  }
0x125: {  	[sflag:s15] =	ssyncset.done $0x0  }
0x126: {  	[sflag:s15] =	ssyncadd.s32 $0xFFFFA000  }
0x127: {  	[tilespmem:s16], [sflag:$0x1] =	stream.linear.gather [hbm4b:s20+s18], $0x6000, $0x38;
	[tilespmem:$0xC000] =	vst v63  }
0x128: {  	_ =	swait.ge [sflag:s15], $0x6000  }
0x129: {  	[sflag:s15] =	ssyncset.done $0x0  }
0x12a: {  	s18 =	simm.s32 $0x0;
	[sflag:s15] =	ssyncadd.s32 $0xFFFFA000  }
0x12b: {  	s19 =	simm.s32 $0x40;
	v0 =	vld [tilespmem:s18+$0x0]  }
.LBB2_26:
0x12c: {  	p0 =	sne.s32 s19, $0x17FC0;
	v1 =	vld [tilespmem:s18+$0x6000];
	_ =	sdelay $0x2  }
.Ltmp12:
0x12d: {  	(pc) =	sbr.rel @p0 .LBB2_26-.Ltmp12, $4  }
0x12e: {  	_ = 	snop  }
0x12f: {  	v1 =	vadd.f32 v0, v1  }
0x130: {  	s20 =	sshra.s32 s19, $0x2  }
0x131: {  	s19 =	sadd.s32 $0x40, s19;
	v0 =	vld [tilespmem:s20+$0x0];
	[tilespmem:s18+$0x6000] =	vst v1;
	s18 =	smov.u32 s20  }
0x132: {  	v1 =	vld [tilespmem:s18+$0x6000];
	_ =	sdelay $0x4  }
0x133: {  	s19 =	sld [smem:$0x7EA];
	v0 =	vadd.f32 v0, v1;
	_ =	sdelay $0x1  }
0x134: {  	[tilespmem:s18+$0x6000] =	vst v0;
	s18 =	simm.s32 $0x0  }
0x135: {  	[hbm4b:s19+s18] =	stream.linear.scatter [tilespmem:s16], [sflag:$0x1], $0x6000, $0x38;
	[tilespmem:$0xC000] =	vst v63  }
0x136: {  	_ =	swait.ge [sflag:s15], $0x6000  }
0x137: {  	s20 =	sld [smem:$0x7EB]  }
0x138: {  	[sflag:s15] =	ssyncset.done $0x0  }
0x139: {  	[sflag:s15] =	ssyncadd.s32 $0xFFFFA000  }
0x13a: {  	[tilespmem:s16], [sflag:$0x1] =	stream.linear.gather [hbm4b:s20+s18], $0x6000, $0x38;
	[tilespmem:$0xC000] =	vst v63  }
0x13b: {  	_ =	swait.ge [sflag:s15], $0x6000  }
0x13c: {  	[sflag:s15] =	ssyncset.done $0x0  }
0x13d: {  	s18 =	simm.s32 $0x0;
	[sflag:s15] =	ssyncadd.s32 $0xFFFFA000  }
0x13e: {  	s19 =	simm.s32 $0x40;
	v0 =	vld [tilespmem:s18+$0x0]  }
.LBB2_28:
0x13f: {  	p0 =	sne.s32 s19, $0x17FC0;
	v1 =	vld [tilespmem:s18+$0x6000];
	_ =	sdelay $0x2  }
.Ltmp13:
0x140: {  	(pc) =	sbr.rel @p0 .LBB2_28-.Ltmp13, $4  }
0x141: {  	_ = 	snop  }
0x142: {  	v1 =	vadd.f32 v0, v1  }
0x143: {  	s20 =	sshra.s32 s19, $0x2  }
0x144: {  	s19 =	sadd.s32 $0x40, s19;
	v0 =	vld [tilespmem:s20+$0x0];
	[tilespmem:s18+$0x6000] =	vst v1;
	s18 =	smov.u32 s20  }
0x145: {  	v1 =	vld [tilespmem:s18+$0x6000];
	_ =	sdelay $0x4  }
0x146: {  	s19 =	sld [smem:$0x7EC];
	v0 =	vadd.f32 v0, v1;
	_ =	sdelay $0x1  }
0x147: {  	[tilespmem:s18+$0x6000] =	vst v0;
	s18 =	simm.s32 $0x0  }
0x148: {  	[hbm4b:s19+s18] =	stream.linear.scatter [tilespmem:s16], [sflag:$0x1], $0x6000, $0x38;
	[tilespmem:$0xC000] =	vst v63  }
0x149: {  	_ =	swait.ge [sflag:s15], $0x6000  }
0x14a: {  	s20 =	sld [smem:$0x7ED]  }
0x14b: {  	[sflag:s15] =	ssyncset.done $0x0  }
0x14c: {  	[sflag:s15] =	ssyncadd.s32 $0xFFFFA000  }
0x14d: {  	[tilespmem:s16], [sflag:$0x1] =	stream.linear.gather [hbm4b:s20+s18], $0x6000, $0x38;
	[tilespmem:$0xC000] =	vst v63  }
0x14e: {  	_ =	swait.ge [sflag:s15], $0x6000  }
0x14f: {  	[sflag:s15] =	ssyncset.done $0x0  }
0x150: {  	s18 =	simm.s32 $0x0;
	[sflag:s15] =	ssyncadd.s32 $0xFFFFA000  }
0x151: {  	s19 =	simm.s32 $0x40;
	v0 =	vld [tilespmem:s18+$0x0]  }
.LBB2_30:
0x152: {  	p0 =	sne.s32 s19, $0x17FC0;
	v1 =	vld [tilespmem:s18+$0x6000];
	_ =	sdelay $0x2  }
.Ltmp14:
0x153: {  	(pc) =	sbr.rel @p0 .LBB2_30-.Ltmp14, $4  }
0x154: {  	_ = 	snop  }
0x155: {  	v1 =	vadd.f32 v0, v1  }
0x156: {  	s20 =	sshra.s32 s19, $0x2  }
0x157: {  	s19 =	sadd.s32 $0x40, s19;
	v0 =	vld [tilespmem:s20+$0x0];
	[tilespmem:s18+$0x6000] =	vst v1;
	s18 =	smov.u32 s20  }
0x158: {  	v1 =	vld [tilespmem:s18+$0x6000];
	_ =	sdelay $0x4  }
0x159: {  	s19 =	sld [smem:$0x7EE];
	v0 =	vadd.f32 v0, v1;
	_ =	sdelay $0x1  }
0x15a: {  	[tilespmem:s18+$0x6000] =	vst v0;
	s18 =	simm.s32 $0x0  }
0x15b: {  	[hbm4b:s19+s18] =	stream.linear.scatter [tilespmem:s16], [sflag:$0x1], $0x6000, $0x38;
	[tilespmem:$0xC000] =	vst v63  }
0x15c: {  	_ =	swait.ge [sflag:s15], $0x6000  }
0x15d: {  	s20 =	sld [smem:$0x7EF]  }
0x15e: {  	[sflag:s15] =	ssyncset.done $0x0  }
0x15f: {  	[sflag:s15] =	ssyncadd.s32 $0xFFFFA000  }
0x160: {  	[tilespmem:s16], [sflag:$0x1] =	stream.linear.gather [hbm4b:s20+s18], $0x6000, $0x38;
	[tilespmem:$0xC000] =	vst v63  }
0x161: {  	_ =	swait.ge [sflag:s15], $0x6000  }
0x162: {  	[sflag:s15] =	ssyncset.done $0x0  }
0x163: {  	s18 =	simm.s32 $0x0;
	[sflag:s15] =	ssyncadd.s32 $0xFFFFA000  }
0x164: {  	s19 =	simm.s32 $0x40;
	v0 =	vld [tilespmem:s18+$0x0]  }
.LBB2_32:
0x165: {  	p0 =	sne.s32 s19, $0x17FC0;
	v1 =	vld [tilespmem:s18+$0x6000];
	_ =	sdelay $0x2  }
.Ltmp15:
0x166: {  	(pc) =	sbr.rel @p0 .LBB2_32-.Ltmp15, $4  }
0x167: {  	_ = 	snop  }
0x168: {  	v1 =	vadd.f32 v0, v1  }
0x169: {  	s20 =	sshra.s32 s19, $0x2  }
0x16a: {  	s19 =	sadd.s32 $0x40, s19;
	v0 =	vld [tilespmem:s20+$0x0];
	[tilespmem:s18+$0x6000] =	vst v1;
	s18 =	smov.u32 s20  }
0x16b: {  	v1 =	vld [tilespmem:s18+$0x6000];
	_ =	sdelay $0x4  }
0x16c: {  	s19 =	sld [smem:$0x7F0];
	v0 =	vadd.f32 v0, v1;
	_ =	sdelay $0x1  }
0x16d: {  	[tilespmem:s18+$0x6000] =	vst v0;
	s18 =	simm.s32 $0x0  }
0x16e: {  	[hbm4b:s19+s18] =	stream.linear.scatter [tilespmem:s16], [sflag:$0x1], $0x6000, $0x38;
	[tilespmem:$0xC000] =	vst v63  }
0x16f: {  	_ =	swait.ge [sflag:s15], $0x6000  }
0x170: {  	s20 =	sld [smem:$0x7F1]  }
0x171: {  	[sflag:s15] =	ssyncset.done $0x0  }
0x172: {  	[sflag:s15] =	ssyncadd.s32 $0xFFFFA000  }
0x173: {  	[tilespmem:s18], [sflag:$0x1] =	stream.linear.gather [hbm4b:s20+s18], $0x6000, $0x38;
	[tilespmem:$0xC000] =	vst v63  }
0x174: {  	_ =	swait.ge [sflag:s15], $0x6000  }
0x175: {  	s20 =	sld [smem:$0x7F2]  }
0x176: {  	[sflag:s15] =	ssyncset.done $0x0  }
0x177: {  	[sflag:s15] =	ssyncadd.s32 $0xFFFFA000  }
0x178: {  	[tilespmem:s16], [sflag:$0x1] =	stream.linear.gather [hbm4b:s20+s18], $0x6000, $0x38;
	[tilespmem:$0xC000] =	vst v63  }
0x179: {  	_ =	swait.ge [sflag:s15], $0x6000  }
0x17a: {  	[sflag:s15] =	ssyncset.done $0x0  }
0x17b: {  	s18 =	simm.s32 $0x0;
	[sflag:s15] =	ssyncadd.s32 $0xFFFFA000  }
0x17c: {  	s19 =	simm.s32 $0x40;
	v0 =	vld [tilespmem:s18+$0x0]  }
.LBB2_34:
0x17d: {  	p0 =	sne.s32 s19, $0x17FC0;
	v1 =	vld [tilespmem:s18+$0x6000];
	_ =	sdelay $0x2  }
.Ltmp16:
0x17e: {  	(pc) =	sbr.rel @p0 .LBB2_34-.Ltmp16, $4  }
0x17f: {  	_ = 	snop  }
0x180: {  	v1 =	vadd.f32 v0, v1  }
0x181: {  	s20 =	sshra.s32 s19, $0x2  }
0x182: {  	s19 =	sadd.s32 $0x40, s19;
	v0 =	vld [tilespmem:s20+$0x0];
	[tilespmem:s18+$0x6000] =	vst v1;
	s18 =	smov.u32 s20  }
0x183: {  	v1 =	vld [tilespmem:s18+$0x6000];
	_ =	sdelay $0x4  }
0x184: {  	s19 =	sld [smem:$0x7F3];
	v0 =	vadd.f32 v0, v1;
	_ =	sdelay $0x1  }
0x185: {  	[tilespmem:s18+$0x6000] =	vst v0;
	s18 =	simm.s32 $0x0  }
0x186: {  	[hbm4b:s19+s18] =	stream.linear.scatter [tilespmem:s16], [sflag:$0x1], $0x6000, $0x38;
	[tilespmem:$0xC000] =	vst v63  }
0x187: {  	_ =	swait.ge [sflag:s15], $0x6000  }
0x188: {  	s20 =	sld [smem:$0x7F4]  }
0x189: {  	[sflag:s15] =	ssyncset.done $0x0  }
0x18a: {  	[sflag:s15] =	ssyncadd.s32 $0xFFFFA000  }
0x18b: {  	[tilespmem:s16], [sflag:$0x1] =	stream.linear.gather [hbm4b:s20+s18], $0x6000, $0x38;
	[tilespmem:$0xC000] =	vst v63  }
0x18c: {  	_ =	swait.ge [sflag:s15], $0x6000  }
0x18d: {  	[sflag:s15] =	ssyncset.done $0x0  }
0x18e: {  	s18 =	simm.s32 $0x0;
	[sflag:s15] =	ssyncadd.s32 $0xFFFFA000  }
0x18f: {  	s19 =	simm.s32 $0x40;
	v0 =	vld [tilespmem:s18+$0x0]  }
.LBB2_36:
0x190: {  	p0 =	sne.s32 s19, $0x17FC0;
	v1 =	vld [tilespmem:s18+$0x6000];
	_ =	sdelay $0x2  }
.Ltmp17:
0x191: {  	(pc) =	sbr.rel @p0 .LBB2_36-.Ltmp17, $4  }
0x192: {  	_ = 	snop  }
0x193: {  	v1 =	vadd.f32 v0, v1  }
0x194: {  	s20 =	sshra.s32 s19, $0x2  }
0x195: {  	s19 =	sadd.s32 $0x40, s19;
	v0 =	vld [tilespmem:s20+$0x0];
	[tilespmem:s18+$0x6000] =	vst v1;
	s18 =	smov.u32 s20  }
0x196: {  	v1 =	vld [tilespmem:s18+$0x6000];
	_ =	sdelay $0x4  }
0x197: {  	s19 =	sld [smem:$0x7F5];
	v0 =	vadd.f32 v0, v1;
	_ =	sdelay $0x1  }
0x198: {  	[tilespmem:s18+$0x6000] =	vst v0;
	s18 =	simm.s32 $0x0  }
0x199: {  	[hbm4b:s19+s18] =	stream.linear.scatter [tilespmem:s16], [sflag:$0x1], $0x6000, $0x38;
	[tilespmem:$0xC000] =	vst v63  }
0x19a: {  	_ =	swait.ge [sflag:s15], $0x6000  }
0x19b: {  	s20 =	sld [smem:$0x7F6]  }
0x19c: {  	[sflag:s15] =	ssyncset.done $0x0  }
0x19d: {  	[sflag:s15] =	ssyncadd.s32 $0xFFFFA000  }
0x19e: {  	[tilespmem:s16], [sflag:$0x1] =	stream.linear.gather [hbm4b:s20+s18], $0x6000, $0x38;
	[tilespmem:$0xC000] =	vst v63  }
0x19f: {  	_ =	swait.ge [sflag:s15], $0x6000  }
0x1a0: {  	[sflag:s15] =	ssyncset.done $0x0  }
0x1a1: {  	s18 =	simm.s32 $0x0;
	[sflag:s15] =	ssyncadd.s32 $0xFFFFA000  }
0x1a2: {  	s19 =	simm.s32 $0x40;
	v0 =	vld [tilespmem:s18+$0x0]  }
.LBB2_38:
0x1a3: {  	p0 =	sne.s32 s19, $0x17FC0;
	v1 =	vld [tilespmem:s18+$0x6000];
	_ =	sdelay $0x2  }
.Ltmp18:
0x1a4: {  	(pc) =	sbr.rel @p0 .LBB2_38-.Ltmp18, $4  }
0x1a5: {  	_ = 	snop  }
0x1a6: {  	v1 =	vadd.f32 v0, v1  }
0x1a7: {  	s20 =	sshra.s32 s19, $0x2  }
0x1a8: {  	s19 =	sadd.s32 $0x40, s19;
	v0 =	vld [tilespmem:s20+$0x0];
	[tilespmem:s18+$0x6000] =	vst v1;
	s18 =	smov.u32 s20  }
0x1a9: {  	v1 =	vld [tilespmem:s18+$0x6000];
	_ =	sdelay $0x4  }
0x1aa: {  	s19 =	sld [smem:$0x7F7];
	v0 =	vadd.f32 v0, v1;
	_ =	sdelay $0x1  }
0x1ab: {  	[tilespmem:s18+$0x6000] =	vst v0;
	s18 =	simm.s32 $0x0  }
0x1ac: {  	[hbm4b:s19+s18] =	stream.linear.scatter [tilespmem:s16], [sflag:$0x1], $0x6000, $0x38;
	[tilespmem:$0xC000] =	vst v63  }
0x1ad: {  	_ =	swait.ge [sflag:s15], $0x6000  }
0x1ae: {  	s20 =	sld [smem:$0x7F8]  }
0x1af: {  	[sflag:s15] =	ssyncset.done $0x0  }
0x1b0: {  	[sflag:s15] =	ssyncadd.s32 $0xFFFFA000  }
0x1b1: {  	[tilespmem:s16], [sflag:$0x1] =	stream.linear.gather [hbm4b:s20+s18], $0x6000, $0x38;
	[tilespmem:$0xC000] =	vst v63  }
0x1b2: {  	_ =	swait.ge [sflag:s15], $0x6000  }
0x1b3: {  	[sflag:s15] =	ssyncset.done $0x0  }
0x1b4: {  	s18 =	simm.s32 $0x0;
	[sflag:s15] =	ssyncadd.s32 $0xFFFFA000  }
0x1b5: {  	s19 =	simm.s32 $0x40;
	v0 =	vld [tilespmem:s18+$0x0]  }
.LBB2_40:
0x1b6: {  	p0 =	sne.s32 s19, $0x17FC0;
	v1 =	vld [tilespmem:s18+$0x6000];
	_ =	sdelay $0x2  }
.Ltmp19:
0x1b7: {  	(pc) =	sbr.rel @p0 .LBB2_40-.Ltmp19, $4  }
0x1b8: {  	_ = 	snop  }
0x1b9: {  	v1 =	vadd.f32 v0, v1  }
0x1ba: {  	s20 =	sshra.s32 s19, $0x2  }
0x1bb: {  	s19 =	sadd.s32 $0x40, s19;
	v0 =	vld [tilespmem:s20+$0x0];
	[tilespmem:s18+$0x6000] =	vst v1;
	s18 =	smov.u32 s20  }
0x1bc: {  	v1 =	vld [tilespmem:s18+$0x6000];
	_ =	sdelay $0x4  }
0x1bd: {  	s19 =	sld [smem:$0x7F9];
	v0 =	vadd.f32 v0, v1;
	_ =	sdelay $0x1  }
0x1be: {  	[tilespmem:s18+$0x6000] =	vst v0;
	s18 =	simm.s32 $0x0  }
0x1bf: {  	[hbm4b:s19+s18] =	stream.linear.scatter [tilespmem:s16], [sflag:$0x1], $0x6000, $0x38;
	[tilespmem:$0xC000] =	vst v63  }
0x1c0: {  	_ =	swait.ge [sflag:s15], $0x6000  }
0x1c1: {  	s20 =	sld [smem:$0x7FA]  }
0x1c2: {  	[sflag:s15] =	ssyncset.done $0x0  }
0x1c3: {  	[sflag:s15] =	ssyncadd.s32 $0xFFFFA000  }
0x1c4: {  	[tilespmem:s18], [sflag:$0x1] =	stream.linear.gather [hbm4b:s20+s18], $0x6000, $0x38;
	[tilespmem:$0xC000] =	vst v63  }
0x1c5: {  	_ =	swait.ge [sflag:s15], $0x6000  }
0x1c6: {  	s20 =	sld [smem:$0x7FB]  }
0x1c7: {  	[sflag:s15] =	ssyncset.done $0x0  }
0x1c8: {  	[sflag:s15] =	ssyncadd.s32 $0xFFFFA000  }
0x1c9: {  	[tilespmem:s16], [sflag:$0x1] =	stream.linear.gather [hbm4b:s20+s18], $0x6000, $0x38;
	[tilespmem:$0xC000] =	vst v63  }
0x1ca: {  	_ =	swait.ge [sflag:s15], $0x6000  }
0x1cb: {  	[sflag:s15] =	ssyncset.done $0x0  }
0x1cc: {  	s18 =	simm.s32 $0x0;
	[sflag:s15] =	ssyncadd.s32 $0xFFFFA000  }
0x1cd: {  	s19 =	simm.s32 $0x40;
	v0 =	vld [tilespmem:s18+$0x0]  }
.LBB2_42:
0x1ce: {  	p0 =	sne.s32 s19, $0x17FC0;
	v1 =	vld [tilespmem:s18+$0x6000];
	_ =	sdelay $0x2  }
.Ltmp20:
0x1cf: {  	(pc) =	sbr.rel @p0 .LBB2_42-.Ltmp20, $4  }
0x1d0: {  	_ = 	snop  }
0x1d1: {  	v1 =	vadd.f32 v0, v1  }
0x1d2: {  	s20 =	sshra.s32 s19, $0x2  }
0x1d3: {  	s19 =	sadd.s32 $0x40, s19;
	v0 =	vld [tilespmem:s20+$0x0];
	[tilespmem:s18+$0x6000] =	vst v1;
	s18 =	smov.u32 s20  }
0x1d4: {  	v1 =	vld [tilespmem:s18+$0x6000];
	_ =	sdelay $0x4  }
0x1d5: {  	s19 =	sld [smem:$0x7FC];
	v0 =	vadd.f32 v0, v1;
	_ =	sdelay $0x1  }
0x1d6: {  	[tilespmem:s18+$0x6000] =	vst v0;
	s18 =	simm.s32 $0x0  }
0x1d7: {  	[hbm4b:s19+s18] =	stream.linear.scatter [tilespmem:s16], [sflag:$0x1], $0x6000, $0x38;
	[tilespmem:$0xC000] =	vst v63  }
0x1d8: {  	_ =	swait.ge [sflag:s15], $0x6000  }
0x1d9: {  	s20 =	sld [smem:$0x7FD]  }
0x1da: {  	[sflag:s15] =	ssyncset.done $0x0  }
0x1db: {  	[sflag:s15] =	ssyncadd.s32 $0xFFFFA000  }
0x1dc: {  	[tilespmem:s16], [sflag:$0x1] =	stream.linear.gather [hbm4b:s20+s18], $0x6000, $0x38;
	[tilespmem:$0xC000] =	vst v63  }
0x1dd: {  	_ =	swait.ge [sflag:s15], $0x6000  }
0x1de: {  	[sflag:s15] =	ssyncset.done $0x0  }
0x1df: {  	s18 =	simm.s32 $0x0;
	[sflag:s15] =	ssyncadd.s32 $0xFFFFA000  }
0x1e0: {  	s19 =	simm.s32 $0x40;
	v0 =	vld [tilespmem:s18+$0x0]  }
.LBB2_44:
0x1e1: {  	p0 =	sne.s32 s19, $0x17FC0;
	v1 =	vld [tilespmem:s18+$0x6000];
	_ =	sdelay $0x2  }
.Ltmp21:
0x1e2: {  	(pc) =	sbr.rel @p0 .LBB2_44-.Ltmp21, $4  }
0x1e3: {  	_ = 	snop  }
0x1e4: {  	v1 =	vadd.f32 v0, v1  }
0x1e5: {  	s20 =	sshra.s32 s19, $0x2  }
0x1e6: {  	s19 =	sadd.s32 $0x40, s19;
	v0 =	vld [tilespmem:s20+$0x0];
	[tilespmem:s18+$0x6000] =	vst v1;
	s18 =	smov.u32 s20  }
0x1e7: {  	v1 =	vld [tilespmem:s18+$0x6000];
	_ =	sdelay $0x4  }
0x1e8: {  	v0 =	vadd.f32 v0, v1;
	_ =	sdelay $0x1  }
0x1e9: {  	s20 =	simm.s32 $0x0;
	[tilespmem:s18+$0x6000] =	vst v0  }
0x1ea: {  	[hbm4b:s21+s20] =	stream.linear.scatter [tilespmem:s16], [sflag:$0x1], $0x6000, $0x38;
	[tilespmem:$0xC000] =	vst v63  }
0x1eb: {  	_ =	swait.ge [sflag:s15], $0x6000  }
0x1ec: {  	[sflag:s15] =	ssyncset.done $0x0  }
0x1ed: {  	[sflag:s15] =	ssyncadd.s32 $0xFFFFA000  }
0x1ee: {  	[tilespmem:s16], [sflag:$0x1] =	stream.linear.gather [hbm4b:s22+s20], $0x6000, $0x38;
	[tilespmem:$0xC000] =	vst v63  }
0x1ef: {  	_ =	swait.ge [sflag:s15], $0x6000  }
0x1f0: {  	[sflag:s15] =	ssyncset.done $0x0  }
0x1f1: {  	s18 =	simm.s32 $0x0;
	[sflag:s15] =	ssyncadd.s32 $0xFFFFA000  }
0x1f2: {  	s19 =	simm.s32 $0x40;
	v0 =	vld [tilespmem:s18+$0x0]  }
.LBB2_46:
0x1f3: {  	p0 =	sne.s32 s19, $0x17FC0;
	v1 =	vld [tilespmem:s18+$0x6000];
	_ =	sdelay $0x2  }
.Ltmp22:
0x1f4: {  	(pc) =	sbr.rel @p0 .LBB2_46-.Ltmp22, $4  }
0x1f5: {  	_ = 	snop  }
0x1f6: {  	v1 =	vadd.f32 v0, v1  }
0x1f7: {  	s20 =	sshra.s32 s19, $0x2  }
0x1f8: {  	s19 =	sadd.s32 $0x40, s19;
	v0 =	vld [tilespmem:s20+$0x0];
	[tilespmem:s18+$0x6000] =	vst v1;
	s18 =	smov.u32 s20  }
0x1f9: {  	v1 =	vld [tilespmem:s18+$0x6000];
	_ =	sdelay $0x4  }
0x1fa: {  	v0 =	vadd.f32 v0, v1;
	_ =	sdelay $0x1  }
0x1fb: {  	s20 =	simm.s32 $0x0;
	[tilespmem:s18+$0x6000] =	vst v0  }
0x1fc: {  	[hbm4b:s23+s20] =	stream.linear.scatter [tilespmem:s16], [sflag:$0x1], $0x6000, $0x38;
	[tilespmem:$0xC000] =	vst v63  }
0x1fd: {  	_ =	swait.ge [sflag:s15], $0x6000  }
0x1fe: {  	[sflag:s15] =	ssyncset.done $0x0  }
0x1ff: {  	[sflag:s15] =	ssyncadd.s32 $0xFFFFA000  }
0x200: {  	[tilespmem:s16], [sflag:$0x1] =	stream.linear.gather [hbm4b:s24+s20], $0x6000, $0x38;
	[tilespmem:$0xC000] =	vst v63  }
0x201: {  	_ =	swait.ge [sflag:s15], $0x6000  }
0x202: {  	[sflag:s15] =	ssyncset.done $0x0  }
0x203: {  	s18 =	simm.s32 $0x0;
	[sflag:s15] =	ssyncadd.s32 $0xFFFFA000  }
0x204: {  	s19 =	simm.s32 $0x40;
	v0 =	vld [tilespmem:s18+$0x0]  }
.LBB2_48:
0x205: {  	p0 =	sne.s32 s19, $0x17FC0;
	v1 =	vld [tilespmem:s18+$0x6000];
	_ =	sdelay $0x2  }
.Ltmp23:
0x206: {  	(pc) =	sbr.rel @p0 .LBB2_48-.Ltmp23, $4  }
0x207: {  	_ = 	snop  }
0x208: {  	v1 =	vadd.f32 v0, v1  }
0x209: {  	s20 =	sshra.s32 s19, $0x2  }
0x20a: {  	s19 =	sadd.s32 $0x40, s19;
	v0 =	vld [tilespmem:s20+$0x0];
	[tilespmem:s18+$0x6000] =	vst v1;
	s18 =	smov.u32 s20  }
0x20b: {  	v1 =	vld [tilespmem:s18+$0x6000];
	_ =	sdelay $0x4  }
0x20c: {  	v0 =	vadd.f32 v0, v1;
	_ =	sdelay $0x1  }
0x20d: {  	s20 =	simm.s32 $0x0;
	[tilespmem:s18+$0x6000] =	vst v0  }
0x20e: {  	[hbm4b:s25+s20] =	stream.linear.scatter [tilespmem:s16], [sflag:$0x1], $0x6000, $0x38;
	[tilespmem:$0xC000] =	vst v63  }
0x20f: {  	_ =	swait.ge [sflag:s15], $0x6000  }
0x210: {  	[sflag:s15] =	ssyncset.done $0x0  }
0x211: {  	[sflag:s15] =	ssyncadd.s32 $0xFFFFA000  }
0x212: {  	[tilespmem:s20], [sflag:$0x1] =	stream.linear.gather [hbm4b:s26+s20], $0x6000, $0x38;
	[tilespmem:$0xC000] =	vst v63  }
0x213: {  	_ =	swait.ge [sflag:s15], $0x6000  }
0x214: {  	[sflag:s15] =	ssyncset.done $0x0  }
0x215: {  	[sflag:s15] =	ssyncadd.s32 $0xFFFFA000  }
0x216: {  	[tilespmem:s16], [sflag:$0x1] =	stream.linear.gather [hbm4b:s28+s20], $0x6000, $0x38;
	[tilespmem:$0xC000] =	vst v63  }
0x217: {  	_ =	swait.ge [sflag:s15], $0x6000  }
0x218: {  	[sflag:s15] =	ssyncset.done $0x0  }
0x219: {  	s18 =	simm.s32 $0x0;
	[sflag:s15] =	ssyncadd.s32 $0xFFFFA000  }
0x21a: {  	s19 =	simm.s32 $0x40;
	v0 =	vld [tilespmem:s18+$0x0]  }
.LBB2_50:
0x21b: {  	p0 =	sne.s32 s19, $0x17FC0;
	v1 =	vld [tilespmem:s18+$0x6000];
	_ =	sdelay $0x2  }
.Ltmp24:
0x21c: {  	(pc) =	sbr.rel @p0 .LBB2_50-.Ltmp24, $4  }
0x21d: {  	_ = 	snop  }
0x21e: {  	v1 =	vadd.f32 v0, v1  }
0x21f: {  	s20 =	sshra.s32 s19, $0x2  }
0x220: {  	s19 =	sadd.s32 $0x40, s19;
	v0 =	vld [tilespmem:s20+$0x0];
	[tilespmem:s18+$0x6000] =	vst v1;
	s18 =	smov.u32 s20  }
0x221: {  	v1 =	vld [tilespmem:s18+$0x6000];
	_ =	sdelay $0x4  }
0x222: {  	v0 =	vadd.f32 v0, v1;
	_ =	sdelay $0x1  }
0x223: {  	s20 =	simm.s32 $0x0;
	[tilespmem:s18+$0x6000] =	vst v0  }
0x224: {  	[hbm4b:s29+s20] =	stream.linear.scatter [tilespmem:s16], [sflag:$0x1], $0x6000, $0x38;
	[tilespmem:$0xC000] =	vst v63  }
0x225: {  	_ =	swait.ge [sflag:s15], $0x6000  }
0x226: {  	[sflag:s15] =	ssyncset.done $0x0  }
0x227: {  	[sflag:s15] =	ssyncadd.s32 $0xFFFFA000  }
0x228: {  	[tilespmem:s16], [sflag:$0x1] =	stream.linear.gather [hbm4b:s30+s20], $0x6000, $0x38;
	[tilespmem:$0xC000] =	vst v63  }
0x229: {  	_ =	swait.ge [sflag:s15], $0x6000  }
0x22a: {  	[sflag:s15] =	ssyncset.done $0x0  }
0x22b: {  	s18 =	simm.s32 $0x0;
	[sflag:s15] =	ssyncadd.s32 $0xFFFFA000  }
0x22c: {  	s19 =	simm.s32 $0x40;
	v0 =	vld [tilespmem:s18+$0x0]  }
.LBB2_52:
0x22d: {  	p0 =	sne.s32 s19, $0x17FC0;
	v1 =	vld [tilespmem:s18+$0x6000];
	_ =	sdelay $0x2  }
.Ltmp25:
0x22e: {  	(pc) =	sbr.rel @p0 .LBB2_52-.Ltmp25, $4  }
0x22f: {  	_ = 	snop  }
0x230: {  	v1 =	vadd.f32 v0, v1  }
0x231: {  	s20 =	sshra.s32 s19, $0x2  }
0x232: {  	s19 =	sadd.s32 $0x40, s19;
	v0 =	vld [tilespmem:s20+$0x0];
	[tilespmem:s18+$0x6000] =	vst v1;
	s18 =	smov.u32 s20  }
0x233: {  	v1 =	vld [tilespmem:s18+$0x6000];
	_ =	sdelay $0x4  }
0x234: {  	v0 =	vadd.f32 v0, v1;
	_ =	sdelay $0x1  }
0x235: {  	s20 =	simm.s32 $0x0;
	[tilespmem:s18+$0x6000] =	vst v0  }
0x236: {  	[hbm4b:s31+s20] =	stream.linear.scatter [tilespmem:s16], [sflag:$0x1], $0x6000, $0x38;
	[tilespmem:$0xC000] =	vst v63  }
0x237: {  	_ =	swait.ge [sflag:s15], $0x6000  }
0x238: {  	[sflag:s15] =	ssyncset.done $0x0  }
0x239: {  	[sflag:s15] =	ssyncadd.s32 $0xFFFFA000  }
0x23a: {  	[tilespmem:s16], [sflag:$0x1] =	stream.linear.gather [hbm4b:s0+s20], $0x6000, $0x38;
	[tilespmem:$0xC000] =	vst v63  }
0x23b: {  	_ =	swait.ge [sflag:s15], $0x6000  }
0x23c: {  	[sflag:s15] =	ssyncset.done $0x0  }
0x23d: {  	s18 =	simm.s32 $0x0;
	[sflag:s15] =	ssyncadd.s32 $0xFFFFA000  }
0x23e: {  	s19 =	simm.s32 $0x40;
	v0 =	vld [tilespmem:s18+$0x0]  }
.LBB2_54:
0x23f: {  	p0 =	sne.s32 s19, $0x17FC0;
	v1 =	vld [tilespmem:s18+$0x6000];
	_ =	sdelay $0x2  }
.Ltmp26:
0x240: {  	(pc) =	sbr.rel @p0 .LBB2_54-.Ltmp26, $4  }
0x241: {  	_ = 	snop  }
0x242: {  	v1 =	vadd.f32 v0, v1  }
0x243: {  	s20 =	sshra.s32 s19, $0x2  }
0x244: {  	s19 =	sadd.s32 $0x40, s19;
	v0 =	vld [tilespmem:s20+$0x0];
	[tilespmem:s18+$0x6000] =	vst v1;
	s18 =	smov.u32 s20  }
0x245: {  	v1 =	vld [tilespmem:s18+$0x6000];
	_ =	sdelay $0x4  }
0x246: {  	v0 =	vadd.f32 v0, v1;
	_ =	sdelay $0x1  }
0x247: {  	s20 =	simm.s32 $0x0;
	[tilespmem:s18+$0x6000] =	vst v0  }
0x248: {  	[hbm4b:s2+s20] =	stream.linear.scatter [tilespmem:s16], [sflag:$0x1], $0x6000, $0x38;
	[tilespmem:$0xC000] =	vst v63  }
0x249: {  	_ =	swait.ge [sflag:s15], $0x6000  }
0x24a: {  	[sflag:s15] =	ssyncset.done $0x0  }
0x24b: {  	[sflag:s15] =	ssyncadd.s32 $0xFFFFA000  }
0x24c: {  	[tilespmem:s16], [sflag:$0x1] =	stream.linear.gather [hbm4b:s3+s20], $0x6000, $0x38;
	[tilespmem:$0xC000] =	vst v63  }
0x24d: {  	_ =	swait.ge [sflag:s15], $0x6000  }
0x24e: {  	[sflag:s15] =	ssyncset.done $0x0  }
0x24f: {  	s18 =	simm.s32 $0x0;
	[sflag:s15] =	ssyncadd.s32 $0xFFFFA000  }
0x250: {  	s19 =	simm.s32 $0x40;
	v0 =	vld [tilespmem:s18+$0x0]  }
.LBB2_56:
0x251: {  	p0 =	sne.s32 s19, $0x17FC0;
	v1 =	vld [tilespmem:s18+$0x6000];
	_ =	sdelay $0x2  }
.Ltmp27:
0x252: {  	(pc) =	sbr.rel @p0 .LBB2_56-.Ltmp27, $4  }
0x253: {  	_ = 	snop  }
0x254: {  	v1 =	vadd.f32 v0, v1  }
0x255: {  	s20 =	sshra.s32 s19, $0x2  }
0x256: {  	s19 =	sadd.s32 $0x40, s19;
	v0 =	vld [tilespmem:s20+$0x0];
	[tilespmem:s18+$0x6000] =	vst v1;
	s18 =	smov.u32 s20  }
0x257: {  	v1 =	vld [tilespmem:s18+$0x6000];
	_ =	sdelay $0x4  }
0x258: {  	v0 =	vadd.f32 v0, v1;
	_ =	sdelay $0x1  }
0x259: {  	s20 =	simm.s32 $0x0;
	[tilespmem:s18+$0x6000] =	vst v0  }
0x25a: {  	[hbm4b:s4+s20] =	stream.linear.scatter [tilespmem:s16], [sflag:$0x1], $0x6000, $0x38;
	[tilespmem:$0xC000] =	vst v63  }
0x25b: {  	_ =	swait.ge [sflag:s15], $0x6000  }
0x25c: {  	[sflag:s15] =	ssyncset.done $0x0  }
0x25d: {  	[sflag:s15] =	ssyncadd.s32 $0xFFFFA000  }
0x25e: {  	[tilespmem:s20], [sflag:$0x1] =	stream.linear.gather [hbm4b:s5+s20], $0x6000, $0x38;
	[tilespmem:$0xC000] =	vst v63  }
0x25f: {  	_ =	swait.ge [sflag:s15], $0x6000  }
0x260: {  	[sflag:s15] =	ssyncset.done $0x0  }
0x261: {  	[sflag:s15] =	ssyncadd.s32 $0xFFFFA000  }
0x262: {  	[tilespmem:s16], [sflag:$0x1] =	stream.linear.gather [hbm4b:s6+s20], $0x6000, $0x38;
	[tilespmem:$0xC000] =	vst v63  }
0x263: {  	_ =	swait.ge [sflag:s15], $0x6000  }
0x264: {  	[sflag:s15] =	ssyncset.done $0x0  }
0x265: {  	s18 =	simm.s32 $0x0;
	[sflag:s15] =	ssyncadd.s32 $0xFFFFA000  }
0x266: {  	s19 =	simm.s32 $0x40;
	v0 =	vld [tilespmem:s18+$0x0]  }
.LBB2_58:
0x267: {  	p0 =	sne.s32 s19, $0x17FC0;
	v1 =	vld [tilespmem:s18+$0x6000];
	_ =	sdelay $0x2  }
.Ltmp28:
0x268: {  	(pc) =	sbr.rel @p0 .LBB2_58-.Ltmp28, $4  }
0x269: {  	_ = 	snop  }
0x26a: {  	v1 =	vadd.f32 v0, v1  }
0x26b: {  	s20 =	sshra.s32 s19, $0x2  }
0x26c: {  	s19 =	sadd.s32 $0x40, s19;
	v0 =	vld [tilespmem:s20+$0x0];
	[tilespmem:s18+$0x6000] =	vst v1;
	s18 =	smov.u32 s20  }
0x26d: {  	v1 =	vld [tilespmem:s18+$0x6000];
	_ =	sdelay $0x4  }
0x26e: {  	v0 =	vadd.f32 v0, v1;
	_ =	sdelay $0x1  }
0x26f: {  	s20 =	simm.s32 $0x0;
	[tilespmem:s18+$0x6000] =	vst v0  }
0x270: {  	[hbm4b:s7+s20] =	stream.linear.scatter [tilespmem:s16], [sflag:$0x1], $0x6000, $0x38;
	[tilespmem:$0xC000] =	vst v63  }
0x271: {  	_ =	swait.ge [sflag:s15], $0x6000  }
0x272: {  	[sflag:s15] =	ssyncset.done $0x0  }
0x273: {  	[sflag:s15] =	ssyncadd.s32 $0xFFFFA000  }
0x274: {  	[tilespmem:s16], [sflag:$0x1] =	stream.linear.gather [hbm4b:s8+s20], $0x6000, $0x38;
	[tilespmem:$0xC000] =	vst v63  }
0x275: {  	_ =	swait.ge [sflag:s15], $0x6000  }
0x276: {  	[sflag:s15] =	ssyncset.done $0x0  }
0x277: {  	s18 =	simm.s32 $0x0;
	[sflag:s15] =	ssyncadd.s32 $0xFFFFA000  }
0x278: {  	s19 =	simm.s32 $0x40;
	v0 =	vld [tilespmem:s18+$0x0]  }
.LBB2_60:
0x279: {  	p0 =	sne.s32 s19, $0x17FC0;
	v1 =	vld [tilespmem:s18+$0x6000];
	_ =	sdelay $0x2  }
.Ltmp29:
0x27a: {  	(pc) =	sbr.rel @p0 .LBB2_60-.Ltmp29, $4  }
0x27b: {  	_ = 	snop  }
0x27c: {  	v1 =	vadd.f32 v0, v1  }
0x27d: {  	s20 =	sshra.s32 s19, $0x2  }
0x27e: {  	s19 =	sadd.s32 $0x40, s19;
	v0 =	vld [tilespmem:s20+$0x0];
	[tilespmem:s18+$0x6000] =	vst v1;
	s18 =	smov.u32 s20  }
0x27f: {  	v1 =	vld [tilespmem:s18+$0x6000];
	_ =	sdelay $0x4  }
0x280: {  	v0 =	vadd.f32 v0, v1;
	_ =	sdelay $0x1  }
0x281: {  	s20 =	simm.s32 $0x0;
	[tilespmem:s18+$0x6000] =	vst v0  }
0x282: {  	[hbm4b:s9+s20] =	stream.linear.scatter [tilespmem:s16], [sflag:$0x1], $0x6000, $0x38;
	[tilespmem:$0xC000] =	vst v63  }
0x283: {  	_ =	swait.ge [sflag:s15], $0x6000  }
0x284: {  	[sflag:s15] =	ssyncset.done $0x0  }
0x285: {  	[sflag:s15] =	ssyncadd.s32 $0xFFFFA000  }
0x286: {  	[tilespmem:s16], [sflag:$0x1] =	stream.linear.gather [hbm4b:s10+s20], $0x6000, $0x38;
	[tilespmem:$0xC000] =	vst v63  }
0x287: {  	_ =	swait.ge [sflag:s15], $0x6000  }
0x288: {  	[sflag:s15] =	ssyncset.done $0x0  }
0x289: {  	s18 =	simm.s32 $0x0;
	[sflag:s15] =	ssyncadd.s32 $0xFFFFA000  }
0x28a: {  	s19 =	simm.s32 $0x40;
	v0 =	vld [tilespmem:s18+$0x0]  }
.LBB2_62:
0x28b: {  	p0 =	sne.s32 s19, $0x17FC0;
	v1 =	vld [tilespmem:s18+$0x6000];
	_ =	sdelay $0x2  }
.Ltmp30:
0x28c: {  	(pc) =	sbr.rel @p0 .LBB2_62-.Ltmp30, $4  }
0x28d: {  	_ = 	snop  }
0x28e: {  	v1 =	vadd.f32 v0, v1  }
0x28f: {  	s20 =	sshra.s32 s19, $0x2  }
0x290: {  	s19 =	sadd.s32 $0x40, s19;
	v0 =	vld [tilespmem:s20+$0x0];
	[tilespmem:s18+$0x6000] =	vst v1;
	s18 =	smov.u32 s20  }
0x291: {  	v1 =	vld [tilespmem:s18+$0x6000];
	_ =	sdelay $0x4  }
0x292: {  	v0 =	vadd.f32 v0, v1;
	_ =	sdelay $0x1  }
0x293: {  	s20 =	simm.s32 $0x0;
	[tilespmem:s18+$0x6000] =	vst v0  }
0x294: {  	[hbm4b:s11+s20] =	stream.linear.scatter [tilespmem:s16], [sflag:$0x1], $0x6000, $0x38;
	[tilespmem:$0xC000] =	vst v63  }
0x295: {  	_ =	swait.ge [sflag:s15], $0x6000  }
0x296: {  	[sflag:s15] =	ssyncset.done $0x0  }
0x297: {  	[sflag:s15] =	ssyncadd.s32 $0xFFFFA000  }
0x298: {  	[tilespmem:s16], [sflag:$0x1] =	stream.linear.gather [hbm4b:s12+s20], $0x6000, $0x38;
	[tilespmem:$0xC000] =	vst v63  }
0x299: {  	_ =	swait.ge [sflag:s15], $0x6000  }
0x29a: {  	[sflag:s15] =	ssyncset.done $0x0  }
0x29b: {  	s18 =	simm.s32 $0x0;
	[sflag:s15] =	ssyncadd.s32 $0xFFFFA000  }
0x29c: {  	s19 =	simm.s32 $0x40;
	v0 =	vld [tilespmem:s18+$0x0]  }
.LBB2_64:
0x29d: {  	p0 =	sne.s32 s19, $0x17FC0;
	v1 =	vld [tilespmem:s18+$0x6000];
	_ =	sdelay $0x2  }
.Ltmp31:
0x29e: {  	(pc) =	sbr.rel @p0 .LBB2_64-.Ltmp31, $4  }
0x29f: {  	_ = 	snop  }
0x2a0: {  	v1 =	vadd.f32 v0, v1  }
0x2a1: {  	s20 =	sshra.s32 s19, $0x2  }
0x2a2: {  	s19 =	sadd.s32 $0x40, s19;
	v0 =	vld [tilespmem:s20+$0x0];
	[tilespmem:s18+$0x6000] =	vst v1;
	s18 =	smov.u32 s20  }
0x2a3: {  	v1 =	vld [tilespmem:s18+$0x6000];
	_ =	sdelay $0x4  }
0x2a4: {  	s17 =	sadd.s32 $0x1, s17;
	v0 =	vadd.f32 v0, v1  }
0x2a5: {  	p0 =	sne.s32 s17, s14  }
.Ltmp32:
0x2a6: {  	[tilespmem:s18+$0x6000] =	vst v0;
	(pc) =	sbr.rel @p0 .LBB2_1-.Ltmp32, $4  }
0x2a7: {  	[hbm4b:s13+s1] =	stream.linear.scatter [tilespmem:s16], [sflag:$0x1], $0x6000, $0x38;
	[tilespmem:$0xC000] =	vst v63  }
0x2a8: {  	_ =	swait.ge [sflag:s15], $0x6000  }
0x2a9: {  	[sflag:s15] =	ssyncset.done $0x0  }
0x2aa: {  	[sflag:s15] =	ssyncadd.s32 $0xFFFFA000  }
0x2ab: {  	_ =	sfence.sel $0x180000  }
0x2ac: {  	[bflag:$0x0] =	sbarrier.arrive $0xFFFF  }
0x2ad: {  	_ =	strace $0x90000047  }
0x2ae: {  	s0 =	stileid.u32;
	[bflag:$0x2] =	sbarrier.arrive $0xFFFF  }
0x2af: {  	p0 =	sne.s32 s0, $0x0;
	s0 =	rddreg [dreg:$0x3]  }
0x2b0: {  	s0 =	sadd.s32 @!p0 $0x100000, s0  }
0x2b1: {  	[sflag:s0] =	ssyncadd.tile.s32 @!p0 $0x1;
	_ =	shalt  }
.Lfunc_end2:
_tile_overlayer_lowered:
.L_overlay_start_2:
0x2b2: {  	(tag) =	ssettag $0x2  }
0x2b3: {  	s0 =	rddreg [dreg:$0x0];
	s2 =	stileid.u32  }
0x2b4: {  	s1 =	rddreg [dreg:$0x1];
	p0 =	sne.s32 s2, $0x0  }
0x2b5: {  	s3 =	rddreg [dreg:$0x2];
	[bflag:$0x3] =	sbarrier.arrive $0xFFFF;
	s2 =	simm.s32 @!p0 $0x1C01  }
0x2b6: {  	[timem:s3], [sflag:s2] =	dma.local @!p0 [hbm:s0], s1  }
0x2b7: {  	s0 =	simm.s32 @!p0 $0x1  }
0x2b8: {  	_ =	swait.ge @!p0 [sflag:s0], s1  }
0x2b9: {  	s1 =	ssub.s32 @!p0 $0x0, s1;
	[sflag:s0] =	ssyncset.done @!p0 $0x0  }
0x2ba: {  	[sflag:s0] =	ssyncadd.s32 @!p0 s1  }
0x2bb: {  	[bflag:$0x3] =	sbarrier.arrive $0xFFFF  }
0x2bc: {  	_ =	shalt  }

</sc_bundles>
